<compile_context>
chip_gen: v7x
topology: tpu7x:2x2x1
jax: 0.10.2.dev20260603
libtpu: 0.0.44.dev20260713+nightly
codegen_flags: <defaults>
</compile_context>

<pallas_src>
import functools

import jax
import jax.numpy as jnp
from jax import lax
from jax.experimental import pallas as pl
from jax.experimental.pallas import tpu as pltpu
from jax.experimental.pallas import tpu_sc as plsc

FIELDS = 26
VOCAB = 100000
BATCH = 16384
EMB = 16
D = FIELDS * EMB
H1 = 64
H2 = 32
EPS = 1e-5

NIDX = BATCH * FIELDS
NW = 32
G = 128
PER_W = NIDX // NW
BPW = BATCH // NW
CH_G = 8
CH = CH_G * G
NCH = PER_W // CH

def _sc_body(tab2, tab1, xiT, deep_out, first_out,
             xi_v, idx2_v, idx1_v, rows_v, vals_v, acc_v, gsem, vsem):
    wid = lax.axis_index("s") * 2 + lax.axis_index("c")
    for i in range(FIELDS):
        pltpu.sync_copy(xiT.at[i, pl.ds(wid * BPW, BPW)],
                        xi_v.at[pl.ds(i * BPW, BPW)])
    lane = jnp.arange(16, dtype=jnp.int32)
    stride26 = lane * FIELDS
    for i in range(FIELDS):
        a2 = (i // 8) * (VC8 * 8) + (i % 8)
        a1 = i * VC8

        def grp(g, _, i=i, a2=a2, a1=a1):
            x = xi_v[pl.ds(i * BPW + g * 16, 16)]
            p = stride26 + (g * 16 * FIELDS + i)
            plsc.store_scatter(idx2_v, [p], x * 8 + a2)
            plsc.store_scatter(idx1_v, [p], x + a1)
            return 0

        lax.fori_loop(0, BPW // 16, grp, 0)

    def chunk(c, acc):
        rcopies = []
        vcopies = []
        for g in range(CH_G):
            row = c * CH_G + g
            rcopies.append(pltpu.make_async_copy(
                tab2.at[idx2_v.at[pl.ds(row * G, G)]],
                rows_v.at[pl.ds(g * G, G)], gsem))
            vcopies.append(pltpu.make_async_copy(
                tab1.at[idx1_v.at[pl.ds(row * G, G)]],
                vals_v.at[pl.ds(g * G, G)], vsem))
        for cp in rcopies:
            cp.start()
        for cp in vcopies:
            cp.start()
        for cp in rcopies:
            cp.wait()
        for cp in vcopies:
            cp.wait()
        pltpu.sync_copy(rows_v, deep_out.at[pl.ds(wid * PER_W + c * CH, CH)])

        def accum(j, a):
            return a + vals_v[pl.ds(j * 16, 16)]
        return lax.fori_loop(0, CH // 16, accum, acc)

    acc = lax.fori_loop(0, NCH, chunk, jnp.zeros((16,), jnp.float32))
    acc_v[...] = acc
    pltpu.sync_copy(acc_v, first_out.at[wid])


@functools.lru_cache(maxsize=None)
def _sc_gather():
    mesh = plsc.VectorSubcoreMesh(core_axis_name="c", subcore_axis_name="s")
    return pl.kernel(
        _sc_body,
        out_type=[
            jax.ShapeDtypeStruct((NIDX, EMB), jnp.float32),
            jax.ShapeDtypeStruct((NW, 16), jnp.float32),
        ],
        mesh=mesh,
        compiler_params=pltpu.CompilerParams(use_tc_tiling_on_sc=False,
                                             needs_layout_passes=False),
        scratch_types=[
            pltpu.VMEM((FIELDS * BPW,), jnp.int32),
            pltpu.VMEM((PER_W,), jnp.int32),
            pltpu.VMEM((PER_W,), jnp.int32),
            pltpu.VMEM((CH, EMB), jnp.float32),
            pltpu.VMEM((CH,), jnp.float32),
            pltpu.VMEM((16,), jnp.float32),
            pltpu.SemaphoreType.DMA,
            pltpu.SemaphoreType.DMA,
        ],
    )


TR_G = 4
TR_VC = 13312
TR_NC = 8
VC8 = TR_VC * TR_NC


def _tr_body(x_ref, x1_ref, o_ref, o1_ref):
    x = x_ref[...].reshape(8 * EMB, TR_VC)
    o_ref[...] = jnp.transpose(x)
    o1_ref[...] = x1_ref[...].reshape(8, 1, TR_VC // 128, 128)


def _tr_call(emb2t, emb1t):
    return pl.pallas_call(
        _tr_body,
        grid=(TR_G, TR_NC),
        in_specs=[
            pl.BlockSpec((8, EMB, TR_VC), lambda g, c: (g, 0, c)),
            pl.BlockSpec((8, 1, TR_VC), lambda g, c: (g, 0, c)),
        ],
        out_specs=[
            pl.BlockSpec((TR_VC, 128), lambda g, c: (g * TR_NC + c, 0)),
            pl.BlockSpec((8, 1, TR_VC // 128, 128),
                         lambda g, c: (g, c, 0, 0)),
        ],
        out_shape=[
            jax.ShapeDtypeStruct((TR_G * VC8, 128), jnp.float32),
            jax.ShapeDtypeStruct((TR_G * 8, TR_NC, TR_VC // 128, 128),
                                 jnp.float32),
        ],
    )(emb2t, emb1t)


BLK = 2048


def _tc_body(deep_ref, xv_ref, e_ref, s_ref, w1_ref, b1_ref, g1_ref, be1_ref,
             w2_ref, b2_ref, g2_ref, be2_ref, fp_ref, bias_ref, out_ref):
    f32 = jnp.float32
    deep_raw = deep_ref[...]
    xv = xv_ref[...]
    scaled = deep_raw * jnp.dot(xv, e_ref[...], preferred_element_type=f32)
    fm_sum = jnp.dot(scaled, s_ref[...], preferred_element_type=f32)
    fm2 = 0.5 * (jnp.sum(fm_sum * fm_sum, axis=1)
                 - jnp.sum(scaled * scaled, axis=1))
    inv = (1.0 + EPS) ** -0.5
    h = jnp.dot(scaled, w1_ref[...], preferred_element_type=f32) + b1_ref[...]
    h = jnp.maximum(h, 0.0) * (inv * g1_ref[...]) + be1_ref[...]
    h = jnp.dot(h, w2_ref[...], preferred_element_type=f32) + b2_ref[...]
    h = jnp.maximum(h, 0.0) * (inv * g2_ref[...]) + be2_ref[...]
    dsum = jnp.sum(h, axis=1)
    first = jnp.sum(fp_ref[...])
    out_ref[...] = fm2 + dsum + (first + bias_ref[0, 0])


def _tc_call(deep, xv, e, s, w1, b1, g1, be1, w2, b2, g2, be2, fparts, bias):
    full = lambda shape: pl.BlockSpec(shape, lambda i: (0,) * len(shape))
    return pl.pallas_call(
        _tc_body,
        grid=(BATCH // BLK,),
        in_specs=[
            pl.BlockSpec((BLK, D), lambda i: (i, 0)),
            pl.BlockSpec((BLK, FIELDS), lambda i: (i, 0)),
            full((FIELDS, D)), full((D, EMB)),
            full((D, H1)), full((1, H1)), full((1, H1)), full((1, H1)),
            full((H1, H2)), full((1, H2)), full((1, H2)), full((1, H2)),
            full((NW, 16)), full((1, 1)),
        ],
        out_specs=pl.BlockSpec((BLK,), lambda i: (i,)),
        out_shape=jax.ShapeDtypeStruct((BATCH,), jnp.float32),
    )(deep, xv, e, s, w1, b1, g1, be1, w2, b2, g2, be2, fparts, bias)


def kernel(Xi, Xv, emb1, emb2, W1, b1, g1, beta1, W2, b2, g2, beta2, bias):
    t2, t1 = _tr_call(emb2.transpose(0, 2, 1), emb1.transpose(0, 2, 1))
    tab2 = t2.reshape(TR_G * VC8 * 8, EMB)
    tab1 = t1.reshape(TR_G * 8 * VC8)
    xiT = Xi.transpose(1, 2, 0).reshape(FIELDS, BATCH).astype(jnp.int32)
    deep_raw, fparts = _sc_gather()(tab2, tab1, xiT)
    f = jnp.arange(FIELDS, dtype=jnp.int32)
    jj = jnp.arange(D, dtype=jnp.int32)
    e = (jj[None, :] // EMB == f[:, None]).astype(jnp.float32)
    s = (jj[:, None] % EMB == jnp.arange(EMB)[None, :]).astype(jnp.float32)
    return _tc_call(
        deep_raw.reshape(BATCH, D), Xv, e, s,
        W1, b1.reshape(1, H1), g1.reshape(1, H1), beta1.reshape(1, H1),
        W2, b2.reshape(1, H2), g2.reshape(1, H2), beta2.reshape(1, H2),
        fparts, bias.reshape(1, 1))

# --- scband reference (transcript-rebuilt; emitter-appended) ---
"""Pipeline reference for scband-deep-fm-12902081757252 (READ-ONLY COPY).

The authoritative reference and input builder live on the scoring server;
editing this copy changes nothing except your own understanding.
"""

import jax, jax.numpy as jnp
import numpy as np

FIELDS = 26
VOCAB = 100000
B = 16384
EMB = 16
H1 = 64
H2 = 32
D = FIELDS * EMB
EPS = 1e-5


def setup_inputs(seed: int = 0) -> dict:
    key = jax.random.key(seed)
    ks = jax.random.split(key, 12)
    Xi = jax.random.randint(ks[0], (B, FIELDS, 1), 0, VOCAB)
    Xv = jax.random.uniform(ks[1], (B, FIELDS), dtype=jnp.float32)
    emb1 = jax.random.normal(ks[2], (FIELDS, VOCAB, 1), dtype=jnp.float32) * 0.01
    emb2 = jax.random.normal(ks[3], (FIELDS, VOCAB, EMB), dtype=jnp.float32) * 0.01
    W1 = jax.random.normal(ks[4], (D, H1), dtype=jnp.float32) * 0.05
    b1 = jnp.zeros((H1,), dtype=jnp.float32)
    g1 = jnp.ones((H1,), dtype=jnp.float32)
    beta1 = jnp.zeros((H1,), dtype=jnp.float32)
    W2 = jax.random.normal(ks[5], (H1, H2), dtype=jnp.float32) * 0.05
    b2 = jnp.zeros((H2,), dtype=jnp.float32)
    g2 = jnp.ones((H2,), dtype=jnp.float32)
    beta2 = jnp.zeros((H2,), dtype=jnp.float32)
    bias = jax.random.normal(ks[6], (1,), dtype=jnp.float32)
    return {"Xi": Xi, "Xv": Xv, "emb1": emb1, "emb2": emb2,
            "W1": W1, "b1": b1, "g1": g1, "beta1": beta1,
            "W2": W2, "b2": b2, "g2": g2, "beta2": beta2, "bias": bias}


def reference(Xi, Xv, emb1, emb2, W1, b1, g1, beta1, W2, b2, g2, beta2, bias):
    # FM first order: per-field 1-dim embedding lookup
    # emb1[i][Xi[:, i, :]] -> [B, 1, 1]; sum axis 1 -> [B, 1]; .T -> [1, B]
    first_arr = [jnp.sum(emb1[i][Xi[:, i, :]], axis=1).T for i in range(FIELDS)]
    fm_first_order = jnp.concatenate(first_arr, axis=1)  # [1, FIELDS*B] (faithful to torch cat)
    # FM second order: per-field EMB-dim lookup scaled by Xv
    sec_arr = [(jnp.sum(emb2[i][Xi[:, i, :]], axis=1).T * Xv[:, i]).T for i in range(FIELDS)]
    fm_sum = sum(sec_arr)  # [B, EMB]
    fm_sum_sq = fm_sum * fm_sum
    sq_sum = sum(e * e for e in sec_arr)
    fm_second_order = (fm_sum_sq - sq_sum) * 0.5  # [B, EMB]
    # Deep part (eval mode: BN with running stats mean=0/var=1, dropout identity)
    deep = jnp.concatenate(sec_arr, axis=1)  # [B, D]
    h = deep @ W1 + b1
    h = jax.nn.relu(h)
    h = (h - 0.0) / jnp.sqrt(1.0 + EPS) * g1 + beta1
    h = h @ W2 + b2
    h = jax.nn.relu(h)
    h = (h - 0.0) / jnp.sqrt(1.0 + EPS) * g2 + beta2
    total = jnp.sum(fm_first_order, axis=1) + jnp.sum(fm_second_order, axis=1) + jnp.sum(h, axis=1) + bias
    return total

if __name__ == "__main__":
    import jax
    _d = setup_inputs()
    print(jax.jit(kernel)(*tuple(_d.values())))

</pallas_src>

<mosaic_0001>
#map = affine_map<(d0, d1) -> (0, 0)>
#map1 = affine_map<(d0, d1) -> (0)>
module attributes {stable_mosaic.version = 14 : i64} {
  func.func @_sc_body(%arg0: i32, %arg1: i32, %arg2: memref<3407872x16xf32, #tpu.memory_space<hbm>>, %arg3: memref<3407872xf32, #tpu.memory_space<hbm>>, %arg4: memref<26x16384xi32, #tpu.memory_space<hbm>>, %arg5: memref<425984x16xf32, #tpu.memory_space<hbm>>, %arg6: memref<32x16xf32, #tpu.memory_space<hbm>>, %arg7: memref<13312xi32, #tpu.memory_space<vmem>>, %arg8: memref<13312xi32, #tpu.memory_space<vmem>>, %arg9: memref<13312xi32, #tpu.memory_space<vmem>>, %arg10: memref<1024x16xf32, #tpu.memory_space<vmem>>, %arg11: memref<1024xf32, #tpu.memory_space<vmem>>, %arg12: memref<16xf32, #tpu.memory_space<vmem>>, %arg13: memref<!tpu.dma_semaphore, #tpu.memory_space<semaphore_mem>>, %arg14: memref<!tpu.dma_semaphore, #tpu.memory_space<semaphore_mem>>) attributes {dimension_semantics = [#tpu.dimension_semantics<core_parallel>, #tpu.dimension_semantics<subcore_parallel>], iteration_bounds = array<i64: 2, 16>, scalar_prefetch = 0 : i64, scratch_operands = 8 : i64, tpu.core_type = #tpu.core_type<sc_vector_subcore>, window_params = [{transform_indices = #map}, {transform_indices = #map1}, {transform_indices = #map}, {transform_indices = #map}, {transform_indices = #map}]} {
    %mul3A = arith.constant 2 : i32
    %mul3A_0 = arith.muli %arg1, %mul3A : i32
    %add3A = arith.addi %mul3A_0, %arg0 : i32
    %mul3A_1 = arith.constant 512 : i32
    %mul3A_2 = arith.muli %add3A, %mul3A_1 : i32
    %run_scoped3A = arith.constant 0 : i32
    "tpu.region"() ({
      %run_scoped3A_270 = tpu.sem_alloc : memref<!tpu.dma_semaphore, #tpu.memory_space<semaphore_mem>>
      %dma_start3A = arith.constant 0 : i32
      %dma_start3A_271 = tpu.memref_slice %arg7[%dma_start3A] : memref<13312xi32, #tpu.memory_space<vmem>> -> memref<512xi32, #tpu.memory_space<vmem>>
      %dma_start3A_272 = tpu.memref_slice %arg4[%run_scoped3A, %mul3A_2] : memref<26x16384xi32, #tpu.memory_space<hbm>> -> memref<1x512xi32, #tpu.memory_space<hbm>>
      %dma_start3A_273 = tpu.memref_squeeze %dma_start3A_272 : memref<1x512xi32, #tpu.memory_space<hbm>> -> memref<512xi32, #tpu.memory_space<hbm>>
      %dma_start3A_274 = arith.constant 0 : i32
      %dma_start3A_275 = tpu.memref_slice %arg7[%dma_start3A_274] : memref<13312xi32, #tpu.memory_space<vmem>> -> memref<512xi32, #tpu.memory_space<vmem>>
      %dma_start3A_276 = tpu.memref_slice %arg4[%run_scoped3A, %mul3A_2] : memref<26x16384xi32, #tpu.memory_space<hbm>> -> memref<1x512xi32, #tpu.memory_space<hbm>>
      %dma_start3A_277 = tpu.memref_squeeze %dma_start3A_276 : memref<1x512xi32, #tpu.memory_space<hbm>> -> memref<512xi32, #tpu.memory_space<hbm>>
      tpu.enqueue_dma source(%dma_start3A_277 : memref<512xi32, #tpu.memory_space<hbm>>) target(%dma_start3A_275 : memref<512xi32, #tpu.memory_space<vmem>>) target_semaphore(%run_scoped3A_270 : memref<!tpu.dma_semaphore, #tpu.memory_space<semaphore_mem>>)
      %dma_wait3A = arith.constant 0 : i32
      %dma_wait3A_278 = tpu.memref_slice %arg7[%dma_wait3A] : memref<13312xi32, #tpu.memory_space<vmem>> -> memref<512xi32, #tpu.memory_space<vmem>>
      %dma_wait3A_279 = tpu.memref_slice %arg4[%run_scoped3A, %mul3A_2] : memref<26x16384xi32, #tpu.memory_space<hbm>> -> memref<1x512xi32, #tpu.memory_space<hbm>>
      %dma_wait3A_280 = tpu.memref_squeeze %dma_wait3A_279 : memref<1x512xi32, #tpu.memory_space<hbm>> -> memref<512xi32, #tpu.memory_space<hbm>>
      %dma_wait3A_281 = arith.constant 0 : i32
      %dma_wait3A_282 = tpu.memref_slice %arg7[%dma_wait3A_281] : memref<13312xi32, #tpu.memory_space<vmem>> -> memref<512xi32, #tpu.memory_space<vmem>>
      %dma_wait3A_283 = tpu.memref_slice %arg4[%run_scoped3A, %mul3A_2] : memref<26x16384xi32, #tpu.memory_space<hbm>> -> memref<1x512xi32, #tpu.memory_space<hbm>>
      %dma_wait3A_284 = tpu.memref_squeeze %dma_wait3A_283 : memref<1x512xi32, #tpu.memory_space<hbm>> -> memref<512xi32, #tpu.memory_space<hbm>>
      tpu.wait_dma2 semaphore(%run_scoped3A_270 : memref<!tpu.dma_semaphore, #tpu.memory_space<semaphore_mem>>) src(%dma_wait3A_284 : memref<512xi32, #tpu.memory_space<hbm>>) dst(%dma_wait3A_282 : memref<512xi32, #tpu.memory_space<vmem>>)
      tpu.yield
    }) : () -> ()
    %mul3A_3 = arith.constant 512 : i32
    %mul3A_4 = arith.muli %add3A, %mul3A_3 : i32
    %run_scoped3A_5 = arith.constant 1 : i32
    "tpu.region"() ({
      %run_scoped3A_270 = tpu.sem_alloc : memref<!tpu.dma_semaphore, #tpu.memory_space<semaphore_mem>>
      %dma_start3A = arith.constant 512 : i32
      %dma_start3A_271 = tpu.memref_slice %arg7[%dma_start3A] : memref<13312xi32, #tpu.memory_space<vmem>> -> memref<512xi32, #tpu.memory_space<vmem>>
      %dma_start3A_272 = tpu.memref_slice %arg4[%run_scoped3A_5, %mul3A_4] : memref<26x16384xi32, #tpu.memory_space<hbm>> -> memref<1x512xi32, #tpu.memory_space<hbm>>
      %dma_start3A_273 = tpu.memref_squeeze %dma_start3A_272 : memref<1x512xi32, #tpu.memory_space<hbm>> -> memref<512xi32, #tpu.memory_space<hbm>>
      %dma_start3A_274 = arith.constant 512 : i32
      %dma_start3A_275 = tpu.memref_slice %arg7[%dma_start3A_274] : memref<13312xi32, #tpu.memory_space<vmem>> -> memref<512xi32, #tpu.memory_space<vmem>>
      %dma_start3A_276 = tpu.memref_slice %arg4[%run_scoped3A_5, %mul3A_4] : memref<26x16384xi32, #tpu.memory_space<hbm>> -> memref<1x512xi32, #tpu.memory_space<hbm>>
      %dma_start3A_277 = tpu.memref_squeeze %dma_start3A_276 : memref<1x512xi32, #tpu.memory_space<hbm>> -> memref<512xi32, #tpu.memory_space<hbm>>
      tpu.enqueue_dma source(%dma_start3A_277 : memref<512xi32, #tpu.memory_space<hbm>>) target(%dma_start3A_275 : memref<512xi32, #tpu.memory_space<vmem>>) target_semaphore(%run_scoped3A_270 : memref<!tpu.dma_semaphore, #tpu.memory_space<semaphore_mem>>)
      %dma_wait3A = arith.constant 512 : i32
      %dma_wait3A_278 = tpu.memref_slice %arg7[%dma_wait3A] : memref<13312xi32, #tpu.memory_space<vmem>> -> memref<512xi32, #tpu.memory_space<vmem>>
      %dma_wait3A_279 = tpu.memref_slice %arg4[%run_scoped3A_5, %mul3A_4] : memref<26x16384xi32, #tpu.memory_space<hbm>> -> memref<1x512xi32, #tpu.memory_space<hbm>>
      %dma_wait3A_280 = tpu.memref_squeeze %dma_wait3A_279 : memref<1x512xi32, #tpu.memory_space<hbm>> -> memref<512xi32, #tpu.memory_space<hbm>>
      %dma_wait3A_281 = arith.constant 512 : i32
      %dma_wait3A_282 = tpu.memref_slice %arg7[%dma_wait3A_281] : memref<13312xi32, #tpu.memory_space<vmem>> -> memref<512xi32, #tpu.memory_space<vmem>>
      %dma_wait3A_283 = tpu.memref_slice %arg4[%run_scoped3A_5, %mul3A_4] : memref<26x16384xi32, #tpu.memory_space<hbm>> -> memref<1x512xi32, #tpu.memory_space<hbm>>
      %dma_wait3A_284 = tpu.memref_squeeze %dma_wait3A_283 : memref<1x512xi32, #tpu.memory_space<hbm>> -> memref<512xi32, #tpu.memory_space<hbm>>
      tpu.wait_dma2 semaphore(%run_scoped3A_270 : memref<!tpu.dma_semaphore, #tpu.memory_space<semaphore_mem>>) src(%dma_wait3A_284 : memref<512xi32, #tpu.memory_space<hbm>>) dst(%dma_wait3A_282 : memref<512xi32, #tpu.memory_space<vmem>>)
      tpu.yield
    }) : () -> ()
    %mul3A_6 = arith.constant 512 : i32
    %mul3A_7 = arith.muli %add3A, %mul3A_6 : i32
    %run_scoped3A_8 = arith.constant 2 : i32
    "tpu.region"() ({
      %run_scoped3A_270 = tpu.sem_alloc : memref<!tpu.dma_semaphore, #tpu.memory_space<semaphore_mem>>
      %dma_start3A = arith.constant 1024 : i32
      %dma_start3A_271 = tpu.memref_slice %arg7[%dma_start3A] : memref<13312xi32, #tpu.memory_space<vmem>> -> memref<512xi32, #tpu.memory_space<vmem>>
      %dma_start3A_272 = tpu.memref_slice %arg4[%run_scoped3A_8, %mul3A_7] : memref<26x16384xi32, #tpu.memory_space<hbm>> -> memref<1x512xi32, #tpu.memory_space<hbm>>
      %dma_start3A_273 = tpu.memref_squeeze %dma_start3A_272 : memref<1x512xi32, #tpu.memory_space<hbm>> -> memref<512xi32, #tpu.memory_space<hbm>>
      %dma_start3A_274 = arith.constant 1024 : i32
      %dma_start3A_275 = tpu.memref_slice %arg7[%dma_start3A_274] : memref<13312xi32, #tpu.memory_space<vmem>> -> memref<512xi32, #tpu.memory_space<vmem>>
      %dma_start3A_276 = tpu.memref_slice %arg4[%run_scoped3A_8, %mul3A_7] : memref<26x16384xi32, #tpu.memory_space<hbm>> -> memref<1x512xi32, #tpu.memory_space<hbm>>
      %dma_start3A_277 = tpu.memref_squeeze %dma_start3A_276 : memref<1x512xi32, #tpu.memory_space<hbm>> -> memref<512xi32, #tpu.memory_space<hbm>>
      tpu.enqueue_dma source(%dma_start3A_277 : memref<512xi32, #tpu.memory_space<hbm>>) target(%dma_start3A_275 : memref<512xi32, #tpu.memory_space<vmem>>) target_semaphore(%run_scoped3A_270 : memref<!tpu.dma_semaphore, #tpu.memory_space<semaphore_mem>>)
      %dma_wait3A = arith.constant 1024 : i32
      %dma_wait3A_278 = tpu.memref_slice %arg7[%dma_wait3A] : memref<13312xi32, #tpu.memory_space<vmem>> -> memref<512xi32, #tpu.memory_space<vmem>>
      %dma_wait3A_279 = tpu.memref_slice %arg4[%run_scoped3A_8, %mul3A_7] : memref<26x16384xi32, #tpu.memory_space<hbm>> -> memref<1x512xi32, #tpu.memory_space<hbm>>
      %dma_wait3A_280 = tpu.memref_squeeze %dma_wait3A_279 : memref<1x512xi32, #tpu.memory_space<hbm>> -> memref<512xi32, #tpu.memory_space<hbm>>
      %dma_wait3A_281 = arith.constant 1024 : i32
      %dma_wait3A_282 = tpu.memref_slice %arg7[%dma_wait3A_281] : memref<13312xi32, #tpu.memory_space<vmem>> -> memref<512xi32, #tpu.memory_space<vmem>>
      %dma_wait3A_283 = tpu.memref_slice %arg4[%run_scoped3A_8, %mul3A_7] : memref<26x16384xi32, #tpu.memory_space<hbm>> -> memref<1x512xi32, #tpu.memory_space<hbm>>
      %dma_wait3A_284 = tpu.memref_squeeze %dma_wait3A_283 : memref<1x512xi32, #tpu.memory_space<hbm>> -> memref<512xi32, #tpu.memory_space<hbm>>
      tpu.wait_dma2 semaphore(%run_scoped3A_270 : memref<!tpu.dma_semaphore, #tpu.memory_space<semaphore_mem>>) src(%dma_wait3A_284 : memref<512xi32, #tpu.memory_space<hbm>>) dst(%dma_wait3A_282 : memref<512xi32, #tpu.memory_space<vmem>>)
      tpu.yield
    }) : () -> ()
    %mul3A_9 = arith.constant 512 : i32
    %mul3A_10 = arith.muli %add3A, %mul3A_9 : i32
    %run_scoped3A_11 = arith.constant 3 : i32
    "tpu.region"() ({
      %run_scoped3A_270 = tpu.sem_alloc : memref<!tpu.dma_semaphore, #tpu.memory_space<semaphore_mem>>
      %dma_start3A = arith.constant 1536 : i32
      %dma_start3A_271 = tpu.memref_slice %arg7[%dma_start3A] : memref<13312xi32, #tpu.memory_space<vmem>> -> memref<512xi32, #tpu.memory_space<vmem>>
      %dma_start3A_272 = tpu.memref_slice %arg4[%run_scoped3A_11, %mul3A_10] : memref<26x16384xi32, #tpu.memory_space<hbm>> -> memref<1x512xi32, #tpu.memory_space<hbm>>
      %dma_start3A_273 = tpu.memref_squeeze %dma_start3A_272 : memref<1x512xi32, #tpu.memory_space<hbm>> -> memref<512xi32, #tpu.memory_space<hbm>>
      %dma_start3A_274 = arith.constant 1536 : i32
      %dma_start3A_275 = tpu.memref_slice %arg7[%dma_start3A_274] : memref<13312xi32, #tpu.memory_space<vmem>> -> memref<512xi32, #tpu.memory_space<vmem>>
      %dma_start3A_276 = tpu.memref_slice %arg4[%run_scoped3A_11, %mul3A_10] : memref<26x16384xi32, #tpu.memory_space<hbm>> -> memref<1x512xi32, #tpu.memory_space<hbm>>
      %dma_start3A_277 = tpu.memref_squeeze %dma_start3A_276 : memref<1x512xi32, #tpu.memory_space<hbm>> -> memref<512xi32, #tpu.memory_space<hbm>>
      tpu.enqueue_dma source(%dma_start3A_277 : memref<512xi32, #tpu.memory_space<hbm>>) target(%dma_start3A_275 : memref<512xi32, #tpu.memory_space<vmem>>) target_semaphore(%run_scoped3A_270 : memref<!tpu.dma_semaphore, #tpu.memory_space<semaphore_mem>>)
      %dma_wait3A = arith.constant 1536 : i32
      %dma_wait3A_278 = tpu.memref_slice %arg7[%dma_wait3A] : memref<13312xi32, #tpu.memory_space<vmem>> -> memref<512xi32, #tpu.memory_space<vmem>>
      %dma_wait3A_279 = tpu.memref_slice %arg4[%run_scoped3A_11, %mul3A_10] : memref<26x16384xi32, #tpu.memory_space<hbm>> -> memref<1x512xi32, #tpu.memory_space<hbm>>
      %dma_wait3A_280 = tpu.memref_squeeze %dma_wait3A_279 : memref<1x512xi32, #tpu.memory_space<hbm>> -> memref<512xi32, #tpu.memory_space<hbm>>
      %dma_wait3A_281 = arith.constant 1536 : i32
      %dma_wait3A_282 = tpu.memref_slice %arg7[%dma_wait3A_281] : memref<13312xi32, #tpu.memory_space<vmem>> -> memref<512xi32, #tpu.memory_space<vmem>>
      %dma_wait3A_283 = tpu.memref_slice %arg4[%run_scoped3A_11, %mul3A_10] : memref<26x16384xi32, #tpu.memory_space<hbm>> -> memref<1x512xi32, #tpu.memory_space<hbm>>
      %dma_wait3A_284 = tpu.memref_squeeze %dma_wait3A_283 : memref<1x512xi32, #tpu.memory_space<hbm>> -> memref<512xi32, #tpu.memory_space<hbm>>
      tpu.wait_dma2 semaphore(%run_scoped3A_270 : memref<!tpu.dma_semaphore, #tpu.memory_space<semaphore_mem>>) src(%dma_wait3A_284 : memref<512xi32, #tpu.memory_space<hbm>>) dst(%dma_wait3A_282 : memref<512xi32, #tpu.memory_space<vmem>>)
      tpu.yield
    }) : () -> ()
    %mul3A_12 = arith.constant 512 : i32
    %mul3A_13 = arith.muli %add3A, %mul3A_12 : i32
    %run_scoped3A_14 = arith.constant 4 : i32
    "tpu.region"() ({
      %run_scoped3A_270 = tpu.sem_alloc : memref<!tpu.dma_semaphore, #tpu.memory_space<semaphore_mem>>
      %dma_start3A = arith.constant 2048 : i32
      %dma_start3A_271 = tpu.memref_slice %arg7[%dma_start3A] : memref<13312xi32, #tpu.memory_space<vmem>> -> memref<512xi32, #tpu.memory_space<vmem>>
      %dma_start3A_272 = tpu.memref_slice %arg4[%run_scoped3A_14, %mul3A_13] : memref<26x16384xi32, #tpu.memory_space<hbm>> -> memref<1x512xi32, #tpu.memory_space<hbm>>
      %dma_start3A_273 = tpu.memref_squeeze %dma_start3A_272 : memref<1x512xi32, #tpu.memory_space<hbm>> -> memref<512xi32, #tpu.memory_space<hbm>>
      %dma_start3A_274 = arith.constant 2048 : i32
      %dma_start3A_275 = tpu.memref_slice %arg7[%dma_start3A_274] : memref<13312xi32, #tpu.memory_space<vmem>> -> memref<512xi32, #tpu.memory_space<vmem>>
      %dma_start3A_276 = tpu.memref_slice %arg4[%run_scoped3A_14, %mul3A_13] : memref<26x16384xi32, #tpu.memory_space<hbm>> -> memref<1x512xi32, #tpu.memory_space<hbm>>
      %dma_start3A_277 = tpu.memref_squeeze %dma_start3A_276 : memref<1x512xi32, #tpu.memory_space<hbm>> -> memref<512xi32, #tpu.memory_space<hbm>>
      tpu.enqueue_dma source(%dma_start3A_277 : memref<512xi32, #tpu.memory_space<hbm>>) target(%dma_start3A_275 : memref<512xi32, #tpu.memory_space<vmem>>) target_semaphore(%run_scoped3A_270 : memref<!tpu.dma_semaphore, #tpu.memory_space<semaphore_mem>>)
      %dma_wait3A = arith.constant 2048 : i32
      %dma_wait3A_278 = tpu.memref_slice %arg7[%dma_wait3A] : memref<13312xi32, #tpu.memory_space<vmem>> -> memref<512xi32, #tpu.memory_space<vmem>>
      %dma_wait3A_279 = tpu.memref_slice %arg4[%run_scoped3A_14, %mul3A_13] : memref<26x16384xi32, #tpu.memory_space<hbm>> -> memref<1x512xi32, #tpu.memory_space<hbm>>
      %dma_wait3A_280 = tpu.memref_squeeze %dma_wait3A_279 : memref<1x512xi32, #tpu.memory_space<hbm>> -> memref<512xi32, #tpu.memory_space<hbm>>
      %dma_wait3A_281 = arith.constant 2048 : i32
      %dma_wait3A_282 = tpu.memref_slice %arg7[%dma_wait3A_281] : memref<13312xi32, #tpu.memory_space<vmem>> -> memref<512xi32, #tpu.memory_space<vmem>>
      %dma_wait3A_283 = tpu.memref_slice %arg4[%run_scoped3A_14, %mul3A_13] : memref<26x16384xi32, #tpu.memory_space<hbm>> -> memref<1x512xi32, #tpu.memory_space<hbm>>
      %dma_wait3A_284 = tpu.memref_squeeze %dma_wait3A_283 : memref<1x512xi32, #tpu.memory_space<hbm>> -> memref<512xi32, #tpu.memory_space<hbm>>
      tpu.wait_dma2 semaphore(%run_scoped3A_270 : memref<!tpu.dma_semaphore, #tpu.memory_space<semaphore_mem>>) src(%dma_wait3A_284 : memref<512xi32, #tpu.memory_space<hbm>>) dst(%dma_wait3A_282 : memref<512xi32, #tpu.memory_space<vmem>>)
      tpu.yield
    }) : () -> ()
    %mul3A_15 = arith.constant 512 : i32
    %mul3A_16 = arith.muli %add3A, %mul3A_15 : i32
    %run_scoped3A_17 = arith.constant 5 : i32
    "tpu.region"() ({
      %run_scoped3A_270 = tpu.sem_alloc : memref<!tpu.dma_semaphore, #tpu.memory_space<semaphore_mem>>
      %dma_start3A = arith.constant 2560 : i32
      %dma_start3A_271 = tpu.memref_slice %arg7[%dma_start3A] : memref<13312xi32, #tpu.memory_space<vmem>> -> memref<512xi32, #tpu.memory_space<vmem>>
      %dma_start3A_272 = tpu.memref_slice %arg4[%run_scoped3A_17, %mul3A_16] : memref<26x16384xi32, #tpu.memory_space<hbm>> -> memref<1x512xi32, #tpu.memory_space<hbm>>
      %dma_start3A_273 = tpu.memref_squeeze %dma_start3A_272 : memref<1x512xi32, #tpu.memory_space<hbm>> -> memref<512xi32, #tpu.memory_space<hbm>>
      %dma_start3A_274 = arith.constant 2560 : i32
      %dma_start3A_275 = tpu.memref_slice %arg7[%dma_start3A_274] : memref<13312xi32, #tpu.memory_space<vmem>> -> memref<512xi32, #tpu.memory_space<vmem>>
      %dma_start3A_276 = tpu.memref_slice %arg4[%run_scoped3A_17, %mul3A_16] : memref<26x16384xi32, #tpu.memory_space<hbm>> -> memref<1x512xi32, #tpu.memory_space<hbm>>
      %dma_start3A_277 = tpu.memref_squeeze %dma_start3A_276 : memref<1x512xi32, #tpu.memory_space<hbm>> -> memref<512xi32, #tpu.memory_space<hbm>>
      tpu.enqueue_dma source(%dma_start3A_277 : memref<512xi32, #tpu.memory_space<hbm>>) target(%dma_start3A_275 : memref<512xi32, #tpu.memory_space<vmem>>) target_semaphore(%run_scoped3A_270 : memref<!tpu.dma_semaphore, #tpu.memory_space<semaphore_mem>>)
      %dma_wait3A = arith.constant 2560 : i32
      %dma_wait3A_278 = tpu.memref_slice %arg7[%dma_wait3A] : memref<13312xi32, #tpu.memory_space<vmem>> -> memref<512xi32, #tpu.memory_space<vmem>>
      %dma_wait3A_279 = tpu.memref_slice %arg4[%run_scoped3A_17, %mul3A_16] : memref<26x16384xi32, #tpu.memory_space<hbm>> -> memref<1x512xi32, #tpu.memory_space<hbm>>
      %dma_wait3A_280 = tpu.memref_squeeze %dma_wait3A_279 : memref<1x512xi32, #tpu.memory_space<hbm>> -> memref<512xi32, #tpu.memory_space<hbm>>
      %dma_wait3A_281 = arith.constant 2560 : i32
      %dma_wait3A_282 = tpu.memref_slice %arg7[%dma_wait3A_281] : memref<13312xi32, #tpu.memory_space<vmem>> -> memref<512xi32, #tpu.memory_space<vmem>>
      %dma_wait3A_283 = tpu.memref_slice %arg4[%run_scoped3A_17, %mul3A_16] : memref<26x16384xi32, #tpu.memory_space<hbm>> -> memref<1x512xi32, #tpu.memory_space<hbm>>
      %dma_wait3A_284 = tpu.memref_squeeze %dma_wait3A_283 : memref<1x512xi32, #tpu.memory_space<hbm>> -> memref<512xi32, #tpu.memory_space<hbm>>
      tpu.wait_dma2 semaphore(%run_scoped3A_270 : memref<!tpu.dma_semaphore, #tpu.memory_space<semaphore_mem>>) src(%dma_wait3A_284 : memref<512xi32, #tpu.memory_space<hbm>>) dst(%dma_wait3A_282 : memref<512xi32, #tpu.memory_space<vmem>>)
      tpu.yield
    }) : () -> ()
    %mul3A_18 = arith.constant 512 : i32
    %mul3A_19 = arith.muli %add3A, %mul3A_18 : i32
    %run_scoped3A_20 = arith.constant 6 : i32
    "tpu.region"() ({
      %run_scoped3A_270 = tpu.sem_alloc : memref<!tpu.dma_semaphore, #tpu.memory_space<semaphore_mem>>
      %dma_start3A = arith.constant 3072 : i32
      %dma_start3A_271 = tpu.memref_slice %arg7[%dma_start3A] : memref<13312xi32, #tpu.memory_space<vmem>> -> memref<512xi32, #tpu.memory_space<vmem>>
      %dma_start3A_272 = tpu.memref_slice %arg4[%run_scoped3A_20, %mul3A_19] : memref<26x16384xi32, #tpu.memory_space<hbm>> -> memref<1x512xi32, #tpu.memory_space<hbm>>
      %dma_start3A_273 = tpu.memref_squeeze %dma_start3A_272 : memref<1x512xi32, #tpu.memory_space<hbm>> -> memref<512xi32, #tpu.memory_space<hbm>>
      %dma_start3A_274 = arith.constant 3072 : i32
      %dma_start3A_275 = tpu.memref_slice %arg7[%dma_start3A_274] : memref<13312xi32, #tpu.memory_space<vmem>> -> memref<512xi32, #tpu.memory_space<vmem>>
      %dma_start3A_276 = tpu.memref_slice %arg4[%run_scoped3A_20, %mul3A_19] : memref<26x16384xi32, #tpu.memory_space<hbm>> -> memref<1x512xi32, #tpu.memory_space<hbm>>
      %dma_start3A_277 = tpu.memref_squeeze %dma_start3A_276 : memref<1x512xi32, #tpu.memory_space<hbm>> -> memref<512xi32, #tpu.memory_space<hbm>>
      tpu.enqueue_dma source(%dma_start3A_277 : memref<512xi32, #tpu.memory_space<hbm>>) target(%dma_start3A_275 : memref<512xi32, #tpu.memory_space<vmem>>) target_semaphore(%run_scoped3A_270 : memref<!tpu.dma_semaphore, #tpu.memory_space<semaphore_mem>>)
      %dma_wait3A = arith.constant 3072 : i32
      %dma_wait3A_278 = tpu.memref_slice %arg7[%dma_wait3A] : memref<13312xi32, #tpu.memory_space<vmem>> -> memref<512xi32, #tpu.memory_space<vmem>>
      %dma_wait3A_279 = tpu.memref_slice %arg4[%run_scoped3A_20, %mul3A_19] : memref<26x16384xi32, #tpu.memory_space<hbm>> -> memref<1x512xi32, #tpu.memory_space<hbm>>
      %dma_wait3A_280 = tpu.memref_squeeze %dma_wait3A_279 : memref<1x512xi32, #tpu.memory_space<hbm>> -> memref<512xi32, #tpu.memory_space<hbm>>
      %dma_wait3A_281 = arith.constant 3072 : i32
      %dma_wait3A_282 = tpu.memref_slice %arg7[%dma_wait3A_281] : memref<13312xi32, #tpu.memory_space<vmem>> -> memref<512xi32, #tpu.memory_space<vmem>>
      %dma_wait3A_283 = tpu.memref_slice %arg4[%run_scoped3A_20, %mul3A_19] : memref<26x16384xi32, #tpu.memory_space<hbm>> -> memref<1x512xi32, #tpu.memory_space<hbm>>
      %dma_wait3A_284 = tpu.memref_squeeze %dma_wait3A_283 : memref<1x512xi32, #tpu.memory_space<hbm>> -> memref<512xi32, #tpu.memory_space<hbm>>
      tpu.wait_dma2 semaphore(%run_scoped3A_270 : memref<!tpu.dma_semaphore, #tpu.memory_space<semaphore_mem>>) src(%dma_wait3A_284 : memref<512xi32, #tpu.memory_space<hbm>>) dst(%dma_wait3A_282 : memref<512xi32, #tpu.memory_space<vmem>>)
      tpu.yield
    }) : () -> ()
    %mul3A_21 = arith.constant 512 : i32
    %mul3A_22 = arith.muli %add3A, %mul3A_21 : i32
    %run_scoped3A_23 = arith.constant 7 : i32
    "tpu.region"() ({
      %run_scoped3A_270 = tpu.sem_alloc : memref<!tpu.dma_semaphore, #tpu.memory_space<semaphore_mem>>
      %dma_start3A = arith.constant 3584 : i32
      %dma_start3A_271 = tpu.memref_slice %arg7[%dma_start3A] : memref<13312xi32, #tpu.memory_space<vmem>> -> memref<512xi32, #tpu.memory_space<vmem>>
      %dma_start3A_272 = tpu.memref_slice %arg4[%run_scoped3A_23, %mul3A_22] : memref<26x16384xi32, #tpu.memory_space<hbm>> -> memref<1x512xi32, #tpu.memory_space<hbm>>
      %dma_start3A_273 = tpu.memref_squeeze %dma_start3A_272 : memref<1x512xi32, #tpu.memory_space<hbm>> -> memref<512xi32, #tpu.memory_space<hbm>>
      %dma_start3A_274 = arith.constant 3584 : i32
      %dma_start3A_275 = tpu.memref_slice %arg7[%dma_start3A_274] : memref<13312xi32, #tpu.memory_space<vmem>> -> memref<512xi32, #tpu.memory_space<vmem>>
      %dma_start3A_276 = tpu.memref_slice %arg4[%run_scoped3A_23, %mul3A_22] : memref<26x16384xi32, #tpu.memory_space<hbm>> -> memref<1x512xi32, #tpu.memory_space<hbm>>
      %dma_start3A_277 = tpu.memref_squeeze %dma_start3A_276 : memref<1x512xi32, #tpu.memory_space<hbm>> -> memref<512xi32, #tpu.memory_space<hbm>>
      tpu.enqueue_dma source(%dma_start3A_277 : memref<512xi32, #tpu.memory_space<hbm>>) target(%dma_start3A_275 : memref<512xi32, #tpu.memory_space<vmem>>) target_semaphore(%run_scoped3A_270 : memref<!tpu.dma_semaphore, #tpu.memory_space<semaphore_mem>>)
      %dma_wait3A = arith.constant 3584 : i32
      %dma_wait3A_278 = tpu.memref_slice %arg7[%dma_wait3A] : memref<13312xi32, #tpu.memory_space<vmem>> -> memref<512xi32, #tpu.memory_space<vmem>>
      %dma_wait3A_279 = tpu.memref_slice %arg4[%run_scoped3A_23, %mul3A_22] : memref<26x16384xi32, #tpu.memory_space<hbm>> -> memref<1x512xi32, #tpu.memory_space<hbm>>
      %dma_wait3A_280 = tpu.memref_squeeze %dma_wait3A_279 : memref<1x512xi32, #tpu.memory_space<hbm>> -> memref<512xi32, #tpu.memory_space<hbm>>
      %dma_wait3A_281 = arith.constant 3584 : i32
      %dma_wait3A_282 = tpu.memref_slice %arg7[%dma_wait3A_281] : memref<13312xi32, #tpu.memory_space<vmem>> -> memref<512xi32, #tpu.memory_space<vmem>>
      %dma_wait3A_283 = tpu.memref_slice %arg4[%run_scoped3A_23, %mul3A_22] : memref<26x16384xi32, #tpu.memory_space<hbm>> -> memref<1x512xi32, #tpu.memory_space<hbm>>
      %dma_wait3A_284 = tpu.memref_squeeze %dma_wait3A_283 : memref<1x512xi32, #tpu.memory_space<hbm>> -> memref<512xi32, #tpu.memory_space<hbm>>
      tpu.wait_dma2 semaphore(%run_scoped3A_270 : memref<!tpu.dma_semaphore, #tpu.memory_space<semaphore_mem>>) src(%dma_wait3A_284 : memref<512xi32, #tpu.memory_space<hbm>>) dst(%dma_wait3A_282 : memref<512xi32, #tpu.memory_space<vmem>>)
      tpu.yield
    }) : () -> ()
    %mul3A_24 = arith.constant 512 : i32
    %mul3A_25 = arith.muli %add3A, %mul3A_24 : i32
    %run_scoped3A_26 = arith.constant 8 : i32
    "tpu.region"() ({
      %run_scoped3A_270 = tpu.sem_alloc : memref<!tpu.dma_semaphore, #tpu.memory_space<semaphore_mem>>
      %dma_start3A = arith.constant 4096 : i32
      %dma_start3A_271 = tpu.memref_slice %arg7[%dma_start3A] : memref<13312xi32, #tpu.memory_space<vmem>> -> memref<512xi32, #tpu.memory_space<vmem>>
      %dma_start3A_272 = tpu.memref_slice %arg4[%run_scoped3A_26, %mul3A_25] : memref<26x16384xi32, #tpu.memory_space<hbm>> -> memref<1x512xi32, #tpu.memory_space<hbm>>
      %dma_start3A_273 = tpu.memref_squeeze %dma_start3A_272 : memref<1x512xi32, #tpu.memory_space<hbm>> -> memref<512xi32, #tpu.memory_space<hbm>>
      %dma_start3A_274 = arith.constant 4096 : i32
      %dma_start3A_275 = tpu.memref_slice %arg7[%dma_start3A_274] : memref<13312xi32, #tpu.memory_space<vmem>> -> memref<512xi32, #tpu.memory_space<vmem>>
      %dma_start3A_276 = tpu.memref_slice %arg4[%run_scoped3A_26, %mul3A_25] : memref<26x16384xi32, #tpu.memory_space<hbm>> -> memref<1x512xi32, #tpu.memory_space<hbm>>
      %dma_start3A_277 = tpu.memref_squeeze %dma_start3A_276 : memref<1x512xi32, #tpu.memory_space<hbm>> -> memref<512xi32, #tpu.memory_space<hbm>>
      tpu.enqueue_dma source(%dma_start3A_277 : memref<512xi32, #tpu.memory_space<hbm>>) target(%dma_start3A_275 : memref<512xi32, #tpu.memory_space<vmem>>) target_semaphore(%run_scoped3A_270 : memref<!tpu.dma_semaphore, #tpu.memory_space<semaphore_mem>>)
      %dma_wait3A = arith.constant 4096 : i32
      %dma_wait3A_278 = tpu.memref_slice %arg7[%dma_wait3A] : memref<13312xi32, #tpu.memory_space<vmem>> -> memref<512xi32, #tpu.memory_space<vmem>>
      %dma_wait3A_279 = tpu.memref_slice %arg4[%run_scoped3A_26, %mul3A_25] : memref<26x16384xi32, #tpu.memory_space<hbm>> -> memref<1x512xi32, #tpu.memory_space<hbm>>
      %dma_wait3A_280 = tpu.memref_squeeze %dma_wait3A_279 : memref<1x512xi32, #tpu.memory_space<hbm>> -> memref<512xi32, #tpu.memory_space<hbm>>
      %dma_wait3A_281 = arith.constant 4096 : i32
      %dma_wait3A_282 = tpu.memref_slice %arg7[%dma_wait3A_281] : memref<13312xi32, #tpu.memory_space<vmem>> -> memref<512xi32, #tpu.memory_space<vmem>>
      %dma_wait3A_283 = tpu.memref_slice %arg4[%run_scoped3A_26, %mul3A_25] : memref<26x16384xi32, #tpu.memory_space<hbm>> -> memref<1x512xi32, #tpu.memory_space<hbm>>
      %dma_wait3A_284 = tpu.memref_squeeze %dma_wait3A_283 : memref<1x512xi32, #tpu.memory_space<hbm>> -> memref<512xi32, #tpu.memory_space<hbm>>
      tpu.wait_dma2 semaphore(%run_scoped3A_270 : memref<!tpu.dma_semaphore, #tpu.memory_space<semaphore_mem>>) src(%dma_wait3A_284 : memref<512xi32, #tpu.memory_space<hbm>>) dst(%dma_wait3A_282 : memref<512xi32, #tpu.memory_space<vmem>>)
      tpu.yield
    }) : () -> ()
    %mul3A_27 = arith.constant 512 : i32
    %mul3A_28 = arith.muli %add3A, %mul3A_27 : i32
    %run_scoped3A_29 = arith.constant 9 : i32
    "tpu.region"() ({
      %run_scoped3A_270 = tpu.sem_alloc : memref<!tpu.dma_semaphore, #tpu.memory_space<semaphore_mem>>
      %dma_start3A = arith.constant 4608 : i32
      %dma_start3A_271 = tpu.memref_slice %arg7[%dma_start3A] : memref<13312xi32, #tpu.memory_space<vmem>> -> memref<512xi32, #tpu.memory_space<vmem>>
      %dma_start3A_272 = tpu.memref_slice %arg4[%run_scoped3A_29, %mul3A_28] : memref<26x16384xi32, #tpu.memory_space<hbm>> -> memref<1x512xi32, #tpu.memory_space<hbm>>
      %dma_start3A_273 = tpu.memref_squeeze %dma_start3A_272 : memref<1x512xi32, #tpu.memory_space<hbm>> -> memref<512xi32, #tpu.memory_space<hbm>>
      %dma_start3A_274 = arith.constant 4608 : i32
      %dma_start3A_275 = tpu.memref_slice %arg7[%dma_start3A_274] : memref<13312xi32, #tpu.memory_space<vmem>> -> memref<512xi32, #tpu.memory_space<vmem>>
      %dma_start3A_276 = tpu.memref_slice %arg4[%run_scoped3A_29, %mul3A_28] : memref<26x16384xi32, #tpu.memory_space<hbm>> -> memref<1x512xi32, #tpu.memory_space<hbm>>
      %dma_start3A_277 = tpu.memref_squeeze %dma_start3A_276 : memref<1x512xi32, #tpu.memory_space<hbm>> -> memref<512xi32, #tpu.memory_space<hbm>>
      tpu.enqueue_dma source(%dma_start3A_277 : memref<512xi32, #tpu.memory_space<hbm>>) target(%dma_start3A_275 : memref<512xi32, #tpu.memory_space<vmem>>) target_semaphore(%run_scoped3A_270 : memref<!tpu.dma_semaphore, #tpu.memory_space<semaphore_mem>>)
      %dma_wait3A = arith.constant 4608 : i32
      %dma_wait3A_278 = tpu.memref_slice %arg7[%dma_wait3A] : memref<13312xi32, #tpu.memory_space<vmem>> -> memref<512xi32, #tpu.memory_space<vmem>>
      %dma_wait3A_279 = tpu.memref_slice %arg4[%run_scoped3A_29, %mul3A_28] : memref<26x16384xi32, #tpu.memory_space<hbm>> -> memref<1x512xi32, #tpu.memory_space<hbm>>
      %dma_wait3A_280 = tpu.memref_squeeze %dma_wait3A_279 : memref<1x512xi32, #tpu.memory_space<hbm>> -> memref<512xi32, #tpu.memory_space<hbm>>
      %dma_wait3A_281 = arith.constant 4608 : i32
      %dma_wait3A_282 = tpu.memref_slice %arg7[%dma_wait3A_281] : memref<13312xi32, #tpu.memory_space<vmem>> -> memref<512xi32, #tpu.memory_space<vmem>>
      %dma_wait3A_283 = tpu.memref_slice %arg4[%run_scoped3A_29, %mul3A_28] : memref<26x16384xi32, #tpu.memory_space<hbm>> -> memref<1x512xi32, #tpu.memory_space<hbm>>
      %dma_wait3A_284 = tpu.memref_squeeze %dma_wait3A_283 : memref<1x512xi32, #tpu.memory_space<hbm>> -> memref<512xi32, #tpu.memory_space<hbm>>
      tpu.wait_dma2 semaphore(%run_scoped3A_270 : memref<!tpu.dma_semaphore, #tpu.memory_space<semaphore_mem>>) src(%dma_wait3A_284 : memref<512xi32, #tpu.memory_space<hbm>>) dst(%dma_wait3A_282 : memref<512xi32, #tpu.memory_space<vmem>>)
      tpu.yield
    }) : () -> ()
    %mul3A_30 = arith.constant 512 : i32
    %mul3A_31 = arith.muli %add3A, %mul3A_30 : i32
    %run_scoped3A_32 = arith.constant 10 : i32
    "tpu.region"() ({
      %run_scoped3A_270 = tpu.sem_alloc : memref<!tpu.dma_semaphore, #tpu.memory_space<semaphore_mem>>
      %dma_start3A = arith.constant 5120 : i32
      %dma_start3A_271 = tpu.memref_slice %arg7[%dma_start3A] : memref<13312xi32, #tpu.memory_space<vmem>> -> memref<512xi32, #tpu.memory_space<vmem>>
      %dma_start3A_272 = tpu.memref_slice %arg4[%run_scoped3A_32, %mul3A_31] : memref<26x16384xi32, #tpu.memory_space<hbm>> -> memref<1x512xi32, #tpu.memory_space<hbm>>
      %dma_start3A_273 = tpu.memref_squeeze %dma_start3A_272 : memref<1x512xi32, #tpu.memory_space<hbm>> -> memref<512xi32, #tpu.memory_space<hbm>>
      %dma_start3A_274 = arith.constant 5120 : i32
      %dma_start3A_275 = tpu.memref_slice %arg7[%dma_start3A_274] : memref<13312xi32, #tpu.memory_space<vmem>> -> memref<512xi32, #tpu.memory_space<vmem>>
      %dma_start3A_276 = tpu.memref_slice %arg4[%run_scoped3A_32, %mul3A_31] : memref<26x16384xi32, #tpu.memory_space<hbm>> -> memref<1x512xi32, #tpu.memory_space<hbm>>
      %dma_start3A_277 = tpu.memref_squeeze %dma_start3A_276 : memref<1x512xi32, #tpu.memory_space<hbm>> -> memref<512xi32, #tpu.memory_space<hbm>>
      tpu.enqueue_dma source(%dma_start3A_277 : memref<512xi32, #tpu.memory_space<hbm>>) target(%dma_start3A_275 : memref<512xi32, #tpu.memory_space<vmem>>) target_semaphore(%run_scoped3A_270 : memref<!tpu.dma_semaphore, #tpu.memory_space<semaphore_mem>>)
      %dma_wait3A = arith.constant 5120 : i32
      %dma_wait3A_278 = tpu.memref_slice %arg7[%dma_wait3A] : memref<13312xi32, #tpu.memory_space<vmem>> -> memref<512xi32, #tpu.memory_space<vmem>>
      %dma_wait3A_279 = tpu.memref_slice %arg4[%run_scoped3A_32, %mul3A_31] : memref<26x16384xi32, #tpu.memory_space<hbm>> -> memref<1x512xi32, #tpu.memory_space<hbm>>
      %dma_wait3A_280 = tpu.memref_squeeze %dma_wait3A_279 : memref<1x512xi32, #tpu.memory_space<hbm>> -> memref<512xi32, #tpu.memory_space<hbm>>
      %dma_wait3A_281 = arith.constant 5120 : i32
      %dma_wait3A_282 = tpu.memref_slice %arg7[%dma_wait3A_281] : memref<13312xi32, #tpu.memory_space<vmem>> -> memref<512xi32, #tpu.memory_space<vmem>>
      %dma_wait3A_283 = tpu.memref_slice %arg4[%run_scoped3A_32, %mul3A_31] : memref<26x16384xi32, #tpu.memory_space<hbm>> -> memref<1x512xi32, #tpu.memory_space<hbm>>
      %dma_wait3A_284 = tpu.memref_squeeze %dma_wait3A_283 : memref<1x512xi32, #tpu.memory_space<hbm>> -> memref<512xi32, #tpu.memory_space<hbm>>
      tpu.wait_dma2 semaphore(%run_scoped3A_270 : memref<!tpu.dma_semaphore, #tpu.memory_space<semaphore_mem>>) src(%dma_wait3A_284 : memref<512xi32, #tpu.memory_space<hbm>>) dst(%dma_wait3A_282 : memref<512xi32, #tpu.memory_space<vmem>>)
      tpu.yield
    }) : () -> ()
    %mul3A_33 = arith.constant 512 : i32
    %mul3A_34 = arith.muli %add3A, %mul3A_33 : i32
    %run_scoped3A_35 = arith.constant 11 : i32
    "tpu.region"() ({
      %run_scoped3A_270 = tpu.sem_alloc : memref<!tpu.dma_semaphore, #tpu.memory_space<semaphore_mem>>
      %dma_start3A = arith.constant 5632 : i32
      %dma_start3A_271 = tpu.memref_slice %arg7[%dma_start3A] : memref<13312xi32, #tpu.memory_space<vmem>> -> memref<512xi32, #tpu.memory_space<vmem>>
      %dma_start3A_272 = tpu.memref_slice %arg4[%run_scoped3A_35, %mul3A_34] : memref<26x16384xi32, #tpu.memory_space<hbm>> -> memref<1x512xi32, #tpu.memory_space<hbm>>
      %dma_start3A_273 = tpu.memref_squeeze %dma_start3A_272 : memref<1x512xi32, #tpu.memory_space<hbm>> -> memref<512xi32, #tpu.memory_space<hbm>>
      %dma_start3A_274 = arith.constant 5632 : i32
      %dma_start3A_275 = tpu.memref_slice %arg7[%dma_start3A_274] : memref<13312xi32, #tpu.memory_space<vmem>> -> memref<512xi32, #tpu.memory_space<vmem>>
      %dma_start3A_276 = tpu.memref_slice %arg4[%run_scoped3A_35, %mul3A_34] : memref<26x16384xi32, #tpu.memory_space<hbm>> -> memref<1x512xi32, #tpu.memory_space<hbm>>
      %dma_start3A_277 = tpu.memref_squeeze %dma_start3A_276 : memref<1x512xi32, #tpu.memory_space<hbm>> -> memref<512xi32, #tpu.memory_space<hbm>>
      tpu.enqueue_dma source(%dma_start3A_277 : memref<512xi32, #tpu.memory_space<hbm>>) target(%dma_start3A_275 : memref<512xi32, #tpu.memory_space<vmem>>) target_semaphore(%run_scoped3A_270 : memref<!tpu.dma_semaphore, #tpu.memory_space<semaphore_mem>>)
      %dma_wait3A = arith.constant 5632 : i32
      %dma_wait3A_278 = tpu.memref_slice %arg7[%dma_wait3A] : memref<13312xi32, #tpu.memory_space<vmem>> -> memref<512xi32, #tpu.memory_space<vmem>>
      %dma_wait3A_279 = tpu.memref_slice %arg4[%run_scoped3A_35, %mul3A_34] : memref<26x16384xi32, #tpu.memory_space<hbm>> -> memref<1x512xi32, #tpu.memory_space<hbm>>
      %dma_wait3A_280 = tpu.memref_squeeze %dma_wait3A_279 : memref<1x512xi32, #tpu.memory_space<hbm>> -> memref<512xi32, #tpu.memory_space<hbm>>
      %dma_wait3A_281 = arith.constant 5632 : i32
      %dma_wait3A_282 = tpu.memref_slice %arg7[%dma_wait3A_281] : memref<13312xi32, #tpu.memory_space<vmem>> -> memref<512xi32, #tpu.memory_space<vmem>>
      %dma_wait3A_283 = tpu.memref_slice %arg4[%run_scoped3A_35, %mul3A_34] : memref<26x16384xi32, #tpu.memory_space<hbm>> -> memref<1x512xi32, #tpu.memory_space<hbm>>
      %dma_wait3A_284 = tpu.memref_squeeze %dma_wait3A_283 : memref<1x512xi32, #tpu.memory_space<hbm>> -> memref<512xi32, #tpu.memory_space<hbm>>
      tpu.wait_dma2 semaphore(%run_scoped3A_270 : memref<!tpu.dma_semaphore, #tpu.memory_space<semaphore_mem>>) src(%dma_wait3A_284 : memref<512xi32, #tpu.memory_space<hbm>>) dst(%dma_wait3A_282 : memref<512xi32, #tpu.memory_space<vmem>>)
      tpu.yield
    }) : () -> ()
    %mul3A_36 = arith.constant 512 : i32
    %mul3A_37 = arith.muli %add3A, %mul3A_36 : i32
    %run_scoped3A_38 = arith.constant 12 : i32
    "tpu.region"() ({
      %run_scoped3A_270 = tpu.sem_alloc : memref<!tpu.dma_semaphore, #tpu.memory_space<semaphore_mem>>
      %dma_start3A = arith.constant 6144 : i32
      %dma_start3A_271 = tpu.memref_slice %arg7[%dma_start3A] : memref<13312xi32, #tpu.memory_space<vmem>> -> memref<512xi32, #tpu.memory_space<vmem>>
      %dma_start3A_272 = tpu.memref_slice %arg4[%run_scoped3A_38, %mul3A_37] : memref<26x16384xi32, #tpu.memory_space<hbm>> -> memref<1x512xi32, #tpu.memory_space<hbm>>
      %dma_start3A_273 = tpu.memref_squeeze %dma_start3A_272 : memref<1x512xi32, #tpu.memory_space<hbm>> -> memref<512xi32, #tpu.memory_space<hbm>>
      %dma_start3A_274 = arith.constant 6144 : i32
      %dma_start3A_275 = tpu.memref_slice %arg7[%dma_start3A_274] : memref<13312xi32, #tpu.memory_space<vmem>> -> memref<512xi32, #tpu.memory_space<vmem>>
      %dma_start3A_276 = tpu.memref_slice %arg4[%run_scoped3A_38, %mul3A_37] : memref<26x16384xi32, #tpu.memory_space<hbm>> -> memref<1x512xi32, #tpu.memory_space<hbm>>
      %dma_start3A_277 = tpu.memref_squeeze %dma_start3A_276 : memref<1x512xi32, #tpu.memory_space<hbm>> -> memref<512xi32, #tpu.memory_space<hbm>>
      tpu.enqueue_dma source(%dma_start3A_277 : memref<512xi32, #tpu.memory_space<hbm>>) target(%dma_start3A_275 : memref<512xi32, #tpu.memory_space<vmem>>) target_semaphore(%run_scoped3A_270 : memref<!tpu.dma_semaphore, #tpu.memory_space<semaphore_mem>>)
      %dma_wait3A = arith.constant 6144 : i32
      %dma_wait3A_278 = tpu.memref_slice %arg7[%dma_wait3A] : memref<13312xi32, #tpu.memory_space<vmem>> -> memref<512xi32, #tpu.memory_space<vmem>>
      %dma_wait3A_279 = tpu.memref_slice %arg4[%run_scoped3A_38, %mul3A_37] : memref<26x16384xi32, #tpu.memory_space<hbm>> -> memref<1x512xi32, #tpu.memory_space<hbm>>
      %dma_wait3A_280 = tpu.memref_squeeze %dma_wait3A_279 : memref<1x512xi32, #tpu.memory_space<hbm>> -> memref<512xi32, #tpu.memory_space<hbm>>
      %dma_wait3A_281 = arith.constant 6144 : i32
      %dma_wait3A_282 = tpu.memref_slice %arg7[%dma_wait3A_281] : memref<13312xi32, #tpu.memory_space<vmem>> -> memref<512xi32, #tpu.memory_space<vmem>>
      %dma_wait3A_283 = tpu.memref_slice %arg4[%run_scoped3A_38, %mul3A_37] : memref<26x16384xi32, #tpu.memory_space<hbm>> -> memref<1x512xi32, #tpu.memory_space<hbm>>
      %dma_wait3A_284 = tpu.memref_squeeze %dma_wait3A_283 : memref<1x512xi32, #tpu.memory_space<hbm>> -> memref<512xi32, #tpu.memory_space<hbm>>
      tpu.wait_dma2 semaphore(%run_scoped3A_270 : memref<!tpu.dma_semaphore, #tpu.memory_space<semaphore_mem>>) src(%dma_wait3A_284 : memref<512xi32, #tpu.memory_space<hbm>>) dst(%dma_wait3A_282 : memref<512xi32, #tpu.memory_space<vmem>>)
      tpu.yield
    }) : () -> ()
    %mul3A_39 = arith.constant 512 : i32
    %mul3A_40 = arith.muli %add3A, %mul3A_39 : i32
    %run_scoped3A_41 = arith.constant 13 : i32
    "tpu.region"() ({
      %run_scoped3A_270 = tpu.sem_alloc : memref<!tpu.dma_semaphore, #tpu.memory_space<semaphore_mem>>
      %dma_start3A = arith.constant 6656 : i32
      %dma_start3A_271 = tpu.memref_slice %arg7[%dma_start3A] : memref<13312xi32, #tpu.memory_space<vmem>> -> memref<512xi32, #tpu.memory_space<vmem>>
      %dma_start3A_272 = tpu.memref_slice %arg4[%run_scoped3A_41, %mul3A_40] : memref<26x16384xi32, #tpu.memory_space<hbm>> -> memref<1x512xi32, #tpu.memory_space<hbm>>
      %dma_start3A_273 = tpu.memref_squeeze %dma_start3A_272 : memref<1x512xi32, #tpu.memory_space<hbm>> -> memref<512xi32, #tpu.memory_space<hbm>>
      %dma_start3A_274 = arith.constant 6656 : i32
      %dma_start3A_275 = tpu.memref_slice %arg7[%dma_start3A_274] : memref<13312xi32, #tpu.memory_space<vmem>> -> memref<512xi32, #tpu.memory_space<vmem>>
      %dma_start3A_276 = tpu.memref_slice %arg4[%run_scoped3A_41, %mul3A_40] : memref<26x16384xi32, #tpu.memory_space<hbm>> -> memref<1x512xi32, #tpu.memory_space<hbm>>
      %dma_start3A_277 = tpu.memref_squeeze %dma_start3A_276 : memref<1x512xi32, #tpu.memory_space<hbm>> -> memref<512xi32, #tpu.memory_space<hbm>>
      tpu.enqueue_dma source(%dma_start3A_277 : memref<512xi32, #tpu.memory_space<hbm>>) target(%dma_start3A_275 : memref<512xi32, #tpu.memory_space<vmem>>) target_semaphore(%run_scoped3A_270 : memref<!tpu.dma_semaphore, #tpu.memory_space<semaphore_mem>>)
      %dma_wait3A = arith.constant 6656 : i32
      %dma_wait3A_278 = tpu.memref_slice %arg7[%dma_wait3A] : memref<13312xi32, #tpu.memory_space<vmem>> -> memref<512xi32, #tpu.memory_space<vmem>>
      %dma_wait3A_279 = tpu.memref_slice %arg4[%run_scoped3A_41, %mul3A_40] : memref<26x16384xi32, #tpu.memory_space<hbm>> -> memref<1x512xi32, #tpu.memory_space<hbm>>
      %dma_wait3A_280 = tpu.memref_squeeze %dma_wait3A_279 : memref<1x512xi32, #tpu.memory_space<hbm>> -> memref<512xi32, #tpu.memory_space<hbm>>
      %dma_wait3A_281 = arith.constant 6656 : i32
      %dma_wait3A_282 = tpu.memref_slice %arg7[%dma_wait3A_281] : memref<13312xi32, #tpu.memory_space<vmem>> -> memref<512xi32, #tpu.memory_space<vmem>>
      %dma_wait3A_283 = tpu.memref_slice %arg4[%run_scoped3A_41, %mul3A_40] : memref<26x16384xi32, #tpu.memory_space<hbm>> -> memref<1x512xi32, #tpu.memory_space<hbm>>
      %dma_wait3A_284 = tpu.memref_squeeze %dma_wait3A_283 : memref<1x512xi32, #tpu.memory_space<hbm>> -> memref<512xi32, #tpu.memory_space<hbm>>
      tpu.wait_dma2 semaphore(%run_scoped3A_270 : memref<!tpu.dma_semaphore, #tpu.memory_space<semaphore_mem>>) src(%dma_wait3A_284 : memref<512xi32, #tpu.memory_space<hbm>>) dst(%dma_wait3A_282 : memref<512xi32, #tpu.memory_space<vmem>>)
      tpu.yield
    }) : () -> ()
    %mul3A_42 = arith.constant 512 : i32
    %mul3A_43 = arith.muli %add3A, %mul3A_42 : i32
    %run_scoped3A_44 = arith.constant 14 : i32
    "tpu.region"() ({
      %run_scoped3A_270 = tpu.sem_alloc : memref<!tpu.dma_semaphore, #tpu.memory_space<semaphore_mem>>
      %dma_start3A = arith.constant 7168 : i32
      %dma_start3A_271 = tpu.memref_slice %arg7[%dma_start3A] : memref<13312xi32, #tpu.memory_space<vmem>> -> memref<512xi32, #tpu.memory_space<vmem>>
      %dma_start3A_272 = tpu.memref_slice %arg4[%run_scoped3A_44, %mul3A_43] : memref<26x16384xi32, #tpu.memory_space<hbm>> -> memref<1x512xi32, #tpu.memory_space<hbm>>
      %dma_start3A_273 = tpu.memref_squeeze %dma_start3A_272 : memref<1x512xi32, #tpu.memory_space<hbm>> -> memref<512xi32, #tpu.memory_space<hbm>>
      %dma_start3A_274 = arith.constant 7168 : i32
      %dma_start3A_275 = tpu.memref_slice %arg7[%dma_start3A_274] : memref<13312xi32, #tpu.memory_space<vmem>> -> memref<512xi32, #tpu.memory_space<vmem>>
      %dma_start3A_276 = tpu.memref_slice %arg4[%run_scoped3A_44, %mul3A_43] : memref<26x16384xi32, #tpu.memory_space<hbm>> -> memref<1x512xi32, #tpu.memory_space<hbm>>
      %dma_start3A_277 = tpu.memref_squeeze %dma_start3A_276 : memref<1x512xi32, #tpu.memory_space<hbm>> -> memref<512xi32, #tpu.memory_space<hbm>>
      tpu.enqueue_dma source(%dma_start3A_277 : memref<512xi32, #tpu.memory_space<hbm>>) target(%dma_start3A_275 : memref<512xi32, #tpu.memory_space<vmem>>) target_semaphore(%run_scoped3A_270 : memref<!tpu.dma_semaphore, #tpu.memory_space<semaphore_mem>>)
      %dma_wait3A = arith.constant 7168 : i32
      %dma_wait3A_278 = tpu.memref_slice %arg7[%dma_wait3A] : memref<13312xi32, #tpu.memory_space<vmem>> -> memref<512xi32, #tpu.memory_space<vmem>>
      %dma_wait3A_279 = tpu.memref_slice %arg4[%run_scoped3A_44, %mul3A_43] : memref<26x16384xi32, #tpu.memory_space<hbm>> -> memref<1x512xi32, #tpu.memory_space<hbm>>
      %dma_wait3A_280 = tpu.memref_squeeze %dma_wait3A_279 : memref<1x512xi32, #tpu.memory_space<hbm>> -> memref<512xi32, #tpu.memory_space<hbm>>
      %dma_wait3A_281 = arith.constant 7168 : i32
      %dma_wait3A_282 = tpu.memref_slice %arg7[%dma_wait3A_281] : memref<13312xi32, #tpu.memory_space<vmem>> -> memref<512xi32, #tpu.memory_space<vmem>>
      %dma_wait3A_283 = tpu.memref_slice %arg4[%run_scoped3A_44, %mul3A_43] : memref<26x16384xi32, #tpu.memory_space<hbm>> -> memref<1x512xi32, #tpu.memory_space<hbm>>
      %dma_wait3A_284 = tpu.memref_squeeze %dma_wait3A_283 : memref<1x512xi32, #tpu.memory_space<hbm>> -> memref<512xi32, #tpu.memory_space<hbm>>
      tpu.wait_dma2 semaphore(%run_scoped3A_270 : memref<!tpu.dma_semaphore, #tpu.memory_space<semaphore_mem>>) src(%dma_wait3A_284 : memref<512xi32, #tpu.memory_space<hbm>>) dst(%dma_wait3A_282 : memref<512xi32, #tpu.memory_space<vmem>>)
      tpu.yield
    }) : () -> ()
    %mul3A_45 = arith.constant 512 : i32
    %mul3A_46 = arith.muli %add3A, %mul3A_45 : i32
    %run_scoped3A_47 = arith.constant 15 : i32
    "tpu.region"() ({
      %run_scoped3A_270 = tpu.sem_alloc : memref<!tpu.dma_semaphore, #tpu.memory_space<semaphore_mem>>
      %dma_start3A = arith.constant 7680 : i32
      %dma_start3A_271 = tpu.memref_slice %arg7[%dma_start3A] : memref<13312xi32, #tpu.memory_space<vmem>> -> memref<512xi32, #tpu.memory_space<vmem>>
      %dma_start3A_272 = tpu.memref_slice %arg4[%run_scoped3A_47, %mul3A_46] : memref<26x16384xi32, #tpu.memory_space<hbm>> -> memref<1x512xi32, #tpu.memory_space<hbm>>
      %dma_start3A_273 = tpu.memref_squeeze %dma_start3A_272 : memref<1x512xi32, #tpu.memory_space<hbm>> -> memref<512xi32, #tpu.memory_space<hbm>>
      %dma_start3A_274 = arith.constant 7680 : i32
      %dma_start3A_275 = tpu.memref_slice %arg7[%dma_start3A_274] : memref<13312xi32, #tpu.memory_space<vmem>> -> memref<512xi32, #tpu.memory_space<vmem>>
      %dma_start3A_276 = tpu.memref_slice %arg4[%run_scoped3A_47, %mul3A_46] : memref<26x16384xi32, #tpu.memory_space<hbm>> -> memref<1x512xi32, #tpu.memory_space<hbm>>
      %dma_start3A_277 = tpu.memref_squeeze %dma_start3A_276 : memref<1x512xi32, #tpu.memory_space<hbm>> -> memref<512xi32, #tpu.memory_space<hbm>>
      tpu.enqueue_dma source(%dma_start3A_277 : memref<512xi32, #tpu.memory_space<hbm>>) target(%dma_start3A_275 : memref<512xi32, #tpu.memory_space<vmem>>) target_semaphore(%run_scoped3A_270 : memref<!tpu.dma_semaphore, #tpu.memory_space<semaphore_mem>>)
      %dma_wait3A = arith.constant 7680 : i32
      %dma_wait3A_278 = tpu.memref_slice %arg7[%dma_wait3A] : memref<13312xi32, #tpu.memory_space<vmem>> -> memref<512xi32, #tpu.memory_space<vmem>>
      %dma_wait3A_279 = tpu.memref_slice %arg4[%run_scoped3A_47, %mul3A_46] : memref<26x16384xi32, #tpu.memory_space<hbm>> -> memref<1x512xi32, #tpu.memory_space<hbm>>
      %dma_wait3A_280 = tpu.memref_squeeze %dma_wait3A_279 : memref<1x512xi32, #tpu.memory_space<hbm>> -> memref<512xi32, #tpu.memory_space<hbm>>
      %dma_wait3A_281 = arith.constant 7680 : i32
      %dma_wait3A_282 = tpu.memref_slice %arg7[%dma_wait3A_281] : memref<13312xi32, #tpu.memory_space<vmem>> -> memref<512xi32, #tpu.memory_space<vmem>>
      %dma_wait3A_283 = tpu.memref_slice %arg4[%run_scoped3A_47, %mul3A_46] : memref<26x16384xi32, #tpu.memory_space<hbm>> -> memref<1x512xi32, #tpu.memory_space<hbm>>
      %dma_wait3A_284 = tpu.memref_squeeze %dma_wait3A_283 : memref<1x512xi32, #tpu.memory_space<hbm>> -> memref<512xi32, #tpu.memory_space<hbm>>
      tpu.wait_dma2 semaphore(%run_scoped3A_270 : memref<!tpu.dma_semaphore, #tpu.memory_space<semaphore_mem>>) src(%dma_wait3A_284 : memref<512xi32, #tpu.memory_space<hbm>>) dst(%dma_wait3A_282 : memref<512xi32, #tpu.memory_space<vmem>>)
      tpu.yield
    }) : () -> ()
    %mul3A_48 = arith.constant 512 : i32
    %mul3A_49 = arith.muli %add3A, %mul3A_48 : i32
    %run_scoped3A_50 = arith.constant 16 : i32
    "tpu.region"() ({
      %run_scoped3A_270 = tpu.sem_alloc : memref<!tpu.dma_semaphore, #tpu.memory_space<semaphore_mem>>
      %dma_start3A = arith.constant 8192 : i32
      %dma_start3A_271 = tpu.memref_slice %arg7[%dma_start3A] : memref<13312xi32, #tpu.memory_space<vmem>> -> memref<512xi32, #tpu.memory_space<vmem>>
      %dma_start3A_272 = tpu.memref_slice %arg4[%run_scoped3A_50, %mul3A_49] : memref<26x16384xi32, #tpu.memory_space<hbm>> -> memref<1x512xi32, #tpu.memory_space<hbm>>
      %dma_start3A_273 = tpu.memref_squeeze %dma_start3A_272 : memref<1x512xi32, #tpu.memory_space<hbm>> -> memref<512xi32, #tpu.memory_space<hbm>>
      %dma_start3A_274 = arith.constant 8192 : i32
      %dma_start3A_275 = tpu.memref_slice %arg7[%dma_start3A_274] : memref<13312xi32, #tpu.memory_space<vmem>> -> memref<512xi32, #tpu.memory_space<vmem>>
      %dma_start3A_276 = tpu.memref_slice %arg4[%run_scoped3A_50, %mul3A_49] : memref<26x16384xi32, #tpu.memory_space<hbm>> -> memref<1x512xi32, #tpu.memory_space<hbm>>
      %dma_start3A_277 = tpu.memref_squeeze %dma_start3A_276 : memref<1x512xi32, #tpu.memory_space<hbm>> -> memref<512xi32, #tpu.memory_space<hbm>>
      tpu.enqueue_dma source(%dma_start3A_277 : memref<512xi32, #tpu.memory_space<hbm>>) target(%dma_start3A_275 : memref<512xi32, #tpu.memory_space<vmem>>) target_semaphore(%run_scoped3A_270 : memref<!tpu.dma_semaphore, #tpu.memory_space<semaphore_mem>>)
      %dma_wait3A = arith.constant 8192 : i32
      %dma_wait3A_278 = tpu.memref_slice %arg7[%dma_wait3A] : memref<13312xi32, #tpu.memory_space<vmem>> -> memref<512xi32, #tpu.memory_space<vmem>>
      %dma_wait3A_279 = tpu.memref_slice %arg4[%run_scoped3A_50, %mul3A_49] : memref<26x16384xi32, #tpu.memory_space<hbm>> -> memref<1x512xi32, #tpu.memory_space<hbm>>
      %dma_wait3A_280 = tpu.memref_squeeze %dma_wait3A_279 : memref<1x512xi32, #tpu.memory_space<hbm>> -> memref<512xi32, #tpu.memory_space<hbm>>
      %dma_wait3A_281 = arith.constant 8192 : i32
      %dma_wait3A_282 = tpu.memref_slice %arg7[%dma_wait3A_281] : memref<13312xi32, #tpu.memory_space<vmem>> -> memref<512xi32, #tpu.memory_space<vmem>>
      %dma_wait3A_283 = tpu.memref_slice %arg4[%run_scoped3A_50, %mul3A_49] : memref<26x16384xi32, #tpu.memory_space<hbm>> -> memref<1x512xi32, #tpu.memory_space<hbm>>
      %dma_wait3A_284 = tpu.memref_squeeze %dma_wait3A_283 : memref<1x512xi32, #tpu.memory_space<hbm>> -> memref<512xi32, #tpu.memory_space<hbm>>
      tpu.wait_dma2 semaphore(%run_scoped3A_270 : memref<!tpu.dma_semaphore, #tpu.memory_space<semaphore_mem>>) src(%dma_wait3A_284 : memref<512xi32, #tpu.memory_space<hbm>>) dst(%dma_wait3A_282 : memref<512xi32, #tpu.memory_space<vmem>>)
      tpu.yield
    }) : () -> ()
    %mul3A_51 = arith.constant 512 : i32
    %mul3A_52 = arith.muli %add3A, %mul3A_51 : i32
    %run_scoped3A_53 = arith.constant 17 : i32
    "tpu.region"() ({
      %run_scoped3A_270 = tpu.sem_alloc : memref<!tpu.dma_semaphore, #tpu.memory_space<semaphore_mem>>
      %dma_start3A = arith.constant 8704 : i32
      %dma_start3A_271 = tpu.memref_slice %arg7[%dma_start3A] : memref<13312xi32, #tpu.memory_space<vmem>> -> memref<512xi32, #tpu.memory_space<vmem>>
      %dma_start3A_272 = tpu.memref_slice %arg4[%run_scoped3A_53, %mul3A_52] : memref<26x16384xi32, #tpu.memory_space<hbm>> -> memref<1x512xi32, #tpu.memory_space<hbm>>
      %dma_start3A_273 = tpu.memref_squeeze %dma_start3A_272 : memref<1x512xi32, #tpu.memory_space<hbm>> -> memref<512xi32, #tpu.memory_space<hbm>>
      %dma_start3A_274 = arith.constant 8704 : i32
      %dma_start3A_275 = tpu.memref_slice %arg7[%dma_start3A_274] : memref<13312xi32, #tpu.memory_space<vmem>> -> memref<512xi32, #tpu.memory_space<vmem>>
      %dma_start3A_276 = tpu.memref_slice %arg4[%run_scoped3A_53, %mul3A_52] : memref<26x16384xi32, #tpu.memory_space<hbm>> -> memref<1x512xi32, #tpu.memory_space<hbm>>
      %dma_start3A_277 = tpu.memref_squeeze %dma_start3A_276 : memref<1x512xi32, #tpu.memory_space<hbm>> -> memref<512xi32, #tpu.memory_space<hbm>>
      tpu.enqueue_dma source(%dma_start3A_277 : memref<512xi32, #tpu.memory_space<hbm>>) target(%dma_start3A_275 : memref<512xi32, #tpu.memory_space<vmem>>) target_semaphore(%run_scoped3A_270 : memref<!tpu.dma_semaphore, #tpu.memory_space<semaphore_mem>>)
      %dma_wait3A = arith.constant 8704 : i32
      %dma_wait3A_278 = tpu.memref_slice %arg7[%dma_wait3A] : memref<13312xi32, #tpu.memory_space<vmem>> -> memref<512xi32, #tpu.memory_space<vmem>>
      %dma_wait3A_279 = tpu.memref_slice %arg4[%run_scoped3A_53, %mul3A_52] : memref<26x16384xi32, #tpu.memory_space<hbm>> -> memref<1x512xi32, #tpu.memory_space<hbm>>
      %dma_wait3A_280 = tpu.memref_squeeze %dma_wait3A_279 : memref<1x512xi32, #tpu.memory_space<hbm>> -> memref<512xi32, #tpu.memory_space<hbm>>
      %dma_wait3A_281 = arith.constant 8704 : i32
      %dma_wait3A_282 = tpu.memref_slice %arg7[%dma_wait3A_281] : memref<13312xi32, #tpu.memory_space<vmem>> -> memref<512xi32, #tpu.memory_space<vmem>>
      %dma_wait3A_283 = tpu.memref_slice %arg4[%run_scoped3A_53, %mul3A_52] : memref<26x16384xi32, #tpu.memory_space<hbm>> -> memref<1x512xi32, #tpu.memory_space<hbm>>
      %dma_wait3A_284 = tpu.memref_squeeze %dma_wait3A_283 : memref<1x512xi32, #tpu.memory_space<hbm>> -> memref<512xi32, #tpu.memory_space<hbm>>
      tpu.wait_dma2 semaphore(%run_scoped3A_270 : memref<!tpu.dma_semaphore, #tpu.memory_space<semaphore_mem>>) src(%dma_wait3A_284 : memref<512xi32, #tpu.memory_space<hbm>>) dst(%dma_wait3A_282 : memref<512xi32, #tpu.memory_space<vmem>>)
      tpu.yield
    }) : () -> ()
    %mul3A_54 = arith.constant 512 : i32
    %mul3A_55 = arith.muli %add3A, %mul3A_54 : i32
    %run_scoped3A_56 = arith.constant 18 : i32
    "tpu.region"() ({
      %run_scoped3A_270 = tpu.sem_alloc : memref<!tpu.dma_semaphore, #tpu.memory_space<semaphore_mem>>
      %dma_start3A = arith.constant 9216 : i32
      %dma_start3A_271 = tpu.memref_slice %arg7[%dma_start3A] : memref<13312xi32, #tpu.memory_space<vmem>> -> memref<512xi32, #tpu.memory_space<vmem>>
      %dma_start3A_272 = tpu.memref_slice %arg4[%run_scoped3A_56, %mul3A_55] : memref<26x16384xi32, #tpu.memory_space<hbm>> -> memref<1x512xi32, #tpu.memory_space<hbm>>
      %dma_start3A_273 = tpu.memref_squeeze %dma_start3A_272 : memref<1x512xi32, #tpu.memory_space<hbm>> -> memref<512xi32, #tpu.memory_space<hbm>>
      %dma_start3A_274 = arith.constant 9216 : i32
      %dma_start3A_275 = tpu.memref_slice %arg7[%dma_start3A_274] : memref<13312xi32, #tpu.memory_space<vmem>> -> memref<512xi32, #tpu.memory_space<vmem>>
      %dma_start3A_276 = tpu.memref_slice %arg4[%run_scoped3A_56, %mul3A_55] : memref<26x16384xi32, #tpu.memory_space<hbm>> -> memref<1x512xi32, #tpu.memory_space<hbm>>
      %dma_start3A_277 = tpu.memref_squeeze %dma_start3A_276 : memref<1x512xi32, #tpu.memory_space<hbm>> -> memref<512xi32, #tpu.memory_space<hbm>>
      tpu.enqueue_dma source(%dma_start3A_277 : memref<512xi32, #tpu.memory_space<hbm>>) target(%dma_start3A_275 : memref<512xi32, #tpu.memory_space<vmem>>) target_semaphore(%run_scoped3A_270 : memref<!tpu.dma_semaphore, #tpu.memory_space<semaphore_mem>>)
      %dma_wait3A = arith.constant 9216 : i32
      %dma_wait3A_278 = tpu.memref_slice %arg7[%dma_wait3A] : memref<13312xi32, #tpu.memory_space<vmem>> -> memref<512xi32, #tpu.memory_space<vmem>>
      %dma_wait3A_279 = tpu.memref_slice %arg4[%run_scoped3A_56, %mul3A_55] : memref<26x16384xi32, #tpu.memory_space<hbm>> -> memref<1x512xi32, #tpu.memory_space<hbm>>
      %dma_wait3A_280 = tpu.memref_squeeze %dma_wait3A_279 : memref<1x512xi32, #tpu.memory_space<hbm>> -> memref<512xi32, #tpu.memory_space<hbm>>
      %dma_wait3A_281 = arith.constant 9216 : i32
      %dma_wait3A_282 = tpu.memref_slice %arg7[%dma_wait3A_281] : memref<13312xi32, #tpu.memory_space<vmem>> -> memref<512xi32, #tpu.memory_space<vmem>>
      %dma_wait3A_283 = tpu.memref_slice %arg4[%run_scoped3A_56, %mul3A_55] : memref<26x16384xi32, #tpu.memory_space<hbm>> -> memref<1x512xi32, #tpu.memory_space<hbm>>
      %dma_wait3A_284 = tpu.memref_squeeze %dma_wait3A_283 : memref<1x512xi32, #tpu.memory_space<hbm>> -> memref<512xi32, #tpu.memory_space<hbm>>
      tpu.wait_dma2 semaphore(%run_scoped3A_270 : memref<!tpu.dma_semaphore, #tpu.memory_space<semaphore_mem>>) src(%dma_wait3A_284 : memref<512xi32, #tpu.memory_space<hbm>>) dst(%dma_wait3A_282 : memref<512xi32, #tpu.memory_space<vmem>>)
      tpu.yield
    }) : () -> ()
    %mul3A_57 = arith.constant 512 : i32
    %mul3A_58 = arith.muli %add3A, %mul3A_57 : i32
    %run_scoped3A_59 = arith.constant 19 : i32
    "tpu.region"() ({
      %run_scoped3A_270 = tpu.sem_alloc : memref<!tpu.dma_semaphore, #tpu.memory_space<semaphore_mem>>
      %dma_start3A = arith.constant 9728 : i32
      %dma_start3A_271 = tpu.memref_slice %arg7[%dma_start3A] : memref<13312xi32, #tpu.memory_space<vmem>> -> memref<512xi32, #tpu.memory_space<vmem>>
      %dma_start3A_272 = tpu.memref_slice %arg4[%run_scoped3A_59, %mul3A_58] : memref<26x16384xi32, #tpu.memory_space<hbm>> -> memref<1x512xi32, #tpu.memory_space<hbm>>
      %dma_start3A_273 = tpu.memref_squeeze %dma_start3A_272 : memref<1x512xi32, #tpu.memory_space<hbm>> -> memref<512xi32, #tpu.memory_space<hbm>>
      %dma_start3A_274 = arith.constant 9728 : i32
      %dma_start3A_275 = tpu.memref_slice %arg7[%dma_start3A_274] : memref<13312xi32, #tpu.memory_space<vmem>> -> memref<512xi32, #tpu.memory_space<vmem>>
      %dma_start3A_276 = tpu.memref_slice %arg4[%run_scoped3A_59, %mul3A_58] : memref<26x16384xi32, #tpu.memory_space<hbm>> -> memref<1x512xi32, #tpu.memory_space<hbm>>
      %dma_start3A_277 = tpu.memref_squeeze %dma_start3A_276 : memref<1x512xi32, #tpu.memory_space<hbm>> -> memref<512xi32, #tpu.memory_space<hbm>>
      tpu.enqueue_dma source(%dma_start3A_277 : memref<512xi32, #tpu.memory_space<hbm>>) target(%dma_start3A_275 : memref<512xi32, #tpu.memory_space<vmem>>) target_semaphore(%run_scoped3A_270 : memref<!tpu.dma_semaphore, #tpu.memory_space<semaphore_mem>>)
      %dma_wait3A = arith.constant 9728 : i32
      %dma_wait3A_278 = tpu.memref_slice %arg7[%dma_wait3A] : memref<13312xi32, #tpu.memory_space<vmem>> -> memref<512xi32, #tpu.memory_space<vmem>>
      %dma_wait3A_279 = tpu.memref_slice %arg4[%run_scoped3A_59, %mul3A_58] : memref<26x16384xi32, #tpu.memory_space<hbm>> -> memref<1x512xi32, #tpu.memory_space<hbm>>
      %dma_wait3A_280 = tpu.memref_squeeze %dma_wait3A_279 : memref<1x512xi32, #tpu.memory_space<hbm>> -> memref<512xi32, #tpu.memory_space<hbm>>
      %dma_wait3A_281 = arith.constant 9728 : i32
      %dma_wait3A_282 = tpu.memref_slice %arg7[%dma_wait3A_281] : memref<13312xi32, #tpu.memory_space<vmem>> -> memref<512xi32, #tpu.memory_space<vmem>>
      %dma_wait3A_283 = tpu.memref_slice %arg4[%run_scoped3A_59, %mul3A_58] : memref<26x16384xi32, #tpu.memory_space<hbm>> -> memref<1x512xi32, #tpu.memory_space<hbm>>
      %dma_wait3A_284 = tpu.memref_squeeze %dma_wait3A_283 : memref<1x512xi32, #tpu.memory_space<hbm>> -> memref<512xi32, #tpu.memory_space<hbm>>
      tpu.wait_dma2 semaphore(%run_scoped3A_270 : memref<!tpu.dma_semaphore, #tpu.memory_space<semaphore_mem>>) src(%dma_wait3A_284 : memref<512xi32, #tpu.memory_space<hbm>>) dst(%dma_wait3A_282 : memref<512xi32, #tpu.memory_space<vmem>>)
      tpu.yield
    }) : () -> ()
    %mul3A_60 = arith.constant 512 : i32
    %mul3A_61 = arith.muli %add3A, %mul3A_60 : i32
    %run_scoped3A_62 = arith.constant 20 : i32
    "tpu.region"() ({
      %run_scoped3A_270 = tpu.sem_alloc : memref<!tpu.dma_semaphore, #tpu.memory_space<semaphore_mem>>
      %dma_start3A = arith.constant 10240 : i32
      %dma_start3A_271 = tpu.memref_slice %arg7[%dma_start3A] : memref<13312xi32, #tpu.memory_space<vmem>> -> memref<512xi32, #tpu.memory_space<vmem>>
      %dma_start3A_272 = tpu.memref_slice %arg4[%run_scoped3A_62, %mul3A_61] : memref<26x16384xi32, #tpu.memory_space<hbm>> -> memref<1x512xi32, #tpu.memory_space<hbm>>
      %dma_start3A_273 = tpu.memref_squeeze %dma_start3A_272 : memref<1x512xi32, #tpu.memory_space<hbm>> -> memref<512xi32, #tpu.memory_space<hbm>>
      %dma_start3A_274 = arith.constant 10240 : i32
      %dma_start3A_275 = tpu.memref_slice %arg7[%dma_start3A_274] : memref<13312xi32, #tpu.memory_space<vmem>> -> memref<512xi32, #tpu.memory_space<vmem>>
      %dma_start3A_276 = tpu.memref_slice %arg4[%run_scoped3A_62, %mul3A_61] : memref<26x16384xi32, #tpu.memory_space<hbm>> -> memref<1x512xi32, #tpu.memory_space<hbm>>
      %dma_start3A_277 = tpu.memref_squeeze %dma_start3A_276 : memref<1x512xi32, #tpu.memory_space<hbm>> -> memref<512xi32, #tpu.memory_space<hbm>>
      tpu.enqueue_dma source(%dma_start3A_277 : memref<512xi32, #tpu.memory_space<hbm>>) target(%dma_start3A_275 : memref<512xi32, #tpu.memory_space<vmem>>) target_semaphore(%run_scoped3A_270 : memref<!tpu.dma_semaphore, #tpu.memory_space<semaphore_mem>>)
      %dma_wait3A = arith.constant 10240 : i32
      %dma_wait3A_278 = tpu.memref_slice %arg7[%dma_wait3A] : memref<13312xi32, #tpu.memory_space<vmem>> -> memref<512xi32, #tpu.memory_space<vmem>>
      %dma_wait3A_279 = tpu.memref_slice %arg4[%run_scoped3A_62, %mul3A_61] : memref<26x16384xi32, #tpu.memory_space<hbm>> -> memref<1x512xi32, #tpu.memory_space<hbm>>
      %dma_wait3A_280 = tpu.memref_squeeze %dma_wait3A_279 : memref<1x512xi32, #tpu.memory_space<hbm>> -> memref<512xi32, #tpu.memory_space<hbm>>
      %dma_wait3A_281 = arith.constant 10240 : i32
      %dma_wait3A_282 = tpu.memref_slice %arg7[%dma_wait3A_281] : memref<13312xi32, #tpu.memory_space<vmem>> -> memref<512xi32, #tpu.memory_space<vmem>>
      %dma_wait3A_283 = tpu.memref_slice %arg4[%run_scoped3A_62, %mul3A_61] : memref<26x16384xi32, #tpu.memory_space<hbm>> -> memref<1x512xi32, #tpu.memory_space<hbm>>
      %dma_wait3A_284 = tpu.memref_squeeze %dma_wait3A_283 : memref<1x512xi32, #tpu.memory_space<hbm>> -> memref<512xi32, #tpu.memory_space<hbm>>
      tpu.wait_dma2 semaphore(%run_scoped3A_270 : memref<!tpu.dma_semaphore, #tpu.memory_space<semaphore_mem>>) src(%dma_wait3A_284 : memref<512xi32, #tpu.memory_space<hbm>>) dst(%dma_wait3A_282 : memref<512xi32, #tpu.memory_space<vmem>>)
      tpu.yield
    }) : () -> ()
    %mul3A_63 = arith.constant 512 : i32
    %mul3A_64 = arith.muli %add3A, %mul3A_63 : i32
    %run_scoped3A_65 = arith.constant 21 : i32
    "tpu.region"() ({
      %run_scoped3A_270 = tpu.sem_alloc : memref<!tpu.dma_semaphore, #tpu.memory_space<semaphore_mem>>
      %dma_start3A = arith.constant 10752 : i32
      %dma_start3A_271 = tpu.memref_slice %arg7[%dma_start3A] : memref<13312xi32, #tpu.memory_space<vmem>> -> memref<512xi32, #tpu.memory_space<vmem>>
      %dma_start3A_272 = tpu.memref_slice %arg4[%run_scoped3A_65, %mul3A_64] : memref<26x16384xi32, #tpu.memory_space<hbm>> -> memref<1x512xi32, #tpu.memory_space<hbm>>
      %dma_start3A_273 = tpu.memref_squeeze %dma_start3A_272 : memref<1x512xi32, #tpu.memory_space<hbm>> -> memref<512xi32, #tpu.memory_space<hbm>>
      %dma_start3A_274 = arith.constant 10752 : i32
      %dma_start3A_275 = tpu.memref_slice %arg7[%dma_start3A_274] : memref<13312xi32, #tpu.memory_space<vmem>> -> memref<512xi32, #tpu.memory_space<vmem>>
      %dma_start3A_276 = tpu.memref_slice %arg4[%run_scoped3A_65, %mul3A_64] : memref<26x16384xi32, #tpu.memory_space<hbm>> -> memref<1x512xi32, #tpu.memory_space<hbm>>
      %dma_start3A_277 = tpu.memref_squeeze %dma_start3A_276 : memref<1x512xi32, #tpu.memory_space<hbm>> -> memref<512xi32, #tpu.memory_space<hbm>>
      tpu.enqueue_dma source(%dma_start3A_277 : memref<512xi32, #tpu.memory_space<hbm>>) target(%dma_start3A_275 : memref<512xi32, #tpu.memory_space<vmem>>) target_semaphore(%run_scoped3A_270 : memref<!tpu.dma_semaphore, #tpu.memory_space<semaphore_mem>>)
      %dma_wait3A = arith.constant 10752 : i32
      %dma_wait3A_278 = tpu.memref_slice %arg7[%dma_wait3A] : memref<13312xi32, #tpu.memory_space<vmem>> -> memref<512xi32, #tpu.memory_space<vmem>>
      %dma_wait3A_279 = tpu.memref_slice %arg4[%run_scoped3A_65, %mul3A_64] : memref<26x16384xi32, #tpu.memory_space<hbm>> -> memref<1x512xi32, #tpu.memory_space<hbm>>
      %dma_wait3A_280 = tpu.memref_squeeze %dma_wait3A_279 : memref<1x512xi32, #tpu.memory_space<hbm>> -> memref<512xi32, #tpu.memory_space<hbm>>
      %dma_wait3A_281 = arith.constant 10752 : i32
      %dma_wait3A_282 = tpu.memref_slice %arg7[%dma_wait3A_281] : memref<13312xi32, #tpu.memory_space<vmem>> -> memref<512xi32, #tpu.memory_space<vmem>>
      %dma_wait3A_283 = tpu.memref_slice %arg4[%run_scoped3A_65, %mul3A_64] : memref<26x16384xi32, #tpu.memory_space<hbm>> -> memref<1x512xi32, #tpu.memory_space<hbm>>
      %dma_wait3A_284 = tpu.memref_squeeze %dma_wait3A_283 : memref<1x512xi32, #tpu.memory_space<hbm>> -> memref<512xi32, #tpu.memory_space<hbm>>
      tpu.wait_dma2 semaphore(%run_scoped3A_270 : memref<!tpu.dma_semaphore, #tpu.memory_space<semaphore_mem>>) src(%dma_wait3A_284 : memref<512xi32, #tpu.memory_space<hbm>>) dst(%dma_wait3A_282 : memref<512xi32, #tpu.memory_space<vmem>>)
      tpu.yield
    }) : () -> ()
    %mul3A_66 = arith.constant 512 : i32
    %mul3A_67 = arith.muli %add3A, %mul3A_66 : i32
    %run_scoped3A_68 = arith.constant 22 : i32
    "tpu.region"() ({
      %run_scoped3A_270 = tpu.sem_alloc : memref<!tpu.dma_semaphore, #tpu.memory_space<semaphore_mem>>
      %dma_start3A = arith.constant 11264 : i32
      %dma_start3A_271 = tpu.memref_slice %arg7[%dma_start3A] : memref<13312xi32, #tpu.memory_space<vmem>> -> memref<512xi32, #tpu.memory_space<vmem>>
      %dma_start3A_272 = tpu.memref_slice %arg4[%run_scoped3A_68, %mul3A_67] : memref<26x16384xi32, #tpu.memory_space<hbm>> -> memref<1x512xi32, #tpu.memory_space<hbm>>
      %dma_start3A_273 = tpu.memref_squeeze %dma_start3A_272 : memref<1x512xi32, #tpu.memory_space<hbm>> -> memref<512xi32, #tpu.memory_space<hbm>>
      %dma_start3A_274 = arith.constant 11264 : i32
      %dma_start3A_275 = tpu.memref_slice %arg7[%dma_start3A_274] : memref<13312xi32, #tpu.memory_space<vmem>> -> memref<512xi32, #tpu.memory_space<vmem>>
      %dma_start3A_276 = tpu.memref_slice %arg4[%run_scoped3A_68, %mul3A_67] : memref<26x16384xi32, #tpu.memory_space<hbm>> -> memref<1x512xi32, #tpu.memory_space<hbm>>
      %dma_start3A_277 = tpu.memref_squeeze %dma_start3A_276 : memref<1x512xi32, #tpu.memory_space<hbm>> -> memref<512xi32, #tpu.memory_space<hbm>>
      tpu.enqueue_dma source(%dma_start3A_277 : memref<512xi32, #tpu.memory_space<hbm>>) target(%dma_start3A_275 : memref<512xi32, #tpu.memory_space<vmem>>) target_semaphore(%run_scoped3A_270 : memref<!tpu.dma_semaphore, #tpu.memory_space<semaphore_mem>>)
      %dma_wait3A = arith.constant 11264 : i32
      %dma_wait3A_278 = tpu.memref_slice %arg7[%dma_wait3A] : memref<13312xi32, #tpu.memory_space<vmem>> -> memref<512xi32, #tpu.memory_space<vmem>>
      %dma_wait3A_279 = tpu.memref_slice %arg4[%run_scoped3A_68, %mul3A_67] : memref<26x16384xi32, #tpu.memory_space<hbm>> -> memref<1x512xi32, #tpu.memory_space<hbm>>
      %dma_wait3A_280 = tpu.memref_squeeze %dma_wait3A_279 : memref<1x512xi32, #tpu.memory_space<hbm>> -> memref<512xi32, #tpu.memory_space<hbm>>
      %dma_wait3A_281 = arith.constant 11264 : i32
      %dma_wait3A_282 = tpu.memref_slice %arg7[%dma_wait3A_281] : memref<13312xi32, #tpu.memory_space<vmem>> -> memref<512xi32, #tpu.memory_space<vmem>>
      %dma_wait3A_283 = tpu.memref_slice %arg4[%run_scoped3A_68, %mul3A_67] : memref<26x16384xi32, #tpu.memory_space<hbm>> -> memref<1x512xi32, #tpu.memory_space<hbm>>
      %dma_wait3A_284 = tpu.memref_squeeze %dma_wait3A_283 : memref<1x512xi32, #tpu.memory_space<hbm>> -> memref<512xi32, #tpu.memory_space<hbm>>
      tpu.wait_dma2 semaphore(%run_scoped3A_270 : memref<!tpu.dma_semaphore, #tpu.memory_space<semaphore_mem>>) src(%dma_wait3A_284 : memref<512xi32, #tpu.memory_space<hbm>>) dst(%dma_wait3A_282 : memref<512xi32, #tpu.memory_space<vmem>>)
      tpu.yield
    }) : () -> ()
    %mul3A_69 = arith.constant 512 : i32
    %mul3A_70 = arith.muli %add3A, %mul3A_69 : i32
    %run_scoped3A_71 = arith.constant 23 : i32
    "tpu.region"() ({
      %run_scoped3A_270 = tpu.sem_alloc : memref<!tpu.dma_semaphore, #tpu.memory_space<semaphore_mem>>
      %dma_start3A = arith.constant 11776 : i32
      %dma_start3A_271 = tpu.memref_slice %arg7[%dma_start3A] : memref<13312xi32, #tpu.memory_space<vmem>> -> memref<512xi32, #tpu.memory_space<vmem>>
      %dma_start3A_272 = tpu.memref_slice %arg4[%run_scoped3A_71, %mul3A_70] : memref<26x16384xi32, #tpu.memory_space<hbm>> -> memref<1x512xi32, #tpu.memory_space<hbm>>
      %dma_start3A_273 = tpu.memref_squeeze %dma_start3A_272 : memref<1x512xi32, #tpu.memory_space<hbm>> -> memref<512xi32, #tpu.memory_space<hbm>>
      %dma_start3A_274 = arith.constant 11776 : i32
      %dma_start3A_275 = tpu.memref_slice %arg7[%dma_start3A_274] : memref<13312xi32, #tpu.memory_space<vmem>> -> memref<512xi32, #tpu.memory_space<vmem>>
      %dma_start3A_276 = tpu.memref_slice %arg4[%run_scoped3A_71, %mul3A_70] : memref<26x16384xi32, #tpu.memory_space<hbm>> -> memref<1x512xi32, #tpu.memory_space<hbm>>
      %dma_start3A_277 = tpu.memref_squeeze %dma_start3A_276 : memref<1x512xi32, #tpu.memory_space<hbm>> -> memref<512xi32, #tpu.memory_space<hbm>>
      tpu.enqueue_dma source(%dma_start3A_277 : memref<512xi32, #tpu.memory_space<hbm>>) target(%dma_start3A_275 : memref<512xi32, #tpu.memory_space<vmem>>) target_semaphore(%run_scoped3A_270 : memref<!tpu.dma_semaphore, #tpu.memory_space<semaphore_mem>>)
      %dma_wait3A = arith.constant 11776 : i32
      %dma_wait3A_278 = tpu.memref_slice %arg7[%dma_wait3A] : memref<13312xi32, #tpu.memory_space<vmem>> -> memref<512xi32, #tpu.memory_space<vmem>>
      %dma_wait3A_279 = tpu.memref_slice %arg4[%run_scoped3A_71, %mul3A_70] : memref<26x16384xi32, #tpu.memory_space<hbm>> -> memref<1x512xi32, #tpu.memory_space<hbm>>
      %dma_wait3A_280 = tpu.memref_squeeze %dma_wait3A_279 : memref<1x512xi32, #tpu.memory_space<hbm>> -> memref<512xi32, #tpu.memory_space<hbm>>
      %dma_wait3A_281 = arith.constant 11776 : i32
      %dma_wait3A_282 = tpu.memref_slice %arg7[%dma_wait3A_281] : memref<13312xi32, #tpu.memory_space<vmem>> -> memref<512xi32, #tpu.memory_space<vmem>>
      %dma_wait3A_283 = tpu.memref_slice %arg4[%run_scoped3A_71, %mul3A_70] : memref<26x16384xi32, #tpu.memory_space<hbm>> -> memref<1x512xi32, #tpu.memory_space<hbm>>
      %dma_wait3A_284 = tpu.memref_squeeze %dma_wait3A_283 : memref<1x512xi32, #tpu.memory_space<hbm>> -> memref<512xi32, #tpu.memory_space<hbm>>
      tpu.wait_dma2 semaphore(%run_scoped3A_270 : memref<!tpu.dma_semaphore, #tpu.memory_space<semaphore_mem>>) src(%dma_wait3A_284 : memref<512xi32, #tpu.memory_space<hbm>>) dst(%dma_wait3A_282 : memref<512xi32, #tpu.memory_space<vmem>>)
      tpu.yield
    }) : () -> ()
    %mul3A_72 = arith.constant 512 : i32
    %mul3A_73 = arith.muli %add3A, %mul3A_72 : i32
    %run_scoped3A_74 = arith.constant 24 : i32
    "tpu.region"() ({
      %run_scoped3A_270 = tpu.sem_alloc : memref<!tpu.dma_semaphore, #tpu.memory_space<semaphore_mem>>
      %dma_start3A = arith.constant 12288 : i32
      %dma_start3A_271 = tpu.memref_slice %arg7[%dma_start3A] : memref<13312xi32, #tpu.memory_space<vmem>> -> memref<512xi32, #tpu.memory_space<vmem>>
      %dma_start3A_272 = tpu.memref_slice %arg4[%run_scoped3A_74, %mul3A_73] : memref<26x16384xi32, #tpu.memory_space<hbm>> -> memref<1x512xi32, #tpu.memory_space<hbm>>
      %dma_start3A_273 = tpu.memref_squeeze %dma_start3A_272 : memref<1x512xi32, #tpu.memory_space<hbm>> -> memref<512xi32, #tpu.memory_space<hbm>>
      %dma_start3A_274 = arith.constant 12288 : i32
      %dma_start3A_275 = tpu.memref_slice %arg7[%dma_start3A_274] : memref<13312xi32, #tpu.memory_space<vmem>> -> memref<512xi32, #tpu.memory_space<vmem>>
      %dma_start3A_276 = tpu.memref_slice %arg4[%run_scoped3A_74, %mul3A_73] : memref<26x16384xi32, #tpu.memory_space<hbm>> -> memref<1x512xi32, #tpu.memory_space<hbm>>
      %dma_start3A_277 = tpu.memref_squeeze %dma_start3A_276 : memref<1x512xi32, #tpu.memory_space<hbm>> -> memref<512xi32, #tpu.memory_space<hbm>>
      tpu.enqueue_dma source(%dma_start3A_277 : memref<512xi32, #tpu.memory_space<hbm>>) target(%dma_start3A_275 : memref<512xi32, #tpu.memory_space<vmem>>) target_semaphore(%run_scoped3A_270 : memref<!tpu.dma_semaphore, #tpu.memory_space<semaphore_mem>>)
      %dma_wait3A = arith.constant 12288 : i32
      %dma_wait3A_278 = tpu.memref_slice %arg7[%dma_wait3A] : memref<13312xi32, #tpu.memory_space<vmem>> -> memref<512xi32, #tpu.memory_space<vmem>>
      %dma_wait3A_279 = tpu.memref_slice %arg4[%run_scoped3A_74, %mul3A_73] : memref<26x16384xi32, #tpu.memory_space<hbm>> -> memref<1x512xi32, #tpu.memory_space<hbm>>
      %dma_wait3A_280 = tpu.memref_squeeze %dma_wait3A_279 : memref<1x512xi32, #tpu.memory_space<hbm>> -> memref<512xi32, #tpu.memory_space<hbm>>
      %dma_wait3A_281 = arith.constant 12288 : i32
      %dma_wait3A_282 = tpu.memref_slice %arg7[%dma_wait3A_281] : memref<13312xi32, #tpu.memory_space<vmem>> -> memref<512xi32, #tpu.memory_space<vmem>>
      %dma_wait3A_283 = tpu.memref_slice %arg4[%run_scoped3A_74, %mul3A_73] : memref<26x16384xi32, #tpu.memory_space<hbm>> -> memref<1x512xi32, #tpu.memory_space<hbm>>
      %dma_wait3A_284 = tpu.memref_squeeze %dma_wait3A_283 : memref<1x512xi32, #tpu.memory_space<hbm>> -> memref<512xi32, #tpu.memory_space<hbm>>
      tpu.wait_dma2 semaphore(%run_scoped3A_270 : memref<!tpu.dma_semaphore, #tpu.memory_space<semaphore_mem>>) src(%dma_wait3A_284 : memref<512xi32, #tpu.memory_space<hbm>>) dst(%dma_wait3A_282 : memref<512xi32, #tpu.memory_space<vmem>>)
      tpu.yield
    }) : () -> ()
    %mul3A_75 = arith.constant 512 : i32
    %mul3A_76 = arith.muli %add3A, %mul3A_75 : i32
    %run_scoped3A_77 = arith.constant 25 : i32
    "tpu.region"() ({
      %run_scoped3A_270 = tpu.sem_alloc : memref<!tpu.dma_semaphore, #tpu.memory_space<semaphore_mem>>
      %dma_start3A = arith.constant 12800 : i32
      %dma_start3A_271 = tpu.memref_slice %arg7[%dma_start3A] : memref<13312xi32, #tpu.memory_space<vmem>> -> memref<512xi32, #tpu.memory_space<vmem>>
      %dma_start3A_272 = tpu.memref_slice %arg4[%run_scoped3A_77, %mul3A_76] : memref<26x16384xi32, #tpu.memory_space<hbm>> -> memref<1x512xi32, #tpu.memory_space<hbm>>
      %dma_start3A_273 = tpu.memref_squeeze %dma_start3A_272 : memref<1x512xi32, #tpu.memory_space<hbm>> -> memref<512xi32, #tpu.memory_space<hbm>>
      %dma_start3A_274 = arith.constant 12800 : i32
      %dma_start3A_275 = tpu.memref_slice %arg7[%dma_start3A_274] : memref<13312xi32, #tpu.memory_space<vmem>> -> memref<512xi32, #tpu.memory_space<vmem>>
      %dma_start3A_276 = tpu.memref_slice %arg4[%run_scoped3A_77, %mul3A_76] : memref<26x16384xi32, #tpu.memory_space<hbm>> -> memref<1x512xi32, #tpu.memory_space<hbm>>
      %dma_start3A_277 = tpu.memref_squeeze %dma_start3A_276 : memref<1x512xi32, #tpu.memory_space<hbm>> -> memref<512xi32, #tpu.memory_space<hbm>>
      tpu.enqueue_dma source(%dma_start3A_277 : memref<512xi32, #tpu.memory_space<hbm>>) target(%dma_start3A_275 : memref<512xi32, #tpu.memory_space<vmem>>) target_semaphore(%run_scoped3A_270 : memref<!tpu.dma_semaphore, #tpu.memory_space<semaphore_mem>>)
      %dma_wait3A = arith.constant 12800 : i32
      %dma_wait3A_278 = tpu.memref_slice %arg7[%dma_wait3A] : memref<13312xi32, #tpu.memory_space<vmem>> -> memref<512xi32, #tpu.memory_space<vmem>>
      %dma_wait3A_279 = tpu.memref_slice %arg4[%run_scoped3A_77, %mul3A_76] : memref<26x16384xi32, #tpu.memory_space<hbm>> -> memref<1x512xi32, #tpu.memory_space<hbm>>
      %dma_wait3A_280 = tpu.memref_squeeze %dma_wait3A_279 : memref<1x512xi32, #tpu.memory_space<hbm>> -> memref<512xi32, #tpu.memory_space<hbm>>
      %dma_wait3A_281 = arith.constant 12800 : i32
      %dma_wait3A_282 = tpu.memref_slice %arg7[%dma_wait3A_281] : memref<13312xi32, #tpu.memory_space<vmem>> -> memref<512xi32, #tpu.memory_space<vmem>>
      %dma_wait3A_283 = tpu.memref_slice %arg4[%run_scoped3A_77, %mul3A_76] : memref<26x16384xi32, #tpu.memory_space<hbm>> -> memref<1x512xi32, #tpu.memory_space<hbm>>
      %dma_wait3A_284 = tpu.memref_squeeze %dma_wait3A_283 : memref<1x512xi32, #tpu.memory_space<hbm>> -> memref<512xi32, #tpu.memory_space<hbm>>
      tpu.wait_dma2 semaphore(%run_scoped3A_270 : memref<!tpu.dma_semaphore, #tpu.memory_space<semaphore_mem>>) src(%dma_wait3A_284 : memref<512xi32, #tpu.memory_space<hbm>>) dst(%dma_wait3A_282 : memref<512xi32, #tpu.memory_space<vmem>>)
      tpu.yield
    }) : () -> ()
    %iota3A = tpu.iota {dimensions = array<i32: 0>} : vector<16xi32>
    %mul3A_78 = arith.constant 26 : i32
    %mul3A_79 = vector.broadcast %mul3A_78 : i32 to vector<16xi32>
    %mul3A_80 = arith.muli %iota3A, %mul3A_79 : vector<16xi32>
    %scan3A = arith.constant 0 : i32
    %scan3A_81 = arith.constant 0 : i32
    %scan3A_82 = arith.constant 32 : i32
    %scan3A_83 = arith.addi %scan3A_81, %scan3A_82 : i32
    %scan3A_84 = arith.constant 1 : i32
    %scan3A_85 = scf.for %scan3A_270 = %scan3A_81 to %scan3A_83 step %scan3A_84 iter_args(%scan3A_271 = %scan3A) -> (i32)  : i32 {
      %mul3A_272 = arith.constant 16 : i32
      %mul3A_273 = arith.muli %scan3A_270, %mul3A_272 : i32
      %add3A_274 = arith.constant 0 : i32
      %add3A_275 = arith.addi %add3A_274, %mul3A_273 : i32
      %get3A = arith.index_cast %add3A_275 : i32 to index
      %get3A_276 = tpu.vector_load %arg7[%get3A] {strides = array<i32>} : memref<13312xi32, #tpu.memory_space<vmem>>, vector<16xi32>,
      %mul3A_277 = arith.constant 16 : i32
      %mul3A_278 = arith.muli %scan3A_270, %mul3A_277 : i32
      %mul3A_279 = arith.constant 26 : i32
      %mul3A_280 = arith.muli %mul3A_278, %mul3A_279 : i32
      %add3A_281 = arith.constant 0 : i32
      %add3A_282 = arith.addi %mul3A_280, %add3A_281 : i32
      %add3A_283 = vector.broadcast %add3A_282 : i32 to vector<16xi32>
      %add3A_284 = arith.addi %mul3A_80, %add3A_283 : vector<16xi32>
      %mul3A_285 = arith.constant 8 : i32
      %mul3A_286 = vector.broadcast %mul3A_285 : i32 to vector<16xi32>
      %mul3A_287 = arith.muli %get3A_276, %mul3A_286 : vector<16xi32>
      %add3A_288 = arith.constant 0 : i32
      %add3A_289 = vector.broadcast %add3A_288 : i32 to vector<16xi32>
      %add3A_290 = arith.addi %mul3A_287, %add3A_289 : vector<16xi32>
      tpu.vector_store_idx %arg8[%add3A_284], %add3A_290 : memref<13312xi32, #tpu.memory_space<vmem>>[vector<16xi32>], vector<16xi32>,
      %add3A_291 = arith.constant 0 : i32
      %add3A_292 = vector.broadcast %add3A_291 : i32 to vector<16xi32>
      %add3A_293 = arith.addi %get3A_276, %add3A_292 : vector<16xi32>
      tpu.vector_store_idx %arg9[%add3A_284], %add3A_293 : memref<13312xi32, #tpu.memory_space<vmem>>[vector<16xi32>], vector<16xi32>,
      %scan3A_294 = arith.constant 0 : i32
      scf.yield %scan3A_294 : i32
    }
    %scan3A_86 = arith.constant 32 : i32
    %scan3A_87 = arith.constant 0 : i32
    %scan3A_88 = arith.constant 0 : i32
    %scan3A_89 = arith.constant 32 : i32
    %scan3A_90 = arith.addi %scan3A_88, %scan3A_89 : i32
    %scan3A_91 = arith.constant 1 : i32
    %scan3A_92 = scf.for %scan3A_270 = %scan3A_88 to %scan3A_90 step %scan3A_91 iter_args(%scan3A_271 = %scan3A_87) -> (i32)  : i32 {
      %mul3A_272 = arith.constant 16 : i32
      %mul3A_273 = arith.muli %scan3A_270, %mul3A_272 : i32
      %add3A_274 = arith.constant 512 : i32
      %add3A_275 = arith.addi %add3A_274, %mul3A_273 : i32
      %get3A = arith.index_cast %add3A_275 : i32 to index
      %get3A_276 = tpu.vector_load %arg7[%get3A] {strides = array<i32>} : memref<13312xi32, #tpu.memory_space<vmem>>, vector<16xi32>,
      %mul3A_277 = arith.constant 16 : i32
      %mul3A_278 = arith.muli %scan3A_270, %mul3A_277 : i32
      %mul3A_279 = arith.constant 26 : i32
      %mul3A_280 = arith.muli %mul3A_278, %mul3A_279 : i32
      %add3A_281 = arith.constant 1 : i32
      %add3A_282 = arith.addi %mul3A_280, %add3A_281 : i32
      %add3A_283 = vector.broadcast %add3A_282 : i32 to vector<16xi32>
      %add3A_284 = arith.addi %mul3A_80, %add3A_283 : vector<16xi32>
      %mul3A_285 = arith.constant 8 : i32
      %mul3A_286 = vector.broadcast %mul3A_285 : i32 to vector<16xi32>
      %mul3A_287 = arith.muli %get3A_276, %mul3A_286 : vector<16xi32>
      %add3A_288 = arith.constant 1 : i32
      %add3A_289 = vector.broadcast %add3A_288 : i32 to vector<16xi32>
      %add3A_290 = arith.addi %mul3A_287, %add3A_289 : vector<16xi32>
      tpu.vector_store_idx %arg8[%add3A_284], %add3A_290 : memref<13312xi32, #tpu.memory_space<vmem>>[vector<16xi32>], vector<16xi32>,
      %add3A_291 = arith.constant 106496 : i32
      %add3A_292 = vector.broadcast %add3A_291 : i32 to vector<16xi32>
      %add3A_293 = arith.addi %get3A_276, %add3A_292 : vector<16xi32>
      tpu.vector_store_idx %arg9[%add3A_284], %add3A_293 : memref<13312xi32, #tpu.memory_space<vmem>>[vector<16xi32>], vector<16xi32>,
      %scan3A_294 = arith.constant 0 : i32
      scf.yield %scan3A_294 : i32
    }
    %scan3A_93 = arith.constant 32 : i32
    %scan3A_94 = arith.constant 0 : i32
    %scan3A_95 = arith.constant 0 : i32
    %scan3A_96 = arith.constant 32 : i32
    %scan3A_97 = arith.addi %scan3A_95, %scan3A_96 : i32
    %scan3A_98 = arith.constant 1 : i32
    %scan3A_99 = scf.for %scan3A_270 = %scan3A_95 to %scan3A_97 step %scan3A_98 iter_args(%scan3A_271 = %scan3A_94) -> (i32)  : i32 {
      %mul3A_272 = arith.constant 16 : i32
      %mul3A_273 = arith.muli %scan3A_270, %mul3A_272 : i32
      %add3A_274 = arith.constant 1024 : i32
      %add3A_275 = arith.addi %add3A_274, %mul3A_273 : i32
      %get3A = arith.index_cast %add3A_275 : i32 to index
      %get3A_276 = tpu.vector_load %arg7[%get3A] {strides = array<i32>} : memref<13312xi32, #tpu.memory_space<vmem>>, vector<16xi32>,
      %mul3A_277 = arith.constant 16 : i32
      %mul3A_278 = arith.muli %scan3A_270, %mul3A_277 : i32
      %mul3A_279 = arith.constant 26 : i32
      %mul3A_280 = arith.muli %mul3A_278, %mul3A_279 : i32
      %add3A_281 = arith.constant 2 : i32
      %add3A_282 = arith.addi %mul3A_280, %add3A_281 : i32
      %add3A_283 = vector.broadcast %add3A_282 : i32 to vector<16xi32>
      %add3A_284 = arith.addi %mul3A_80, %add3A_283 : vector<16xi32>
      %mul3A_285 = arith.constant 8 : i32
      %mul3A_286 = vector.broadcast %mul3A_285 : i32 to vector<16xi32>
      %mul3A_287 = arith.muli %get3A_276, %mul3A_286 : vector<16xi32>
      %add3A_288 = arith.constant 2 : i32
      %add3A_289 = vector.broadcast %add3A_288 : i32 to vector<16xi32>
      %add3A_290 = arith.addi %mul3A_287, %add3A_289 : vector<16xi32>
      tpu.vector_store_idx %arg8[%add3A_284], %add3A_290 : memref<13312xi32, #tpu.memory_space<vmem>>[vector<16xi32>], vector<16xi32>,
      %add3A_291 = arith.constant 212992 : i32
      %add3A_292 = vector.broadcast %add3A_291 : i32 to vector<16xi32>
      %add3A_293 = arith.addi %get3A_276, %add3A_292 : vector<16xi32>
      tpu.vector_store_idx %arg9[%add3A_284], %add3A_293 : memref<13312xi32, #tpu.memory_space<vmem>>[vector<16xi32>], vector<16xi32>,
      %scan3A_294 = arith.constant 0 : i32
      scf.yield %scan3A_294 : i32
    }
    %scan3A_100 = arith.constant 32 : i32
    %scan3A_101 = arith.constant 0 : i32
    %scan3A_102 = arith.constant 0 : i32
    %scan3A_103 = arith.constant 32 : i32
    %scan3A_104 = arith.addi %scan3A_102, %scan3A_103 : i32
    %scan3A_105 = arith.constant 1 : i32
    %scan3A_106 = scf.for %scan3A_270 = %scan3A_102 to %scan3A_104 step %scan3A_105 iter_args(%scan3A_271 = %scan3A_101) -> (i32)  : i32 {
      %mul3A_272 = arith.constant 16 : i32
      %mul3A_273 = arith.muli %scan3A_270, %mul3A_272 : i32
      %add3A_274 = arith.constant 1536 : i32
      %add3A_275 = arith.addi %add3A_274, %mul3A_273 : i32
      %get3A = arith.index_cast %add3A_275 : i32 to index
      %get3A_276 = tpu.vector_load %arg7[%get3A] {strides = array<i32>} : memref<13312xi32, #tpu.memory_space<vmem>>, vector<16xi32>,
      %mul3A_277 = arith.constant 16 : i32
      %mul3A_278 = arith.muli %scan3A_270, %mul3A_277 : i32
      %mul3A_279 = arith.constant 26 : i32
      %mul3A_280 = arith.muli %mul3A_278, %mul3A_279 : i32
      %add3A_281 = arith.constant 3 : i32
      %add3A_282 = arith.addi %mul3A_280, %add3A_281 : i32
      %add3A_283 = vector.broadcast %add3A_282 : i32 to vector<16xi32>
      %add3A_284 = arith.addi %mul3A_80, %add3A_283 : vector<16xi32>
      %mul3A_285 = arith.constant 8 : i32
      %mul3A_286 = vector.broadcast %mul3A_285 : i32 to vector<16xi32>
      %mul3A_287 = arith.muli %get3A_276, %mul3A_286 : vector<16xi32>
      %add3A_288 = arith.constant 3 : i32
      %add3A_289 = vector.broadcast %add3A_288 : i32 to vector<16xi32>
      %add3A_290 = arith.addi %mul3A_287, %add3A_289 : vector<16xi32>
      tpu.vector_store_idx %arg8[%add3A_284], %add3A_290 : memref<13312xi32, #tpu.memory_space<vmem>>[vector<16xi32>], vector<16xi32>,
      %add3A_291 = arith.constant 319488 : i32
      %add3A_292 = vector.broadcast %add3A_291 : i32 to vector<16xi32>
      %add3A_293 = arith.addi %get3A_276, %add3A_292 : vector<16xi32>
      tpu.vector_store_idx %arg9[%add3A_284], %add3A_293 : memref<13312xi32, #tpu.memory_space<vmem>>[vector<16xi32>], vector<16xi32>,
      %scan3A_294 = arith.constant 0 : i32
      scf.yield %scan3A_294 : i32
    }
    %scan3A_107 = arith.constant 32 : i32
    %scan3A_108 = arith.constant 0 : i32
    %scan3A_109 = arith.constant 0 : i32
    %scan3A_110 = arith.constant 32 : i32
    %scan3A_111 = arith.addi %scan3A_109, %scan3A_110 : i32
    %scan3A_112 = arith.constant 1 : i32
    %scan3A_113 = scf.for %scan3A_270 = %scan3A_109 to %scan3A_111 step %scan3A_112 iter_args(%scan3A_271 = %scan3A_108) -> (i32)  : i32 {
      %mul3A_272 = arith.constant 16 : i32
      %mul3A_273 = arith.muli %scan3A_270, %mul3A_272 : i32
      %add3A_274 = arith.constant 2048 : i32
      %add3A_275 = arith.addi %add3A_274, %mul3A_273 : i32
      %get3A = arith.index_cast %add3A_275 : i32 to index
      %get3A_276 = tpu.vector_load %arg7[%get3A] {strides = array<i32>} : memref<13312xi32, #tpu.memory_space<vmem>>, vector<16xi32>,
      %mul3A_277 = arith.constant 16 : i32
      %mul3A_278 = arith.muli %scan3A_270, %mul3A_277 : i32
      %mul3A_279 = arith.constant 26 : i32
      %mul3A_280 = arith.muli %mul3A_278, %mul3A_279 : i32
      %add3A_281 = arith.constant 4 : i32
      %add3A_282 = arith.addi %mul3A_280, %add3A_281 : i32
      %add3A_283 = vector.broadcast %add3A_282 : i32 to vector<16xi32>
      %add3A_284 = arith.addi %mul3A_80, %add3A_283 : vector<16xi32>
      %mul3A_285 = arith.constant 8 : i32
      %mul3A_286 = vector.broadcast %mul3A_285 : i32 to vector<16xi32>
      %mul3A_287 = arith.muli %get3A_276, %mul3A_286 : vector<16xi32>
      %add3A_288 = arith.constant 4 : i32
      %add3A_289 = vector.broadcast %add3A_288 : i32 to vector<16xi32>
      %add3A_290 = arith.addi %mul3A_287, %add3A_289 : vector<16xi32>
      tpu.vector_store_idx %arg8[%add3A_284], %add3A_290 : memref<13312xi32, #tpu.memory_space<vmem>>[vector<16xi32>], vector<16xi32>,
      %add3A_291 = arith.constant 425984 : i32
      %add3A_292 = vector.broadcast %add3A_291 : i32 to vector<16xi32>
      %add3A_293 = arith.addi %get3A_276, %add3A_292 : vector<16xi32>
      tpu.vector_store_idx %arg9[%add3A_284], %add3A_293 : memref<13312xi32, #tpu.memory_space<vmem>>[vector<16xi32>], vector<16xi32>,
      %scan3A_294 = arith.constant 0 : i32
      scf.yield %scan3A_294 : i32
    }
    %scan3A_114 = arith.constant 32 : i32
    %scan3A_115 = arith.constant 0 : i32
    %scan3A_116 = arith.constant 0 : i32
    %scan3A_117 = arith.constant 32 : i32
    %scan3A_118 = arith.addi %scan3A_116, %scan3A_117 : i32
    %scan3A_119 = arith.constant 1 : i32
    %scan3A_120 = scf.for %scan3A_270 = %scan3A_116 to %scan3A_118 step %scan3A_119 iter_args(%scan3A_271 = %scan3A_115) -> (i32)  : i32 {
      %mul3A_272 = arith.constant 16 : i32
      %mul3A_273 = arith.muli %scan3A_270, %mul3A_272 : i32
      %add3A_274 = arith.constant 2560 : i32
      %add3A_275 = arith.addi %add3A_274, %mul3A_273 : i32
      %get3A = arith.index_cast %add3A_275 : i32 to index
      %get3A_276 = tpu.vector_load %arg7[%get3A] {strides = array<i32>} : memref<13312xi32, #tpu.memory_space<vmem>>, vector<16xi32>,
      %mul3A_277 = arith.constant 16 : i32
      %mul3A_278 = arith.muli %scan3A_270, %mul3A_277 : i32
      %mul3A_279 = arith.constant 26 : i32
      %mul3A_280 = arith.muli %mul3A_278, %mul3A_279 : i32
      %add3A_281 = arith.constant 5 : i32
      %add3A_282 = arith.addi %mul3A_280, %add3A_281 : i32
      %add3A_283 = vector.broadcast %add3A_282 : i32 to vector<16xi32>
      %add3A_284 = arith.addi %mul3A_80, %add3A_283 : vector<16xi32>
      %mul3A_285 = arith.constant 8 : i32
      %mul3A_286 = vector.broadcast %mul3A_285 : i32 to vector<16xi32>
      %mul3A_287 = arith.muli %get3A_276, %mul3A_286 : vector<16xi32>
      %add3A_288 = arith.constant 5 : i32
      %add3A_289 = vector.broadcast %add3A_288 : i32 to vector<16xi32>
      %add3A_290 = arith.addi %mul3A_287, %add3A_289 : vector<16xi32>
      tpu.vector_store_idx %arg8[%add3A_284], %add3A_290 : memref<13312xi32, #tpu.memory_space<vmem>>[vector<16xi32>], vector<16xi32>,
      %add3A_291 = arith.constant 532480 : i32
      %add3A_292 = vector.broadcast %add3A_291 : i32 to vector<16xi32>
      %add3A_293 = arith.addi %get3A_276, %add3A_292 : vector<16xi32>
      tpu.vector_store_idx %arg9[%add3A_284], %add3A_293 : memref<13312xi32, #tpu.memory_space<vmem>>[vector<16xi32>], vector<16xi32>,
      %scan3A_294 = arith.constant 0 : i32
      scf.yield %scan3A_294 : i32
    }
    %scan3A_121 = arith.constant 32 : i32
    %scan3A_122 = arith.constant 0 : i32
    %scan3A_123 = arith.constant 0 : i32
    %scan3A_124 = arith.constant 32 : i32
    %scan3A_125 = arith.addi %scan3A_123, %scan3A_124 : i32
    %scan3A_126 = arith.constant 1 : i32
    %scan3A_127 = scf.for %scan3A_270 = %scan3A_123 to %scan3A_125 step %scan3A_126 iter_args(%scan3A_271 = %scan3A_122) -> (i32)  : i32 {
      %mul3A_272 = arith.constant 16 : i32
      %mul3A_273 = arith.muli %scan3A_270, %mul3A_272 : i32
      %add3A_274 = arith.constant 3072 : i32
      %add3A_275 = arith.addi %add3A_274, %mul3A_273 : i32
      %get3A = arith.index_cast %add3A_275 : i32 to index
      %get3A_276 = tpu.vector_load %arg7[%get3A] {strides = array<i32>} : memref<13312xi32, #tpu.memory_space<vmem>>, vector<16xi32>,
      %mul3A_277 = arith.constant 16 : i32
      %mul3A_278 = arith.muli %scan3A_270, %mul3A_277 : i32
      %mul3A_279 = arith.constant 26 : i32
      %mul3A_280 = arith.muli %mul3A_278, %mul3A_279 : i32
      %add3A_281 = arith.constant 6 : i32
      %add3A_282 = arith.addi %mul3A_280, %add3A_281 : i32
      %add3A_283 = vector.broadcast %add3A_282 : i32 to vector<16xi32>
      %add3A_284 = arith.addi %mul3A_80, %add3A_283 : vector<16xi32>
      %mul3A_285 = arith.constant 8 : i32
      %mul3A_286 = vector.broadcast %mul3A_285 : i32 to vector<16xi32>
      %mul3A_287 = arith.muli %get3A_276, %mul3A_286 : vector<16xi32>
      %add3A_288 = arith.constant 6 : i32
      %add3A_289 = vector.broadcast %add3A_288 : i32 to vector<16xi32>
      %add3A_290 = arith.addi %mul3A_287, %add3A_289 : vector<16xi32>
      tpu.vector_store_idx %arg8[%add3A_284], %add3A_290 : memref<13312xi32, #tpu.memory_space<vmem>>[vector<16xi32>], vector<16xi32>,
      %add3A_291 = arith.constant 638976 : i32
      %add3A_292 = vector.broadcast %add3A_291 : i32 to vector<16xi32>
      %add3A_293 = arith.addi %get3A_276, %add3A_292 : vector<16xi32>
      tpu.vector_store_idx %arg9[%add3A_284], %add3A_293 : memref<13312xi32, #tpu.memory_space<vmem>>[vector<16xi32>], vector<16xi32>,
      %scan3A_294 = arith.constant 0 : i32
      scf.yield %scan3A_294 : i32
    }
    %scan3A_128 = arith.constant 32 : i32
    %scan3A_129 = arith.constant 0 : i32
    %scan3A_130 = arith.constant 0 : i32
    %scan3A_131 = arith.constant 32 : i32
    %scan3A_132 = arith.addi %scan3A_130, %scan3A_131 : i32
    %scan3A_133 = arith.constant 1 : i32
    %scan3A_134 = scf.for %scan3A_270 = %scan3A_130 to %scan3A_132 step %scan3A_133 iter_args(%scan3A_271 = %scan3A_129) -> (i32)  : i32 {
      %mul3A_272 = arith.constant 16 : i32
      %mul3A_273 = arith.muli %scan3A_270, %mul3A_272 : i32
      %add3A_274 = arith.constant 3584 : i32
      %add3A_275 = arith.addi %add3A_274, %mul3A_273 : i32
      %get3A = arith.index_cast %add3A_275 : i32 to index
      %get3A_276 = tpu.vector_load %arg7[%get3A] {strides = array<i32>} : memref<13312xi32, #tpu.memory_space<vmem>>, vector<16xi32>,
      %mul3A_277 = arith.constant 16 : i32
      %mul3A_278 = arith.muli %scan3A_270, %mul3A_277 : i32
      %mul3A_279 = arith.constant 26 : i32
      %mul3A_280 = arith.muli %mul3A_278, %mul3A_279 : i32
      %add3A_281 = arith.constant 7 : i32
      %add3A_282 = arith.addi %mul3A_280, %add3A_281 : i32
      %add3A_283 = vector.broadcast %add3A_282 : i32 to vector<16xi32>
      %add3A_284 = arith.addi %mul3A_80, %add3A_283 : vector<16xi32>
      %mul3A_285 = arith.constant 8 : i32
      %mul3A_286 = vector.broadcast %mul3A_285 : i32 to vector<16xi32>
      %mul3A_287 = arith.muli %get3A_276, %mul3A_286 : vector<16xi32>
      %add3A_288 = arith.constant 7 : i32
      %add3A_289 = vector.broadcast %add3A_288 : i32 to vector<16xi32>
      %add3A_290 = arith.addi %mul3A_287, %add3A_289 : vector<16xi32>
      tpu.vector_store_idx %arg8[%add3A_284], %add3A_290 : memref<13312xi32, #tpu.memory_space<vmem>>[vector<16xi32>], vector<16xi32>,
      %add3A_291 = arith.constant 745472 : i32
      %add3A_292 = vector.broadcast %add3A_291 : i32 to vector<16xi32>
      %add3A_293 = arith.addi %get3A_276, %add3A_292 : vector<16xi32>
      tpu.vector_store_idx %arg9[%add3A_284], %add3A_293 : memref<13312xi32, #tpu.memory_space<vmem>>[vector<16xi32>], vector<16xi32>,
      %scan3A_294 = arith.constant 0 : i32
      scf.yield %scan3A_294 : i32
    }
    %scan3A_135 = arith.constant 32 : i32
    %scan3A_136 = arith.constant 0 : i32
    %scan3A_137 = arith.constant 0 : i32
    %scan3A_138 = arith.constant 32 : i32
    %scan3A_139 = arith.addi %scan3A_137, %scan3A_138 : i32
    %scan3A_140 = arith.constant 1 : i32
    %scan3A_141 = scf.for %scan3A_270 = %scan3A_137 to %scan3A_139 step %scan3A_140 iter_args(%scan3A_271 = %scan3A_136) -> (i32)  : i32 {
      %mul3A_272 = arith.constant 16 : i32
      %mul3A_273 = arith.muli %scan3A_270, %mul3A_272 : i32
      %add3A_274 = arith.constant 4096 : i32
      %add3A_275 = arith.addi %add3A_274, %mul3A_273 : i32
      %get3A = arith.index_cast %add3A_275 : i32 to index
      %get3A_276 = tpu.vector_load %arg7[%get3A] {strides = array<i32>} : memref<13312xi32, #tpu.memory_space<vmem>>, vector<16xi32>,
      %mul3A_277 = arith.constant 16 : i32
      %mul3A_278 = arith.muli %scan3A_270, %mul3A_277 : i32
      %mul3A_279 = arith.constant 26 : i32
      %mul3A_280 = arith.muli %mul3A_278, %mul3A_279 : i32
      %add3A_281 = arith.constant 8 : i32
      %add3A_282 = arith.addi %mul3A_280, %add3A_281 : i32
      %add3A_283 = vector.broadcast %add3A_282 : i32 to vector<16xi32>
      %add3A_284 = arith.addi %mul3A_80, %add3A_283 : vector<16xi32>
      %mul3A_285 = arith.constant 8 : i32
      %mul3A_286 = vector.broadcast %mul3A_285 : i32 to vector<16xi32>
      %mul3A_287 = arith.muli %get3A_276, %mul3A_286 : vector<16xi32>
      %add3A_288 = arith.constant 851968 : i32
      %add3A_289 = vector.broadcast %add3A_288 : i32 to vector<16xi32>
      %add3A_290 = arith.addi %mul3A_287, %add3A_289 : vector<16xi32>
      tpu.vector_store_idx %arg8[%add3A_284], %add3A_290 : memref<13312xi32, #tpu.memory_space<vmem>>[vector<16xi32>], vector<16xi32>,
      %add3A_291 = arith.constant 851968 : i32
      %add3A_292 = vector.broadcast %add3A_291 : i32 to vector<16xi32>
      %add3A_293 = arith.addi %get3A_276, %add3A_292 : vector<16xi32>
      tpu.vector_store_idx %arg9[%add3A_284], %add3A_293 : memref<13312xi32, #tpu.memory_space<vmem>>[vector<16xi32>], vector<16xi32>,
      %scan3A_294 = arith.constant 0 : i32
      scf.yield %scan3A_294 : i32
    }
    %scan3A_142 = arith.constant 32 : i32
    %scan3A_143 = arith.constant 0 : i32
    %scan3A_144 = arith.constant 0 : i32
    %scan3A_145 = arith.constant 32 : i32
    %scan3A_146 = arith.addi %scan3A_144, %scan3A_145 : i32
    %scan3A_147 = arith.constant 1 : i32
    %scan3A_148 = scf.for %scan3A_270 = %scan3A_144 to %scan3A_146 step %scan3A_147 iter_args(%scan3A_271 = %scan3A_143) -> (i32)  : i32 {
      %mul3A_272 = arith.constant 16 : i32
      %mul3A_273 = arith.muli %scan3A_270, %mul3A_272 : i32
      %add3A_274 = arith.constant 4608 : i32
      %add3A_275 = arith.addi %add3A_274, %mul3A_273 : i32
      %get3A = arith.index_cast %add3A_275 : i32 to index
      %get3A_276 = tpu.vector_load %arg7[%get3A] {strides = array<i32>} : memref<13312xi32, #tpu.memory_space<vmem>>, vector<16xi32>,
      %mul3A_277 = arith.constant 16 : i32
      %mul3A_278 = arith.muli %scan3A_270, %mul3A_277 : i32
      %mul3A_279 = arith.constant 26 : i32
      %mul3A_280 = arith.muli %mul3A_278, %mul3A_279 : i32
      %add3A_281 = arith.constant 9 : i32
      %add3A_282 = arith.addi %mul3A_280, %add3A_281 : i32
      %add3A_283 = vector.broadcast %add3A_282 : i32 to vector<16xi32>
      %add3A_284 = arith.addi %mul3A_80, %add3A_283 : vector<16xi32>
      %mul3A_285 = arith.constant 8 : i32
      %mul3A_286 = vector.broadcast %mul3A_285 : i32 to vector<16xi32>
      %mul3A_287 = arith.muli %get3A_276, %mul3A_286 : vector<16xi32>
      %add3A_288 = arith.constant 851969 : i32
      %add3A_289 = vector.broadcast %add3A_288 : i32 to vector<16xi32>
      %add3A_290 = arith.addi %mul3A_287, %add3A_289 : vector<16xi32>
      tpu.vector_store_idx %arg8[%add3A_284], %add3A_290 : memref<13312xi32, #tpu.memory_space<vmem>>[vector<16xi32>], vector<16xi32>,
      %add3A_291 = arith.constant 958464 : i32
      %add3A_292 = vector.broadcast %add3A_291 : i32 to vector<16xi32>
      %add3A_293 = arith.addi %get3A_276, %add3A_292 : vector<16xi32>
      tpu.vector_store_idx %arg9[%add3A_284], %add3A_293 : memref<13312xi32, #tpu.memory_space<vmem>>[vector<16xi32>], vector<16xi32>,
      %scan3A_294 = arith.constant 0 : i32
      scf.yield %scan3A_294 : i32
    }
    %scan3A_149 = arith.constant 32 : i32
    %scan3A_150 = arith.constant 0 : i32
    %scan3A_151 = arith.constant 0 : i32
    %scan3A_152 = arith.constant 32 : i32
    %scan3A_153 = arith.addi %scan3A_151, %scan3A_152 : i32
    %scan3A_154 = arith.constant 1 : i32
    %scan3A_155 = scf.for %scan3A_270 = %scan3A_151 to %scan3A_153 step %scan3A_154 iter_args(%scan3A_271 = %scan3A_150) -> (i32)  : i32 {
      %mul3A_272 = arith.constant 16 : i32
      %mul3A_273 = arith.muli %scan3A_270, %mul3A_272 : i32
      %add3A_274 = arith.constant 5120 : i32
      %add3A_275 = arith.addi %add3A_274, %mul3A_273 : i32
      %get3A = arith.index_cast %add3A_275 : i32 to index
      %get3A_276 = tpu.vector_load %arg7[%get3A] {strides = array<i32>} : memref<13312xi32, #tpu.memory_space<vmem>>, vector<16xi32>,
      %mul3A_277 = arith.constant 16 : i32
      %mul3A_278 = arith.muli %scan3A_270, %mul3A_277 : i32
      %mul3A_279 = arith.constant 26 : i32
      %mul3A_280 = arith.muli %mul3A_278, %mul3A_279 : i32
      %add3A_281 = arith.constant 10 : i32
      %add3A_282 = arith.addi %mul3A_280, %add3A_281 : i32
      %add3A_283 = vector.broadcast %add3A_282 : i32 to vector<16xi32>
      %add3A_284 = arith.addi %mul3A_80, %add3A_283 : vector<16xi32>
      %mul3A_285 = arith.constant 8 : i32
      %mul3A_286 = vector.broadcast %mul3A_285 : i32 to vector<16xi32>
      %mul3A_287 = arith.muli %get3A_276, %mul3A_286 : vector<16xi32>
      %add3A_288 = arith.constant 851970 : i32
      %add3A_289 = vector.broadcast %add3A_288 : i32 to vector<16xi32>
      %add3A_290 = arith.addi %mul3A_287, %add3A_289 : vector<16xi32>
      tpu.vector_store_idx %arg8[%add3A_284], %add3A_290 : memref<13312xi32, #tpu.memory_space<vmem>>[vector<16xi32>], vector<16xi32>,
      %add3A_291 = arith.constant 1064960 : i32
      %add3A_292 = vector.broadcast %add3A_291 : i32 to vector<16xi32>
      %add3A_293 = arith.addi %get3A_276, %add3A_292 : vector<16xi32>
      tpu.vector_store_idx %arg9[%add3A_284], %add3A_293 : memref<13312xi32, #tpu.memory_space<vmem>>[vector<16xi32>], vector<16xi32>,
      %scan3A_294 = arith.constant 0 : i32
      scf.yield %scan3A_294 : i32
    }
    %scan3A_156 = arith.constant 32 : i32
    %scan3A_157 = arith.constant 0 : i32
    %scan3A_158 = arith.constant 0 : i32
    %scan3A_159 = arith.constant 32 : i32
    %scan3A_160 = arith.addi %scan3A_158, %scan3A_159 : i32
    %scan3A_161 = arith.constant 1 : i32
    %scan3A_162 = scf.for %scan3A_270 = %scan3A_158 to %scan3A_160 step %scan3A_161 iter_args(%scan3A_271 = %scan3A_157) -> (i32)  : i32 {
      %mul3A_272 = arith.constant 16 : i32
      %mul3A_273 = arith.muli %scan3A_270, %mul3A_272 : i32
      %add3A_274 = arith.constant 5632 : i32
      %add3A_275 = arith.addi %add3A_274, %mul3A_273 : i32
      %get3A = arith.index_cast %add3A_275 : i32 to index
      %get3A_276 = tpu.vector_load %arg7[%get3A] {strides = array<i32>} : memref<13312xi32, #tpu.memory_space<vmem>>, vector<16xi32>,
      %mul3A_277 = arith.constant 16 : i32
      %mul3A_278 = arith.muli %scan3A_270, %mul3A_277 : i32
      %mul3A_279 = arith.constant 26 : i32
      %mul3A_280 = arith.muli %mul3A_278, %mul3A_279 : i32
      %add3A_281 = arith.constant 11 : i32
      %add3A_282 = arith.addi %mul3A_280, %add3A_281 : i32
      %add3A_283 = vector.broadcast %add3A_282 : i32 to vector<16xi32>
      %add3A_284 = arith.addi %mul3A_80, %add3A_283 : vector<16xi32>
      %mul3A_285 = arith.constant 8 : i32
      %mul3A_286 = vector.broadcast %mul3A_285 : i32 to vector<16xi32>
      %mul3A_287 = arith.muli %get3A_276, %mul3A_286 : vector<16xi32>
      %add3A_288 = arith.constant 851971 : i32
      %add3A_289 = vector.broadcast %add3A_288 : i32 to vector<16xi32>
      %add3A_290 = arith.addi %mul3A_287, %add3A_289 : vector<16xi32>
      tpu.vector_store_idx %arg8[%add3A_284], %add3A_290 : memref<13312xi32, #tpu.memory_space<vmem>>[vector<16xi32>], vector<16xi32>,
      %add3A_291 = arith.constant 1171456 : i32
      %add3A_292 = vector.broadcast %add3A_291 : i32 to vector<16xi32>
      %add3A_293 = arith.addi %get3A_276, %add3A_292 : vector<16xi32>
      tpu.vector_store_idx %arg9[%add3A_284], %add3A_293 : memref<13312xi32, #tpu.memory_space<vmem>>[vector<16xi32>], vector<16xi32>,
      %scan3A_294 = arith.constant 0 : i32
      scf.yield %scan3A_294 : i32
    }
    %scan3A_163 = arith.constant 32 : i32
    %scan3A_164 = arith.constant 0 : i32
    %scan3A_165 = arith.constant 0 : i32
    %scan3A_166 = arith.constant 32 : i32
    %scan3A_167 = arith.addi %scan3A_165, %scan3A_166 : i32
    %scan3A_168 = arith.constant 1 : i32
    %scan3A_169 = scf.for %scan3A_270 = %scan3A_165 to %scan3A_167 step %scan3A_168 iter_args(%scan3A_271 = %scan3A_164) -> (i32)  : i32 {
      %mul3A_272 = arith.constant 16 : i32
      %mul3A_273 = arith.muli %scan3A_270, %mul3A_272 : i32
      %add3A_274 = arith.constant 6144 : i32
      %add3A_275 = arith.addi %add3A_274, %mul3A_273 : i32
      %get3A = arith.index_cast %add3A_275 : i32 to index
      %get3A_276 = tpu.vector_load %arg7[%get3A] {strides = array<i32>} : memref<13312xi32, #tpu.memory_space<vmem>>, vector<16xi32>,
      %mul3A_277 = arith.constant 16 : i32
      %mul3A_278 = arith.muli %scan3A_270, %mul3A_277 : i32
      %mul3A_279 = arith.constant 26 : i32
      %mul3A_280 = arith.muli %mul3A_278, %mul3A_279 : i32
      %add3A_281 = arith.constant 12 : i32
      %add3A_282 = arith.addi %mul3A_280, %add3A_281 : i32
      %add3A_283 = vector.broadcast %add3A_282 : i32 to vector<16xi32>
      %add3A_284 = arith.addi %mul3A_80, %add3A_283 : vector<16xi32>
      %mul3A_285 = arith.constant 8 : i32
      %mul3A_286 = vector.broadcast %mul3A_285 : i32 to vector<16xi32>
      %mul3A_287 = arith.muli %get3A_276, %mul3A_286 : vector<16xi32>
      %add3A_288 = arith.constant 851972 : i32
      %add3A_289 = vector.broadcast %add3A_288 : i32 to vector<16xi32>
      %add3A_290 = arith.addi %mul3A_287, %add3A_289 : vector<16xi32>
      tpu.vector_store_idx %arg8[%add3A_284], %add3A_290 : memref<13312xi32, #tpu.memory_space<vmem>>[vector<16xi32>], vector<16xi32>,
      %add3A_291 = arith.constant 1277952 : i32
      %add3A_292 = vector.broadcast %add3A_291 : i32 to vector<16xi32>
      %add3A_293 = arith.addi %get3A_276, %add3A_292 : vector<16xi32>
      tpu.vector_store_idx %arg9[%add3A_284], %add3A_293 : memref<13312xi32, #tpu.memory_space<vmem>>[vector<16xi32>], vector<16xi32>,
      %scan3A_294 = arith.constant 0 : i32
      scf.yield %scan3A_294 : i32
    }
    %scan3A_170 = arith.constant 32 : i32
    %scan3A_171 = arith.constant 0 : i32
    %scan3A_172 = arith.constant 0 : i32
    %scan3A_173 = arith.constant 32 : i32
    %scan3A_174 = arith.addi %scan3A_172, %scan3A_173 : i32
    %scan3A_175 = arith.constant 1 : i32
    %scan3A_176 = scf.for %scan3A_270 = %scan3A_172 to %scan3A_174 step %scan3A_175 iter_args(%scan3A_271 = %scan3A_171) -> (i32)  : i32 {
      %mul3A_272 = arith.constant 16 : i32
      %mul3A_273 = arith.muli %scan3A_270, %mul3A_272 : i32
      %add3A_274 = arith.constant 6656 : i32
      %add3A_275 = arith.addi %add3A_274, %mul3A_273 : i32
      %get3A = arith.index_cast %add3A_275 : i32 to index
      %get3A_276 = tpu.vector_load %arg7[%get3A] {strides = array<i32>} : memref<13312xi32, #tpu.memory_space<vmem>>, vector<16xi32>,
      %mul3A_277 = arith.constant 16 : i32
      %mul3A_278 = arith.muli %scan3A_270, %mul3A_277 : i32
      %mul3A_279 = arith.constant 26 : i32
      %mul3A_280 = arith.muli %mul3A_278, %mul3A_279 : i32
      %add3A_281 = arith.constant 13 : i32
      %add3A_282 = arith.addi %mul3A_280, %add3A_281 : i32
      %add3A_283 = vector.broadcast %add3A_282 : i32 to vector<16xi32>
      %add3A_284 = arith.addi %mul3A_80, %add3A_283 : vector<16xi32>
      %mul3A_285 = arith.constant 8 : i32
      %mul3A_286 = vector.broadcast %mul3A_285 : i32 to vector<16xi32>
      %mul3A_287 = arith.muli %get3A_276, %mul3A_286 : vector<16xi32>
      %add3A_288 = arith.constant 851973 : i32
      %add3A_289 = vector.broadcast %add3A_288 : i32 to vector<16xi32>
      %add3A_290 = arith.addi %mul3A_287, %add3A_289 : vector<16xi32>
      tpu.vector_store_idx %arg8[%add3A_284], %add3A_290 : memref<13312xi32, #tpu.memory_space<vmem>>[vector<16xi32>], vector<16xi32>,
      %add3A_291 = arith.constant 1384448 : i32
      %add3A_292 = vector.broadcast %add3A_291 : i32 to vector<16xi32>
      %add3A_293 = arith.addi %get3A_276, %add3A_292 : vector<16xi32>
      tpu.vector_store_idx %arg9[%add3A_284], %add3A_293 : memref<13312xi32, #tpu.memory_space<vmem>>[vector<16xi32>], vector<16xi32>,
      %scan3A_294 = arith.constant 0 : i32
      scf.yield %scan3A_294 : i32
    }
    %scan3A_177 = arith.constant 32 : i32
    %scan3A_178 = arith.constant 0 : i32
    %scan3A_179 = arith.constant 0 : i32
    %scan3A_180 = arith.constant 32 : i32
    %scan3A_181 = arith.addi %scan3A_179, %scan3A_180 : i32
    %scan3A_182 = arith.constant 1 : i32
    %scan3A_183 = scf.for %scan3A_270 = %scan3A_179 to %scan3A_181 step %scan3A_182 iter_args(%scan3A_271 = %scan3A_178) -> (i32)  : i32 {
      %mul3A_272 = arith.constant 16 : i32
      %mul3A_273 = arith.muli %scan3A_270, %mul3A_272 : i32
      %add3A_274 = arith.constant 7168 : i32
      %add3A_275 = arith.addi %add3A_274, %mul3A_273 : i32
      %get3A = arith.index_cast %add3A_275 : i32 to index
      %get3A_276 = tpu.vector_load %arg7[%get3A] {strides = array<i32>} : memref<13312xi32, #tpu.memory_space<vmem>>, vector<16xi32>,
      %mul3A_277 = arith.constant 16 : i32
      %mul3A_278 = arith.muli %scan3A_270, %mul3A_277 : i32
      %mul3A_279 = arith.constant 26 : i32
      %mul3A_280 = arith.muli %mul3A_278, %mul3A_279 : i32
      %add3A_281 = arith.constant 14 : i32
      %add3A_282 = arith.addi %mul3A_280, %add3A_281 : i32
      %add3A_283 = vector.broadcast %add3A_282 : i32 to vector<16xi32>
      %add3A_284 = arith.addi %mul3A_80, %add3A_283 : vector<16xi32>
      %mul3A_285 = arith.constant 8 : i32
      %mul3A_286 = vector.broadcast %mul3A_285 : i32 to vector<16xi32>
      %mul3A_287 = arith.muli %get3A_276, %mul3A_286 : vector<16xi32>
      %add3A_288 = arith.constant 851974 : i32
      %add3A_289 = vector.broadcast %add3A_288 : i32 to vector<16xi32>
      %add3A_290 = arith.addi %mul3A_287, %add3A_289 : vector<16xi32>
      tpu.vector_store_idx %arg8[%add3A_284], %add3A_290 : memref<13312xi32, #tpu.memory_space<vmem>>[vector<16xi32>], vector<16xi32>,
      %add3A_291 = arith.constant 1490944 : i32
      %add3A_292 = vector.broadcast %add3A_291 : i32 to vector<16xi32>
      %add3A_293 = arith.addi %get3A_276, %add3A_292 : vector<16xi32>
      tpu.vector_store_idx %arg9[%add3A_284], %add3A_293 : memref<13312xi32, #tpu.memory_space<vmem>>[vector<16xi32>], vector<16xi32>,
      %scan3A_294 = arith.constant 0 : i32
      scf.yield %scan3A_294 : i32
    }
    %scan3A_184 = arith.constant 32 : i32
    %scan3A_185 = arith.constant 0 : i32
    %scan3A_186 = arith.constant 0 : i32
    %scan3A_187 = arith.constant 32 : i32
    %scan3A_188 = arith.addi %scan3A_186, %scan3A_187 : i32
    %scan3A_189 = arith.constant 1 : i32
    %scan3A_190 = scf.for %scan3A_270 = %scan3A_186 to %scan3A_188 step %scan3A_189 iter_args(%scan3A_271 = %scan3A_185) -> (i32)  : i32 {
      %mul3A_272 = arith.constant 16 : i32
      %mul3A_273 = arith.muli %scan3A_270, %mul3A_272 : i32
      %add3A_274 = arith.constant 7680 : i32
      %add3A_275 = arith.addi %add3A_274, %mul3A_273 : i32
      %get3A = arith.index_cast %add3A_275 : i32 to index
      %get3A_276 = tpu.vector_load %arg7[%get3A] {strides = array<i32>} : memref<13312xi32, #tpu.memory_space<vmem>>, vector<16xi32>,
      %mul3A_277 = arith.constant 16 : i32
      %mul3A_278 = arith.muli %scan3A_270, %mul3A_277 : i32
      %mul3A_279 = arith.constant 26 : i32
      %mul3A_280 = arith.muli %mul3A_278, %mul3A_279 : i32
      %add3A_281 = arith.constant 15 : i32
      %add3A_282 = arith.addi %mul3A_280, %add3A_281 : i32
      %add3A_283 = vector.broadcast %add3A_282 : i32 to vector<16xi32>
      %add3A_284 = arith.addi %mul3A_80, %add3A_283 : vector<16xi32>
      %mul3A_285 = arith.constant 8 : i32
      %mul3A_286 = vector.broadcast %mul3A_285 : i32 to vector<16xi32>
      %mul3A_287 = arith.muli %get3A_276, %mul3A_286 : vector<16xi32>
      %add3A_288 = arith.constant 851975 : i32
      %add3A_289 = vector.broadcast %add3A_288 : i32 to vector<16xi32>
      %add3A_290 = arith.addi %mul3A_287, %add3A_289 : vector<16xi32>
      tpu.vector_store_idx %arg8[%add3A_284], %add3A_290 : memref<13312xi32, #tpu.memory_space<vmem>>[vector<16xi32>], vector<16xi32>,
      %add3A_291 = arith.constant 1597440 : i32
      %add3A_292 = vector.broadcast %add3A_291 : i32 to vector<16xi32>
      %add3A_293 = arith.addi %get3A_276, %add3A_292 : vector<16xi32>
      tpu.vector_store_idx %arg9[%add3A_284], %add3A_293 : memref<13312xi32, #tpu.memory_space<vmem>>[vector<16xi32>], vector<16xi32>,
      %scan3A_294 = arith.constant 0 : i32
      scf.yield %scan3A_294 : i32
    }
    %scan3A_191 = arith.constant 32 : i32
    %scan3A_192 = arith.constant 0 : i32
    %scan3A_193 = arith.constant 0 : i32
    %scan3A_194 = arith.constant 32 : i32
    %scan3A_195 = arith.addi %scan3A_193, %scan3A_194 : i32
    %scan3A_196 = arith.constant 1 : i32
    %scan3A_197 = scf.for %scan3A_270 = %scan3A_193 to %scan3A_195 step %scan3A_196 iter_args(%scan3A_271 = %scan3A_192) -> (i32)  : i32 {
      %mul3A_272 = arith.constant 16 : i32
      %mul3A_273 = arith.muli %scan3A_270, %mul3A_272 : i32
      %add3A_274 = arith.constant 8192 : i32
      %add3A_275 = arith.addi %add3A_274, %mul3A_273 : i32
      %get3A = arith.index_cast %add3A_275 : i32 to index
      %get3A_276 = tpu.vector_load %arg7[%get3A] {strides = array<i32>} : memref<13312xi32, #tpu.memory_space<vmem>>, vector<16xi32>,
      %mul3A_277 = arith.constant 16 : i32
      %mul3A_278 = arith.muli %scan3A_270, %mul3A_277 : i32
      %mul3A_279 = arith.constant 26 : i32
      %mul3A_280 = arith.muli %mul3A_278, %mul3A_279 : i32
      %add3A_281 = arith.constant 16 : i32
      %add3A_282 = arith.addi %mul3A_280, %add3A_281 : i32
      %add3A_283 = vector.broadcast %add3A_282 : i32 to vector<16xi32>
      %add3A_284 = arith.addi %mul3A_80, %add3A_283 : vector<16xi32>
      %mul3A_285 = arith.constant 8 : i32
      %mul3A_286 = vector.broadcast %mul3A_285 : i32 to vector<16xi32>
      %mul3A_287 = arith.muli %get3A_276, %mul3A_286 : vector<16xi32>
      %add3A_288 = arith.constant 1703936 : i32
      %add3A_289 = vector.broadcast %add3A_288 : i32 to vector<16xi32>
      %add3A_290 = arith.addi %mul3A_287, %add3A_289 : vector<16xi32>
      tpu.vector_store_idx %arg8[%add3A_284], %add3A_290 : memref<13312xi32, #tpu.memory_space<vmem>>[vector<16xi32>], vector<16xi32>,
      %add3A_291 = arith.constant 1703936 : i32
      %add3A_292 = vector.broadcast %add3A_291 : i32 to vector<16xi32>
      %add3A_293 = arith.addi %get3A_276, %add3A_292 : vector<16xi32>
      tpu.vector_store_idx %arg9[%add3A_284], %add3A_293 : memref<13312xi32, #tpu.memory_space<vmem>>[vector<16xi32>], vector<16xi32>,
      %scan3A_294 = arith.constant 0 : i32
      scf.yield %scan3A_294 : i32
    }
    %scan3A_198 = arith.constant 32 : i32
    %scan3A_199 = arith.constant 0 : i32
    %scan3A_200 = arith.constant 0 : i32
    %scan3A_201 = arith.constant 32 : i32
    %scan3A_202 = arith.addi %scan3A_200, %scan3A_201 : i32
    %scan3A_203 = arith.constant 1 : i32
    %scan3A_204 = scf.for %scan3A_270 = %scan3A_200 to %scan3A_202 step %scan3A_203 iter_args(%scan3A_271 = %scan3A_199) -> (i32)  : i32 {
      %mul3A_272 = arith.constant 16 : i32
      %mul3A_273 = arith.muli %scan3A_270, %mul3A_272 : i32
      %add3A_274 = arith.constant 8704 : i32
      %add3A_275 = arith.addi %add3A_274, %mul3A_273 : i32
      %get3A = arith.index_cast %add3A_275 : i32 to index
      %get3A_276 = tpu.vector_load %arg7[%get3A] {strides = array<i32>} : memref<13312xi32, #tpu.memory_space<vmem>>, vector<16xi32>,
      %mul3A_277 = arith.constant 16 : i32
      %mul3A_278 = arith.muli %scan3A_270, %mul3A_277 : i32
      %mul3A_279 = arith.constant 26 : i32
      %mul3A_280 = arith.muli %mul3A_278, %mul3A_279 : i32
      %add3A_281 = arith.constant 17 : i32
      %add3A_282 = arith.addi %mul3A_280, %add3A_281 : i32
      %add3A_283 = vector.broadcast %add3A_282 : i32 to vector<16xi32>
      %add3A_284 = arith.addi %mul3A_80, %add3A_283 : vector<16xi32>
      %mul3A_285 = arith.constant 8 : i32
      %mul3A_286 = vector.broadcast %mul3A_285 : i32 to vector<16xi32>
      %mul3A_287 = arith.muli %get3A_276, %mul3A_286 : vector<16xi32>
      %add3A_288 = arith.constant 1703937 : i32
      %add3A_289 = vector.broadcast %add3A_288 : i32 to vector<16xi32>
      %add3A_290 = arith.addi %mul3A_287, %add3A_289 : vector<16xi32>
      tpu.vector_store_idx %arg8[%add3A_284], %add3A_290 : memref<13312xi32, #tpu.memory_space<vmem>>[vector<16xi32>], vector<16xi32>,
      %add3A_291 = arith.constant 1810432 : i32
      %add3A_292 = vector.broadcast %add3A_291 : i32 to vector<16xi32>
      %add3A_293 = arith.addi %get3A_276, %add3A_292 : vector<16xi32>
      tpu.vector_store_idx %arg9[%add3A_284], %add3A_293 : memref<13312xi32, #tpu.memory_space<vmem>>[vector<16xi32>], vector<16xi32>,
      %scan3A_294 = arith.constant 0 : i32
      scf.yield %scan3A_294 : i32
    }
    %scan3A_205 = arith.constant 32 : i32
    %scan3A_206 = arith.constant 0 : i32
    %scan3A_207 = arith.constant 0 : i32
    %scan3A_208 = arith.constant 32 : i32
    %scan3A_209 = arith.addi %scan3A_207, %scan3A_208 : i32
    %scan3A_210 = arith.constant 1 : i32
    %scan3A_211 = scf.for %scan3A_270 = %scan3A_207 to %scan3A_209 step %scan3A_210 iter_args(%scan3A_271 = %scan3A_206) -> (i32)  : i32 {
      %mul3A_272 = arith.constant 16 : i32
      %mul3A_273 = arith.muli %scan3A_270, %mul3A_272 : i32
      %add3A_274 = arith.constant 9216 : i32
      %add3A_275 = arith.addi %add3A_274, %mul3A_273 : i32
      %get3A = arith.index_cast %add3A_275 : i32 to index
      %get3A_276 = tpu.vector_load %arg7[%get3A] {strides = array<i32>} : memref<13312xi32, #tpu.memory_space<vmem>>, vector<16xi32>,
      %mul3A_277 = arith.constant 16 : i32
      %mul3A_278 = arith.muli %scan3A_270, %mul3A_277 : i32
      %mul3A_279 = arith.constant 26 : i32
      %mul3A_280 = arith.muli %mul3A_278, %mul3A_279 : i32
      %add3A_281 = arith.constant 18 : i32
      %add3A_282 = arith.addi %mul3A_280, %add3A_281 : i32
      %add3A_283 = vector.broadcast %add3A_282 : i32 to vector<16xi32>
      %add3A_284 = arith.addi %mul3A_80, %add3A_283 : vector<16xi32>
      %mul3A_285 = arith.constant 8 : i32
      %mul3A_286 = vector.broadcast %mul3A_285 : i32 to vector<16xi32>
      %mul3A_287 = arith.muli %get3A_276, %mul3A_286 : vector<16xi32>
      %add3A_288 = arith.constant 1703938 : i32
      %add3A_289 = vector.broadcast %add3A_288 : i32 to vector<16xi32>
      %add3A_290 = arith.addi %mul3A_287, %add3A_289 : vector<16xi32>
      tpu.vector_store_idx %arg8[%add3A_284], %add3A_290 : memref<13312xi32, #tpu.memory_space<vmem>>[vector<16xi32>], vector<16xi32>,
      %add3A_291 = arith.constant 1916928 : i32
      %add3A_292 = vector.broadcast %add3A_291 : i32 to vector<16xi32>
      %add3A_293 = arith.addi %get3A_276, %add3A_292 : vector<16xi32>
      tpu.vector_store_idx %arg9[%add3A_284], %add3A_293 : memref<13312xi32, #tpu.memory_space<vmem>>[vector<16xi32>], vector<16xi32>,
      %scan3A_294 = arith.constant 0 : i32
      scf.yield %scan3A_294 : i32
    }
    %scan3A_212 = arith.constant 32 : i32
    %scan3A_213 = arith.constant 0 : i32
    %scan3A_214 = arith.constant 0 : i32
    %scan3A_215 = arith.constant 32 : i32
    %scan3A_216 = arith.addi %scan3A_214, %scan3A_215 : i32
    %scan3A_217 = arith.constant 1 : i32
    %scan3A_218 = scf.for %scan3A_270 = %scan3A_214 to %scan3A_216 step %scan3A_217 iter_args(%scan3A_271 = %scan3A_213) -> (i32)  : i32 {
      %mul3A_272 = arith.constant 16 : i32
      %mul3A_273 = arith.muli %scan3A_270, %mul3A_272 : i32
      %add3A_274 = arith.constant 9728 : i32
      %add3A_275 = arith.addi %add3A_274, %mul3A_273 : i32
      %get3A = arith.index_cast %add3A_275 : i32 to index
      %get3A_276 = tpu.vector_load %arg7[%get3A] {strides = array<i32>} : memref<13312xi32, #tpu.memory_space<vmem>>, vector<16xi32>,
      %mul3A_277 = arith.constant 16 : i32
      %mul3A_278 = arith.muli %scan3A_270, %mul3A_277 : i32
      %mul3A_279 = arith.constant 26 : i32
      %mul3A_280 = arith.muli %mul3A_278, %mul3A_279 : i32
      %add3A_281 = arith.constant 19 : i32
      %add3A_282 = arith.addi %mul3A_280, %add3A_281 : i32
      %add3A_283 = vector.broadcast %add3A_282 : i32 to vector<16xi32>
      %add3A_284 = arith.addi %mul3A_80, %add3A_283 : vector<16xi32>
      %mul3A_285 = arith.constant 8 : i32
      %mul3A_286 = vector.broadcast %mul3A_285 : i32 to vector<16xi32>
      %mul3A_287 = arith.muli %get3A_276, %mul3A_286 : vector<16xi32>
      %add3A_288 = arith.constant 1703939 : i32
      %add3A_289 = vector.broadcast %add3A_288 : i32 to vector<16xi32>
      %add3A_290 = arith.addi %mul3A_287, %add3A_289 : vector<16xi32>
      tpu.vector_store_idx %arg8[%add3A_284], %add3A_290 : memref<13312xi32, #tpu.memory_space<vmem>>[vector<16xi32>], vector<16xi32>,
      %add3A_291 = arith.constant 2023424 : i32
      %add3A_292 = vector.broadcast %add3A_291 : i32 to vector<16xi32>
      %add3A_293 = arith.addi %get3A_276, %add3A_292 : vector<16xi32>
      tpu.vector_store_idx %arg9[%add3A_284], %add3A_293 : memref<13312xi32, #tpu.memory_space<vmem>>[vector<16xi32>], vector<16xi32>,
      %scan3A_294 = arith.constant 0 : i32
      scf.yield %scan3A_294 : i32
    }
    %scan3A_219 = arith.constant 32 : i32
    %scan3A_220 = arith.constant 0 : i32
    %scan3A_221 = arith.constant 0 : i32
    %scan3A_222 = arith.constant 32 : i32
    %scan3A_223 = arith.addi %scan3A_221, %scan3A_222 : i32
    %scan3A_224 = arith.constant 1 : i32
    %scan3A_225 = scf.for %scan3A_270 = %scan3A_221 to %scan3A_223 step %scan3A_224 iter_args(%scan3A_271 = %scan3A_220) -> (i32)  : i32 {
      %mul3A_272 = arith.constant 16 : i32
      %mul3A_273 = arith.muli %scan3A_270, %mul3A_272 : i32
      %add3A_274 = arith.constant 10240 : i32
      %add3A_275 = arith.addi %add3A_274, %mul3A_273 : i32
      %get3A = arith.index_cast %add3A_275 : i32 to index
      %get3A_276 = tpu.vector_load %arg7[%get3A] {strides = array<i32>} : memref<13312xi32, #tpu.memory_space<vmem>>, vector<16xi32>,
      %mul3A_277 = arith.constant 16 : i32
      %mul3A_278 = arith.muli %scan3A_270, %mul3A_277 : i32
      %mul3A_279 = arith.constant 26 : i32
      %mul3A_280 = arith.muli %mul3A_278, %mul3A_279 : i32
      %add3A_281 = arith.constant 20 : i32
      %add3A_282 = arith.addi %mul3A_280, %add3A_281 : i32
      %add3A_283 = vector.broadcast %add3A_282 : i32 to vector<16xi32>
      %add3A_284 = arith.addi %mul3A_80, %add3A_283 : vector<16xi32>
      %mul3A_285 = arith.constant 8 : i32
      %mul3A_286 = vector.broadcast %mul3A_285 : i32 to vector<16xi32>
      %mul3A_287 = arith.muli %get3A_276, %mul3A_286 : vector<16xi32>
      %add3A_288 = arith.constant 1703940 : i32
      %add3A_289 = vector.broadcast %add3A_288 : i32 to vector<16xi32>
      %add3A_290 = arith.addi %mul3A_287, %add3A_289 : vector<16xi32>
      tpu.vector_store_idx %arg8[%add3A_284], %add3A_290 : memref<13312xi32, #tpu.memory_space<vmem>>[vector<16xi32>], vector<16xi32>,
      %add3A_291 = arith.constant 2129920 : i32
      %add3A_292 = vector.broadcast %add3A_291 : i32 to vector<16xi32>
      %add3A_293 = arith.addi %get3A_276, %add3A_292 : vector<16xi32>
      tpu.vector_store_idx %arg9[%add3A_284], %add3A_293 : memref<13312xi32, #tpu.memory_space<vmem>>[vector<16xi32>], vector<16xi32>,
      %scan3A_294 = arith.constant 0 : i32
      scf.yield %scan3A_294 : i32
    }
    %scan3A_226 = arith.constant 32 : i32
    %scan3A_227 = arith.constant 0 : i32
    %scan3A_228 = arith.constant 0 : i32
    %scan3A_229 = arith.constant 32 : i32
    %scan3A_230 = arith.addi %scan3A_228, %scan3A_229 : i32
    %scan3A_231 = arith.constant 1 : i32
    %scan3A_232 = scf.for %scan3A_270 = %scan3A_228 to %scan3A_230 step %scan3A_231 iter_args(%scan3A_271 = %scan3A_227) -> (i32)  : i32 {
      %mul3A_272 = arith.constant 16 : i32
      %mul3A_273 = arith.muli %scan3A_270, %mul3A_272 : i32
      %add3A_274 = arith.constant 10752 : i32
      %add3A_275 = arith.addi %add3A_274, %mul3A_273 : i32
      %get3A = arith.index_cast %add3A_275 : i32 to index
      %get3A_276 = tpu.vector_load %arg7[%get3A] {strides = array<i32>} : memref<13312xi32, #tpu.memory_space<vmem>>, vector<16xi32>,
      %mul3A_277 = arith.constant 16 : i32
      %mul3A_278 = arith.muli %scan3A_270, %mul3A_277 : i32
      %mul3A_279 = arith.constant 26 : i32
      %mul3A_280 = arith.muli %mul3A_278, %mul3A_279 : i32
      %add3A_281 = arith.constant 21 : i32
      %add3A_282 = arith.addi %mul3A_280, %add3A_281 : i32
      %add3A_283 = vector.broadcast %add3A_282 : i32 to vector<16xi32>
      %add3A_284 = arith.addi %mul3A_80, %add3A_283 : vector<16xi32>
      %mul3A_285 = arith.constant 8 : i32
      %mul3A_286 = vector.broadcast %mul3A_285 : i32 to vector<16xi32>
      %mul3A_287 = arith.muli %get3A_276, %mul3A_286 : vector<16xi32>
      %add3A_288 = arith.constant 1703941 : i32
      %add3A_289 = vector.broadcast %add3A_288 : i32 to vector<16xi32>
      %add3A_290 = arith.addi %mul3A_287, %add3A_289 : vector<16xi32>
      tpu.vector_store_idx %arg8[%add3A_284], %add3A_290 : memref<13312xi32, #tpu.memory_space<vmem>>[vector<16xi32>], vector<16xi32>,
      %add3A_291 = arith.constant 2236416 : i32
      %add3A_292 = vector.broadcast %add3A_291 : i32 to vector<16xi32>
      %add3A_293 = arith.addi %get3A_276, %add3A_292 : vector<16xi32>
      tpu.vector_store_idx %arg9[%add3A_284], %add3A_293 : memref<13312xi32, #tpu.memory_space<vmem>>[vector<16xi32>], vector<16xi32>,
      %scan3A_294 = arith.constant 0 : i32
      scf.yield %scan3A_294 : i32
    }
    %scan3A_233 = arith.constant 32 : i32
    %scan3A_234 = arith.constant 0 : i32
    %scan3A_235 = arith.constant 0 : i32
    %scan3A_236 = arith.constant 32 : i32
    %scan3A_237 = arith.addi %scan3A_235, %scan3A_236 : i32
    %scan3A_238 = arith.constant 1 : i32
    %scan3A_239 = scf.for %scan3A_270 = %scan3A_235 to %scan3A_237 step %scan3A_238 iter_args(%scan3A_271 = %scan3A_234) -> (i32)  : i32 {
      %mul3A_272 = arith.constant 16 : i32
      %mul3A_273 = arith.muli %scan3A_270, %mul3A_272 : i32
      %add3A_274 = arith.constant 11264 : i32
      %add3A_275 = arith.addi %add3A_274, %mul3A_273 : i32
      %get3A = arith.index_cast %add3A_275 : i32 to index
      %get3A_276 = tpu.vector_load %arg7[%get3A] {strides = array<i32>} : memref<13312xi32, #tpu.memory_space<vmem>>, vector<16xi32>,
      %mul3A_277 = arith.constant 16 : i32
      %mul3A_278 = arith.muli %scan3A_270, %mul3A_277 : i32
      %mul3A_279 = arith.constant 26 : i32
      %mul3A_280 = arith.muli %mul3A_278, %mul3A_279 : i32
      %add3A_281 = arith.constant 22 : i32
      %add3A_282 = arith.addi %mul3A_280, %add3A_281 : i32
      %add3A_283 = vector.broadcast %add3A_282 : i32 to vector<16xi32>
      %add3A_284 = arith.addi %mul3A_80, %add3A_283 : vector<16xi32>
      %mul3A_285 = arith.constant 8 : i32
      %mul3A_286 = vector.broadcast %mul3A_285 : i32 to vector<16xi32>
      %mul3A_287 = arith.muli %get3A_276, %mul3A_286 : vector<16xi32>
      %add3A_288 = arith.constant 1703942 : i32
      %add3A_289 = vector.broadcast %add3A_288 : i32 to vector<16xi32>
      %add3A_290 = arith.addi %mul3A_287, %add3A_289 : vector<16xi32>
      tpu.vector_store_idx %arg8[%add3A_284], %add3A_290 : memref<13312xi32, #tpu.memory_space<vmem>>[vector<16xi32>], vector<16xi32>,
      %add3A_291 = arith.constant 2342912 : i32
      %add3A_292 = vector.broadcast %add3A_291 : i32 to vector<16xi32>
      %add3A_293 = arith.addi %get3A_276, %add3A_292 : vector<16xi32>
      tpu.vector_store_idx %arg9[%add3A_284], %add3A_293 : memref<13312xi32, #tpu.memory_space<vmem>>[vector<16xi32>], vector<16xi32>,
      %scan3A_294 = arith.constant 0 : i32
      scf.yield %scan3A_294 : i32
    }
    %scan3A_240 = arith.constant 32 : i32
    %scan3A_241 = arith.constant 0 : i32
    %scan3A_242 = arith.constant 0 : i32
    %scan3A_243 = arith.constant 32 : i32
    %scan3A_244 = arith.addi %scan3A_242, %scan3A_243 : i32
    %scan3A_245 = arith.constant 1 : i32
    %scan3A_246 = scf.for %scan3A_270 = %scan3A_242 to %scan3A_244 step %scan3A_245 iter_args(%scan3A_271 = %scan3A_241) -> (i32)  : i32 {
      %mul3A_272 = arith.constant 16 : i32
      %mul3A_273 = arith.muli %scan3A_270, %mul3A_272 : i32
      %add3A_274 = arith.constant 11776 : i32
      %add3A_275 = arith.addi %add3A_274, %mul3A_273 : i32
      %get3A = arith.index_cast %add3A_275 : i32 to index
      %get3A_276 = tpu.vector_load %arg7[%get3A] {strides = array<i32>} : memref<13312xi32, #tpu.memory_space<vmem>>, vector<16xi32>,
      %mul3A_277 = arith.constant 16 : i32
      %mul3A_278 = arith.muli %scan3A_270, %mul3A_277 : i32
      %mul3A_279 = arith.constant 26 : i32
      %mul3A_280 = arith.muli %mul3A_278, %mul3A_279 : i32
      %add3A_281 = arith.constant 23 : i32
      %add3A_282 = arith.addi %mul3A_280, %add3A_281 : i32
      %add3A_283 = vector.broadcast %add3A_282 : i32 to vector<16xi32>
      %add3A_284 = arith.addi %mul3A_80, %add3A_283 : vector<16xi32>
      %mul3A_285 = arith.constant 8 : i32
      %mul3A_286 = vector.broadcast %mul3A_285 : i32 to vector<16xi32>
      %mul3A_287 = arith.muli %get3A_276, %mul3A_286 : vector<16xi32>
      %add3A_288 = arith.constant 1703943 : i32
      %add3A_289 = vector.broadcast %add3A_288 : i32 to vector<16xi32>
      %add3A_290 = arith.addi %mul3A_287, %add3A_289 : vector<16xi32>
      tpu.vector_store_idx %arg8[%add3A_284], %add3A_290 : memref<13312xi32, #tpu.memory_space<vmem>>[vector<16xi32>], vector<16xi32>,
      %add3A_291 = arith.constant 2449408 : i32
      %add3A_292 = vector.broadcast %add3A_291 : i32 to vector<16xi32>
      %add3A_293 = arith.addi %get3A_276, %add3A_292 : vector<16xi32>
      tpu.vector_store_idx %arg9[%add3A_284], %add3A_293 : memref<13312xi32, #tpu.memory_space<vmem>>[vector<16xi32>], vector<16xi32>,
      %scan3A_294 = arith.constant 0 : i32
      scf.yield %scan3A_294 : i32
    }
    %scan3A_247 = arith.constant 32 : i32
    %scan3A_248 = arith.constant 0 : i32
    %scan3A_249 = arith.constant 0 : i32
    %scan3A_250 = arith.constant 32 : i32
    %scan3A_251 = arith.addi %scan3A_249, %scan3A_250 : i32
    %scan3A_252 = arith.constant 1 : i32
    %scan3A_253 = scf.for %scan3A_270 = %scan3A_249 to %scan3A_251 step %scan3A_252 iter_args(%scan3A_271 = %scan3A_248) -> (i32)  : i32 {
      %mul3A_272 = arith.constant 16 : i32
      %mul3A_273 = arith.muli %scan3A_270, %mul3A_272 : i32
      %add3A_274 = arith.constant 12288 : i32
      %add3A_275 = arith.addi %add3A_274, %mul3A_273 : i32
      %get3A = arith.index_cast %add3A_275 : i32 to index
      %get3A_276 = tpu.vector_load %arg7[%get3A] {strides = array<i32>} : memref<13312xi32, #tpu.memory_space<vmem>>, vector<16xi32>,
      %mul3A_277 = arith.constant 16 : i32
      %mul3A_278 = arith.muli %scan3A_270, %mul3A_277 : i32
      %mul3A_279 = arith.constant 26 : i32
      %mul3A_280 = arith.muli %mul3A_278, %mul3A_279 : i32
      %add3A_281 = arith.constant 24 : i32
      %add3A_282 = arith.addi %mul3A_280, %add3A_281 : i32
      %add3A_283 = vector.broadcast %add3A_282 : i32 to vector<16xi32>
      %add3A_284 = arith.addi %mul3A_80, %add3A_283 : vector<16xi32>
      %mul3A_285 = arith.constant 8 : i32
      %mul3A_286 = vector.broadcast %mul3A_285 : i32 to vector<16xi32>
      %mul3A_287 = arith.muli %get3A_276, %mul3A_286 : vector<16xi32>
      %add3A_288 = arith.constant 2555904 : i32
      %add3A_289 = vector.broadcast %add3A_288 : i32 to vector<16xi32>
      %add3A_290 = arith.addi %mul3A_287, %add3A_289 : vector<16xi32>
      tpu.vector_store_idx %arg8[%add3A_284], %add3A_290 : memref<13312xi32, #tpu.memory_space<vmem>>[vector<16xi32>], vector<16xi32>,
      %add3A_291 = arith.constant 2555904 : i32
      %add3A_292 = vector.broadcast %add3A_291 : i32 to vector<16xi32>
      %add3A_293 = arith.addi %get3A_276, %add3A_292 : vector<16xi32>
      tpu.vector_store_idx %arg9[%add3A_284], %add3A_293 : memref<13312xi32, #tpu.memory_space<vmem>>[vector<16xi32>], vector<16xi32>,
      %scan3A_294 = arith.constant 0 : i32
      scf.yield %scan3A_294 : i32
    }
    %scan3A_254 = arith.constant 32 : i32
    %scan3A_255 = arith.constant 0 : i32
    %scan3A_256 = arith.constant 0 : i32
    %scan3A_257 = arith.constant 32 : i32
    %scan3A_258 = arith.addi %scan3A_256, %scan3A_257 : i32
    %scan3A_259 = arith.constant 1 : i32
    %scan3A_260 = scf.for %scan3A_270 = %scan3A_256 to %scan3A_258 step %scan3A_259 iter_args(%scan3A_271 = %scan3A_255) -> (i32)  : i32 {
      %mul3A_272 = arith.constant 16 : i32
      %mul3A_273 = arith.muli %scan3A_270, %mul3A_272 : i32
      %add3A_274 = arith.constant 12800 : i32
      %add3A_275 = arith.addi %add3A_274, %mul3A_273 : i32
      %get3A = arith.index_cast %add3A_275 : i32 to index
      %get3A_276 = tpu.vector_load %arg7[%get3A] {strides = array<i32>} : memref<13312xi32, #tpu.memory_space<vmem>>, vector<16xi32>,
      %mul3A_277 = arith.constant 16 : i32
      %mul3A_278 = arith.muli %scan3A_270, %mul3A_277 : i32
      %mul3A_279 = arith.constant 26 : i32
      %mul3A_280 = arith.muli %mul3A_278, %mul3A_279 : i32
      %add3A_281 = arith.constant 25 : i32
      %add3A_282 = arith.addi %mul3A_280, %add3A_281 : i32
      %add3A_283 = vector.broadcast %add3A_282 : i32 to vector<16xi32>
      %add3A_284 = arith.addi %mul3A_80, %add3A_283 : vector<16xi32>
      %mul3A_285 = arith.constant 8 : i32
      %mul3A_286 = vector.broadcast %mul3A_285 : i32 to vector<16xi32>
      %mul3A_287 = arith.muli %get3A_276, %mul3A_286 : vector<16xi32>
      %add3A_288 = arith.constant 2555905 : i32
      %add3A_289 = vector.broadcast %add3A_288 : i32 to vector<16xi32>
      %add3A_290 = arith.addi %mul3A_287, %add3A_289 : vector<16xi32>
      tpu.vector_store_idx %arg8[%add3A_284], %add3A_290 : memref<13312xi32, #tpu.memory_space<vmem>>[vector<16xi32>], vector<16xi32>,
      %add3A_291 = arith.constant 2662400 : i32
      %add3A_292 = vector.broadcast %add3A_291 : i32 to vector<16xi32>
      %add3A_293 = arith.addi %get3A_276, %add3A_292 : vector<16xi32>
      tpu.vector_store_idx %arg9[%add3A_284], %add3A_293 : memref<13312xi32, #tpu.memory_space<vmem>>[vector<16xi32>], vector<16xi32>,
      %scan3A_294 = arith.constant 0 : i32
      scf.yield %scan3A_294 : i32
    }
    %scan3A_261 = arith.constant 32 : i32
    %broadcast_in_dim3A = arith.constant 0.000000e+00 : f32
    %broadcast_in_dim3A_262 = vector.broadcast %broadcast_in_dim3A : f32 to vector<16xf32>
    %scan3A_263 = arith.constant 0 : i32
    %scan3A_264 = arith.constant 13 : i32
    %scan3A_265 = arith.addi %scan3A_263, %scan3A_264 : i32
    %scan3A_266 = arith.constant 1 : i32
    %scan3A_267 = scf.for %scan3A_270 = %scan3A_263 to %scan3A_265 step %scan3A_266 iter_args(%scan3A_271 = %broadcast_in_dim3A_262) -> (vector<16xf32>)  : i32 {
      %mul3A_272 = arith.constant 8 : i32
      %mul3A_273 = arith.muli %scan3A_270, %mul3A_272 : i32
      %add3A_274 = arith.constant 0 : i32
      %add3A_275 = arith.addi %mul3A_273, %add3A_274 : i32
      %mul3A_276 = arith.constant 128 : i32
      %mul3A_277 = arith.muli %add3A_275, %mul3A_276 : i32
      %mul3A_278 = arith.constant 128 : i32
      %mul3A_279 = arith.muli %add3A_275, %mul3A_278 : i32
      %mul3A_280 = arith.constant 8 : i32
      %mul3A_281 = arith.muli %scan3A_270, %mul3A_280 : i32
      %add3A_282 = arith.constant 1 : i32
      %add3A_283 = arith.addi %mul3A_281, %add3A_282 : i32
      %mul3A_284 = arith.constant 128 : i32
      %mul3A_285 = arith.muli %add3A_283, %mul3A_284 : i32
      %mul3A_286 = arith.constant 128 : i32
      %mul3A_287 = arith.muli %add3A_283, %mul3A_286 : i32
      %mul3A_288 = arith.constant 8 : i32
      %mul3A_289 = arith.muli %scan3A_270, %mul3A_288 : i32
      %add3A_290 = arith.constant 2 : i32
      %add3A_291 = arith.addi %mul3A_289, %add3A_290 : i32
      %mul3A_292 = arith.constant 128 : i32
      %mul3A_293 = arith.muli %add3A_291, %mul3A_292 : i32
      %mul3A_294 = arith.constant 128 : i32
      %mul3A_295 = arith.muli %add3A_291, %mul3A_294 : i32
      %mul3A_296 = arith.constant 8 : i32
      %mul3A_297 = arith.muli %scan3A_270, %mul3A_296 : i32
      %add3A_298 = arith.constant 3 : i32
      %add3A_299 = arith.addi %mul3A_297, %add3A_298 : i32
      %mul3A_300 = arith.constant 128 : i32
      %mul3A_301 = arith.muli %add3A_299, %mul3A_300 : i32
      %mul3A_302 = arith.constant 128 : i32
      %mul3A_303 = arith.muli %add3A_299, %mul3A_302 : i32
      %mul3A_304 = arith.constant 8 : i32
      %mul3A_305 = arith.muli %scan3A_270, %mul3A_304 : i32
      %add3A_306 = arith.constant 4 : i32
      %add3A_307 = arith.addi %mul3A_305, %add3A_306 : i32
      %mul3A_308 = arith.constant 128 : i32
      %mul3A_309 = arith.muli %add3A_307, %mul3A_308 : i32
      %mul3A_310 = arith.constant 128 : i32
      %mul3A_311 = arith.muli %add3A_307, %mul3A_310 : i32
      %mul3A_312 = arith.constant 8 : i32
      %mul3A_313 = arith.muli %scan3A_270, %mul3A_312 : i32
      %add3A_314 = arith.constant 5 : i32
      %add3A_315 = arith.addi %mul3A_313, %add3A_314 : i32
      %mul3A_316 = arith.constant 128 : i32
      %mul3A_317 = arith.muli %add3A_315, %mul3A_316 : i32
      %mul3A_318 = arith.constant 128 : i32
      %mul3A_319 = arith.muli %add3A_315, %mul3A_318 : i32
      %mul3A_320 = arith.constant 8 : i32
      %mul3A_321 = arith.muli %scan3A_270, %mul3A_320 : i32
      %add3A_322 = arith.constant 6 : i32
      %add3A_323 = arith.addi %mul3A_321, %add3A_322 : i32
      %mul3A_324 = arith.constant 128 : i32
      %mul3A_325 = arith.muli %add3A_323, %mul3A_324 : i32
      %mul3A_326 = arith.constant 128 : i32
      %mul3A_327 = arith.muli %add3A_323, %mul3A_326 : i32
      %mul3A_328 = arith.constant 8 : i32
      %mul3A_329 = arith.muli %scan3A_270, %mul3A_328 : i32
      %add3A_330 = arith.constant 7 : i32
      %add3A_331 = arith.addi %mul3A_329, %add3A_330 : i32
      %mul3A_332 = arith.constant 128 : i32
      %mul3A_333 = arith.muli %add3A_331, %mul3A_332 : i32
      %mul3A_334 = arith.constant 128 : i32
      %mul3A_335 = arith.muli %add3A_331, %mul3A_334 : i32
      %dma_start3A = arith.constant 0 : i32
      %dma_start3A_336 = arith.constant 0 : i32
      %dma_start3A_337 = tpu.memref_slice %arg10[%dma_start3A, %dma_start3A_336] : memref<1024x16xf32, #tpu.memory_space<vmem>> -> memref<128x16xf32, #tpu.memory_space<vmem>>
      %dma_start3A_338 = tpu.memref_slice %arg8[%mul3A_277] : memref<13312xi32, #tpu.memory_space<vmem>> -> memref<128xi32, #tpu.memory_space<vmem>>
      %dma_start3A_339 = arith.constant 0 : i32
      %dma_start3A_340 = arith.constant 0 : i32
      %dma_start3A_341 = tpu.memref_slice %arg2[%dma_start3A_339, %dma_start3A_340] : memref<3407872x16xf32, #tpu.memory_space<hbm>> -> memref<3407872x16xf32, #tpu.memory_space<hbm>>
      tpu.enqueue_indirect_dma source(%dma_start3A_341 : memref<3407872x16xf32, #tpu.memory_space<hbm>>) target(%dma_start3A_337 : memref<128x16xf32, #tpu.memory_space<vmem>>) offsets(%dma_start3A_338 : memref<128xi32, #tpu.memory_space<vmem>>) semaphore(%arg13 : memref<!tpu.dma_semaphore, #tpu.memory_space<semaphore_mem>>)
      %dma_start3A_342 = arith.constant 128 : i32
      %dma_start3A_343 = arith.constant 0 : i32
      %dma_start3A_344 = tpu.memref_slice %arg10[%dma_start3A_342, %dma_start3A_343] : memref<1024x16xf32, #tpu.memory_space<vmem>> -> memref<128x16xf32, #tpu.memory_space<vmem>>
      %dma_start3A_345 = tpu.memref_slice %arg8[%mul3A_285] : memref<13312xi32, #tpu.memory_space<vmem>> -> memref<128xi32, #tpu.memory_space<vmem>>
      %dma_start3A_346 = arith.constant 0 : i32
      %dma_start3A_347 = arith.constant 0 : i32
      %dma_start3A_348 = tpu.memref_slice %arg2[%dma_start3A_346, %dma_start3A_347] : memref<3407872x16xf32, #tpu.memory_space<hbm>> -> memref<3407872x16xf32, #tpu.memory_space<hbm>>
      tpu.enqueue_indirect_dma source(%dma_start3A_348 : memref<3407872x16xf32, #tpu.memory_space<hbm>>) target(%dma_start3A_344 : memref<128x16xf32, #tpu.memory_space<vmem>>) offsets(%dma_start3A_345 : memref<128xi32, #tpu.memory_space<vmem>>) semaphore(%arg13 : memref<!tpu.dma_semaphore, #tpu.memory_space<semaphore_mem>>)
      %dma_start3A_349 = arith.constant 256 : i32
      %dma_start3A_350 = arith.constant 0 : i32
      %dma_start3A_351 = tpu.memref_slice %arg10[%dma_start3A_349, %dma_start3A_350] : memref<1024x16xf32, #tpu.memory_space<vmem>> -> memref<128x16xf32, #tpu.memory_space<vmem>>
      %dma_start3A_352 = tpu.memref_slice %arg8[%mul3A_293] : memref<13312xi32, #tpu.memory_space<vmem>> -> memref<128xi32, #tpu.memory_space<vmem>>
      %dma_start3A_353 = arith.constant 0 : i32
      %dma_start3A_354 = arith.constant 0 : i32
      %dma_start3A_355 = tpu.memref_slice %arg2[%dma_start3A_353, %dma_start3A_354] : memref<3407872x16xf32, #tpu.memory_space<hbm>> -> memref<3407872x16xf32, #tpu.memory_space<hbm>>
      tpu.enqueue_indirect_dma source(%dma_start3A_355 : memref<3407872x16xf32, #tpu.memory_space<hbm>>) target(%dma_start3A_351 : memref<128x16xf32, #tpu.memory_space<vmem>>) offsets(%dma_start3A_352 : memref<128xi32, #tpu.memory_space<vmem>>) semaphore(%arg13 : memref<!tpu.dma_semaphore, #tpu.memory_space<semaphore_mem>>)
      %dma_start3A_356 = arith.constant 384 : i32
      %dma_start3A_357 = arith.constant 0 : i32
      %dma_start3A_358 = tpu.memref_slice %arg10[%dma_start3A_356, %dma_start3A_357] : memref<1024x16xf32, #tpu.memory_space<vmem>> -> memref<128x16xf32, #tpu.memory_space<vmem>>
      %dma_start3A_359 = tpu.memref_slice %arg8[%mul3A_301] : memref<13312xi32, #tpu.memory_space<vmem>> -> memref<128xi32, #tpu.memory_space<vmem>>
      %dma_start3A_360 = arith.constant 0 : i32
      %dma_start3A_361 = arith.constant 0 : i32
      %dma_start3A_362 = tpu.memref_slice %arg2[%dma_start3A_360, %dma_start3A_361] : memref<3407872x16xf32, #tpu.memory_space<hbm>> -> memref<3407872x16xf32, #tpu.memory_space<hbm>>
      tpu.enqueue_indirect_dma source(%dma_start3A_362 : memref<3407872x16xf32, #tpu.memory_space<hbm>>) target(%dma_start3A_358 : memref<128x16xf32, #tpu.memory_space<vmem>>) offsets(%dma_start3A_359 : memref<128xi32, #tpu.memory_space<vmem>>) semaphore(%arg13 : memref<!tpu.dma_semaphore, #tpu.memory_space<semaphore_mem>>)
      %dma_start3A_363 = arith.constant 512 : i32
      %dma_start3A_364 = arith.constant 0 : i32
      %dma_start3A_365 = tpu.memref_slice %arg10[%dma_start3A_363, %dma_start3A_364] : memref<1024x16xf32, #tpu.memory_space<vmem>> -> memref<128x16xf32, #tpu.memory_space<vmem>>
      %dma_start3A_366 = tpu.memref_slice %arg8[%mul3A_309] : memref<13312xi32, #tpu.memory_space<vmem>> -> memref<128xi32, #tpu.memory_space<vmem>>
      %dma_start3A_367 = arith.constant 0 : i32
      %dma_start3A_368 = arith.constant 0 : i32
      %dma_start3A_369 = tpu.memref_slice %arg2[%dma_start3A_367, %dma_start3A_368] : memref<3407872x16xf32, #tpu.memory_space<hbm>> -> memref<3407872x16xf32, #tpu.memory_space<hbm>>
      tpu.enqueue_indirect_dma source(%dma_start3A_369 : memref<3407872x16xf32, #tpu.memory_space<hbm>>) target(%dma_start3A_365 : memref<128x16xf32, #tpu.memory_space<vmem>>) offsets(%dma_start3A_366 : memref<128xi32, #tpu.memory_space<vmem>>) semaphore(%arg13 : memref<!tpu.dma_semaphore, #tpu.memory_space<semaphore_mem>>)
      %dma_start3A_370 = arith.constant 640 : i32
      %dma_start3A_371 = arith.constant 0 : i32
      %dma_start3A_372 = tpu.memref_slice %arg10[%dma_start3A_370, %dma_start3A_371] : memref<1024x16xf32, #tpu.memory_space<vmem>> -> memref<128x16xf32, #tpu.memory_space<vmem>>
      %dma_start3A_373 = tpu.memref_slice %arg8[%mul3A_317] : memref<13312xi32, #tpu.memory_space<vmem>> -> memref<128xi32, #tpu.memory_space<vmem>>
      %dma_start3A_374 = arith.constant 0 : i32
      %dma_start3A_375 = arith.constant 0 : i32
      %dma_start3A_376 = tpu.memref_slice %arg2[%dma_start3A_374, %dma_start3A_375] : memref<3407872x16xf32, #tpu.memory_space<hbm>> -> memref<3407872x16xf32, #tpu.memory_space<hbm>>
      tpu.enqueue_indirect_dma source(%dma_start3A_376 : memref<3407872x16xf32, #tpu.memory_space<hbm>>) target(%dma_start3A_372 : memref<128x16xf32, #tpu.memory_space<vmem>>) offsets(%dma_start3A_373 : memref<128xi32, #tpu.memory_space<vmem>>) semaphore(%arg13 : memref<!tpu.dma_semaphore, #tpu.memory_space<semaphore_mem>>)
      %dma_start3A_377 = arith.constant 768 : i32
      %dma_start3A_378 = arith.constant 0 : i32
      %dma_start3A_379 = tpu.memref_slice %arg10[%dma_start3A_377, %dma_start3A_378] : memref<1024x16xf32, #tpu.memory_space<vmem>> -> memref<128x16xf32, #tpu.memory_space<vmem>>
      %dma_start3A_380 = tpu.memref_slice %arg8[%mul3A_325] : memref<13312xi32, #tpu.memory_space<vmem>> -> memref<128xi32, #tpu.memory_space<vmem>>
      %dma_start3A_381 = arith.constant 0 : i32
      %dma_start3A_382 = arith.constant 0 : i32
      %dma_start3A_383 = tpu.memref_slice %arg2[%dma_start3A_381, %dma_start3A_382] : memref<3407872x16xf32, #tpu.memory_space<hbm>> -> memref<3407872x16xf32, #tpu.memory_space<hbm>>
      tpu.enqueue_indirect_dma source(%dma_start3A_383 : memref<3407872x16xf32, #tpu.memory_space<hbm>>) target(%dma_start3A_379 : memref<128x16xf32, #tpu.memory_space<vmem>>) offsets(%dma_start3A_380 : memref<128xi32, #tpu.memory_space<vmem>>) semaphore(%arg13 : memref<!tpu.dma_semaphore, #tpu.memory_space<semaphore_mem>>)
      %dma_start3A_384 = arith.constant 896 : i32
      %dma_start3A_385 = arith.constant 0 : i32
      %dma_start3A_386 = tpu.memref_slice %arg10[%dma_start3A_384, %dma_start3A_385] : memref<1024x16xf32, #tpu.memory_space<vmem>> -> memref<128x16xf32, #tpu.memory_space<vmem>>
      %dma_start3A_387 = tpu.memref_slice %arg8[%mul3A_333] : memref<13312xi32, #tpu.memory_space<vmem>> -> memref<128xi32, #tpu.memory_space<vmem>>
      %dma_start3A_388 = arith.constant 0 : i32
      %dma_start3A_389 = arith.constant 0 : i32
      %dma_start3A_390 = tpu.memref_slice %arg2[%dma_start3A_388, %dma_start3A_389] : memref<3407872x16xf32, #tpu.memory_space<hbm>> -> memref<3407872x16xf32, #tpu.memory_space<hbm>>
      tpu.enqueue_indirect_dma source(%dma_start3A_390 : memref<3407872x16xf32, #tpu.memory_space<hbm>>) target(%dma_start3A_386 : memref<128x16xf32, #tpu.memory_space<vmem>>) offsets(%dma_start3A_387 : memref<128xi32, #tpu.memory_space<vmem>>) semaphore(%arg13 : memref<!tpu.dma_semaphore, #tpu.memory_space<semaphore_mem>>)
      %dma_start3A_391 = arith.constant 0 : i32
      %dma_start3A_392 = tpu.memref_slice %arg11[%dma_start3A_391] : memref<1024xf32, #tpu.memory_space<vmem>> -> memref<128xf32, #tpu.memory_space<vmem>>
      %dma_start3A_393 = tpu.memref_slice %arg9[%mul3A_279] : memref<13312xi32, #tpu.memory_space<vmem>> -> memref<128xi32, #tpu.memory_space<vmem>>
      %dma_start3A_394 = arith.constant 0 : i32
      %dma_start3A_395 = tpu.memref_slice %arg3[%dma_start3A_394] : memref<3407872xf32, #tpu.memory_space<hbm>> -> memref<3407872xf32, #tpu.memory_space<hbm>>
      tpu.enqueue_indirect_dma source(%dma_start3A_395 : memref<3407872xf32, #tpu.memory_space<hbm>>) target(%dma_start3A_392 : memref<128xf32, #tpu.memory_space<vmem>>) offsets(%dma_start3A_393 : memref<128xi32, #tpu.memory_space<vmem>>) semaphore(%arg14 : memref<!tpu.dma_semaphore, #tpu.memory_space<semaphore_mem>>)
      %dma_start3A_396 = arith.constant 128 : i32
      %dma_start3A_397 = tpu.memref_slice %arg11[%dma_start3A_396] : memref<1024xf32, #tpu.memory_space<vmem>> -> memref<128xf32, #tpu.memory_space<vmem>>
      %dma_start3A_398 = tpu.memref_slice %arg9[%mul3A_287] : memref<13312xi32, #tpu.memory_space<vmem>> -> memref<128xi32, #tpu.memory_space<vmem>>
      %dma_start3A_399 = arith.constant 0 : i32
      %dma_start3A_400 = tpu.memref_slice %arg3[%dma_start3A_399] : memref<3407872xf32, #tpu.memory_space<hbm>> -> memref<3407872xf32, #tpu.memory_space<hbm>>
      tpu.enqueue_indirect_dma source(%dma_start3A_400 : memref<3407872xf32, #tpu.memory_space<hbm>>) target(%dma_start3A_397 : memref<128xf32, #tpu.memory_space<vmem>>) offsets(%dma_start3A_398 : memref<128xi32, #tpu.memory_space<vmem>>) semaphore(%arg14 : memref<!tpu.dma_semaphore, #tpu.memory_space<semaphore_mem>>)
      %dma_start3A_401 = arith.constant 256 : i32
      %dma_start3A_402 = tpu.memref_slice %arg11[%dma_start3A_401] : memref<1024xf32, #tpu.memory_space<vmem>> -> memref<128xf32, #tpu.memory_space<vmem>>
      %dma_start3A_403 = tpu.memref_slice %arg9[%mul3A_295] : memref<13312xi32, #tpu.memory_space<vmem>> -> memref<128xi32, #tpu.memory_space<vmem>>
      %dma_start3A_404 = arith.constant 0 : i32
      %dma_start3A_405 = tpu.memref_slice %arg3[%dma_start3A_404] : memref<3407872xf32, #tpu.memory_space<hbm>> -> memref<3407872xf32, #tpu.memory_space<hbm>>
      tpu.enqueue_indirect_dma source(%dma_start3A_405 : memref<3407872xf32, #tpu.memory_space<hbm>>) target(%dma_start3A_402 : memref<128xf32, #tpu.memory_space<vmem>>) offsets(%dma_start3A_403 : memref<128xi32, #tpu.memory_space<vmem>>) semaphore(%arg14 : memref<!tpu.dma_semaphore, #tpu.memory_space<semaphore_mem>>)
      %dma_start3A_406 = arith.constant 384 : i32
      %dma_start3A_407 = tpu.memref_slice %arg11[%dma_start3A_406] : memref<1024xf32, #tpu.memory_space<vmem>> -> memref<128xf32, #tpu.memory_space<vmem>>
      %dma_start3A_408 = tpu.memref_slice %arg9[%mul3A_303] : memref<13312xi32, #tpu.memory_space<vmem>> -> memref<128xi32, #tpu.memory_space<vmem>>
      %dma_start3A_409 = arith.constant 0 : i32
      %dma_start3A_410 = tpu.memref_slice %arg3[%dma_start3A_409] : memref<3407872xf32, #tpu.memory_space<hbm>> -> memref<3407872xf32, #tpu.memory_space<hbm>>
      tpu.enqueue_indirect_dma source(%dma_start3A_410 : memref<3407872xf32, #tpu.memory_space<hbm>>) target(%dma_start3A_407 : memref<128xf32, #tpu.memory_space<vmem>>) offsets(%dma_start3A_408 : memref<128xi32, #tpu.memory_space<vmem>>) semaphore(%arg14 : memref<!tpu.dma_semaphore, #tpu.memory_space<semaphore_mem>>)
      %dma_start3A_411 = arith.constant 512 : i32
      %dma_start3A_412 = tpu.memref_slice %arg11[%dma_start3A_411] : memref<1024xf32, #tpu.memory_space<vmem>> -> memref<128xf32, #tpu.memory_space<vmem>>
      %dma_start3A_413 = tpu.memref_slice %arg9[%mul3A_311] : memref<13312xi32, #tpu.memory_space<vmem>> -> memref<128xi32, #tpu.memory_space<vmem>>
      %dma_start3A_414 = arith.constant 0 : i32
      %dma_start3A_415 = tpu.memref_slice %arg3[%dma_start3A_414] : memref<3407872xf32, #tpu.memory_space<hbm>> -> memref<3407872xf32, #tpu.memory_space<hbm>>
      tpu.enqueue_indirect_dma source(%dma_start3A_415 : memref<3407872xf32, #tpu.memory_space<hbm>>) target(%dma_start3A_412 : memref<128xf32, #tpu.memory_space<vmem>>) offsets(%dma_start3A_413 : memref<128xi32, #tpu.memory_space<vmem>>) semaphore(%arg14 : memref<!tpu.dma_semaphore, #tpu.memory_space<semaphore_mem>>)
      %dma_start3A_416 = arith.constant 640 : i32
      %dma_start3A_417 = tpu.memref_slice %arg11[%dma_start3A_416] : memref<1024xf32, #tpu.memory_space<vmem>> -> memref<128xf32, #tpu.memory_space<vmem>>
      %dma_start3A_418 = tpu.memref_slice %arg9[%mul3A_319] : memref<13312xi32, #tpu.memory_space<vmem>> -> memref<128xi32, #tpu.memory_space<vmem>>
      %dma_start3A_419 = arith.constant 0 : i32
      %dma_start3A_420 = tpu.memref_slice %arg3[%dma_start3A_419] : memref<3407872xf32, #tpu.memory_space<hbm>> -> memref<3407872xf32, #tpu.memory_space<hbm>>
      tpu.enqueue_indirect_dma source(%dma_start3A_420 : memref<3407872xf32, #tpu.memory_space<hbm>>) target(%dma_start3A_417 : memref<128xf32, #tpu.memory_space<vmem>>) offsets(%dma_start3A_418 : memref<128xi32, #tpu.memory_space<vmem>>) semaphore(%arg14 : memref<!tpu.dma_semaphore, #tpu.memory_space<semaphore_mem>>)
      %dma_start3A_421 = arith.constant 768 : i32
      %dma_start3A_422 = tpu.memref_slice %arg11[%dma_start3A_421] : memref<1024xf32, #tpu.memory_space<vmem>> -> memref<128xf32, #tpu.memory_space<vmem>>
      %dma_start3A_423 = tpu.memref_slice %arg9[%mul3A_327] : memref<13312xi32, #tpu.memory_space<vmem>> -> memref<128xi32, #tpu.memory_space<vmem>>
      %dma_start3A_424 = arith.constant 0 : i32
      %dma_start3A_425 = tpu.memref_slice %arg3[%dma_start3A_424] : memref<3407872xf32, #tpu.memory_space<hbm>> -> memref<3407872xf32, #tpu.memory_space<hbm>>
      tpu.enqueue_indirect_dma source(%dma_start3A_425 : memref<3407872xf32, #tpu.memory_space<hbm>>) target(%dma_start3A_422 : memref<128xf32, #tpu.memory_space<vmem>>) offsets(%dma_start3A_423 : memref<128xi32, #tpu.memory_space<vmem>>) semaphore(%arg14 : memref<!tpu.dma_semaphore, #tpu.memory_space<semaphore_mem>>)
      %dma_start3A_426 = arith.constant 896 : i32
      %dma_start3A_427 = tpu.memref_slice %arg11[%dma_start3A_426] : memref<1024xf32, #tpu.memory_space<vmem>> -> memref<128xf32, #tpu.memory_space<vmem>>
      %dma_start3A_428 = tpu.memref_slice %arg9[%mul3A_335] : memref<13312xi32, #tpu.memory_space<vmem>> -> memref<128xi32, #tpu.memory_space<vmem>>
      %dma_start3A_429 = arith.constant 0 : i32
      %dma_start3A_430 = tpu.memref_slice %arg3[%dma_start3A_429] : memref<3407872xf32, #tpu.memory_space<hbm>> -> memref<3407872xf32, #tpu.memory_space<hbm>>
      tpu.enqueue_indirect_dma source(%dma_start3A_430 : memref<3407872xf32, #tpu.memory_space<hbm>>) target(%dma_start3A_427 : memref<128xf32, #tpu.memory_space<vmem>>) offsets(%dma_start3A_428 : memref<128xi32, #tpu.memory_space<vmem>>) semaphore(%arg14 : memref<!tpu.dma_semaphore, #tpu.memory_space<semaphore_mem>>)
      %dma_wait3A = arith.constant 0 : i32
      %dma_wait3A_431 = arith.constant 0 : i32
      %dma_wait3A_432 = tpu.memref_slice %arg10[%dma_wait3A, %dma_wait3A_431] : memref<1024x16xf32, #tpu.memory_space<vmem>> -> memref<128x16xf32, #tpu.memory_space<vmem>>
      %dma_wait3A_433 = tpu.memref_slice %arg8[%mul3A_277] : memref<13312xi32, #tpu.memory_space<vmem>> -> memref<128xi32, #tpu.memory_space<vmem>>
      %dma_wait3A_434 = arith.constant 0 : i32
      %dma_wait3A_435 = arith.constant 0 : i32
      %dma_wait3A_436 = tpu.memref_slice %arg2[%dma_wait3A_434, %dma_wait3A_435] : memref<3407872x16xf32, #tpu.memory_space<hbm>> -> memref<3407872x16xf32, #tpu.memory_space<hbm>>
      tpu.wait_indirect_dma semaphore(%arg13 : memref<!tpu.dma_semaphore, #tpu.memory_space<semaphore_mem>>) src(%dma_wait3A_436 : memref<3407872x16xf32, #tpu.memory_space<hbm>>) dst(%dma_wait3A_432 : memref<128x16xf32, #tpu.memory_space<vmem>>)
      %dma_wait3A_437 = arith.constant 128 : i32
      %dma_wait3A_438 = arith.constant 0 : i32
      %dma_wait3A_439 = tpu.memref_slice %arg10[%dma_wait3A_437, %dma_wait3A_438] : memref<1024x16xf32, #tpu.memory_space<vmem>> -> memref<128x16xf32, #tpu.memory_space<vmem>>
      %dma_wait3A_440 = tpu.memref_slice %arg8[%mul3A_285] : memref<13312xi32, #tpu.memory_space<vmem>> -> memref<128xi32, #tpu.memory_space<vmem>>
      %dma_wait3A_441 = arith.constant 0 : i32
      %dma_wait3A_442 = arith.constant 0 : i32
      %dma_wait3A_443 = tpu.memref_slice %arg2[%dma_wait3A_441, %dma_wait3A_442] : memref<3407872x16xf32, #tpu.memory_space<hbm>> -> memref<3407872x16xf32, #tpu.memory_space<hbm>>
      tpu.wait_indirect_dma semaphore(%arg13 : memref<!tpu.dma_semaphore, #tpu.memory_space<semaphore_mem>>) src(%dma_wait3A_443 : memref<3407872x16xf32, #tpu.memory_space<hbm>>) dst(%dma_wait3A_439 : memref<128x16xf32, #tpu.memory_space<vmem>>)
      %dma_wait3A_444 = arith.constant 256 : i32
      %dma_wait3A_445 = arith.constant 0 : i32
      %dma_wait3A_446 = tpu.memref_slice %arg10[%dma_wait3A_444, %dma_wait3A_445] : memref<1024x16xf32, #tpu.memory_space<vmem>> -> memref<128x16xf32, #tpu.memory_space<vmem>>
      %dma_wait3A_447 = tpu.memref_slice %arg8[%mul3A_293] : memref<13312xi32, #tpu.memory_space<vmem>> -> memref<128xi32, #tpu.memory_space<vmem>>
      %dma_wait3A_448 = arith.constant 0 : i32
      %dma_wait3A_449 = arith.constant 0 : i32
      %dma_wait3A_450 = tpu.memref_slice %arg2[%dma_wait3A_448, %dma_wait3A_449] : memref<3407872x16xf32, #tpu.memory_space<hbm>> -> memref<3407872x16xf32, #tpu.memory_space<hbm>>
      tpu.wait_indirect_dma semaphore(%arg13 : memref<!tpu.dma_semaphore, #tpu.memory_space<semaphore_mem>>) src(%dma_wait3A_450 : memref<3407872x16xf32, #tpu.memory_space<hbm>>) dst(%dma_wait3A_446 : memref<128x16xf32, #tpu.memory_space<vmem>>)
      %dma_wait3A_451 = arith.constant 384 : i32
      %dma_wait3A_452 = arith.constant 0 : i32
      %dma_wait3A_453 = tpu.memref_slice %arg10[%dma_wait3A_451, %dma_wait3A_452] : memref<1024x16xf32, #tpu.memory_space<vmem>> -> memref<128x16xf32, #tpu.memory_space<vmem>>
      %dma_wait3A_454 = tpu.memref_slice %arg8[%mul3A_301] : memref<13312xi32, #tpu.memory_space<vmem>> -> memref<128xi32, #tpu.memory_space<vmem>>
      %dma_wait3A_455 = arith.constant 0 : i32
      %dma_wait3A_456 = arith.constant 0 : i32
      %dma_wait3A_457 = tpu.memref_slice %arg2[%dma_wait3A_455, %dma_wait3A_456] : memref<3407872x16xf32, #tpu.memory_space<hbm>> -> memref<3407872x16xf32, #tpu.memory_space<hbm>>
      tpu.wait_indirect_dma semaphore(%arg13 : memref<!tpu.dma_semaphore, #tpu.memory_space<semaphore_mem>>) src(%dma_wait3A_457 : memref<3407872x16xf32, #tpu.memory_space<hbm>>) dst(%dma_wait3A_453 : memref<128x16xf32, #tpu.memory_space<vmem>>)
      %dma_wait3A_458 = arith.constant 512 : i32
      %dma_wait3A_459 = arith.constant 0 : i32
      %dma_wait3A_460 = tpu.memref_slice %arg10[%dma_wait3A_458, %dma_wait3A_459] : memref<1024x16xf32, #tpu.memory_space<vmem>> -> memref<128x16xf32, #tpu.memory_space<vmem>>
      %dma_wait3A_461 = tpu.memref_slice %arg8[%mul3A_309] : memref<13312xi32, #tpu.memory_space<vmem>> -> memref<128xi32, #tpu.memory_space<vmem>>
      %dma_wait3A_462 = arith.constant 0 : i32
      %dma_wait3A_463 = arith.constant 0 : i32
      %dma_wait3A_464 = tpu.memref_slice %arg2[%dma_wait3A_462, %dma_wait3A_463] : memref<3407872x16xf32, #tpu.memory_space<hbm>> -> memref<3407872x16xf32, #tpu.memory_space<hbm>>
      tpu.wait_indirect_dma semaphore(%arg13 : memref<!tpu.dma_semaphore, #tpu.memory_space<semaphore_mem>>) src(%dma_wait3A_464 : memref<3407872x16xf32, #tpu.memory_space<hbm>>) dst(%dma_wait3A_460 : memref<128x16xf32, #tpu.memory_space<vmem>>)
      %dma_wait3A_465 = arith.constant 640 : i32
      %dma_wait3A_466 = arith.constant 0 : i32
      %dma_wait3A_467 = tpu.memref_slice %arg10[%dma_wait3A_465, %dma_wait3A_466] : memref<1024x16xf32, #tpu.memory_space<vmem>> -> memref<128x16xf32, #tpu.memory_space<vmem>>
      %dma_wait3A_468 = tpu.memref_slice %arg8[%mul3A_317] : memref<13312xi32, #tpu.memory_space<vmem>> -> memref<128xi32, #tpu.memory_space<vmem>>
      %dma_wait3A_469 = arith.constant 0 : i32
      %dma_wait3A_470 = arith.constant 0 : i32
      %dma_wait3A_471 = tpu.memref_slice %arg2[%dma_wait3A_469, %dma_wait3A_470] : memref<3407872x16xf32, #tpu.memory_space<hbm>> -> memref<3407872x16xf32, #tpu.memory_space<hbm>>
      tpu.wait_indirect_dma semaphore(%arg13 : memref<!tpu.dma_semaphore, #tpu.memory_space<semaphore_mem>>) src(%dma_wait3A_471 : memref<3407872x16xf32, #tpu.memory_space<hbm>>) dst(%dma_wait3A_467 : memref<128x16xf32, #tpu.memory_space<vmem>>)
      %dma_wait3A_472 = arith.constant 768 : i32
      %dma_wait3A_473 = arith.constant 0 : i32
      %dma_wait3A_474 = tpu.memref_slice %arg10[%dma_wait3A_472, %dma_wait3A_473] : memref<1024x16xf32, #tpu.memory_space<vmem>> -> memref<128x16xf32, #tpu.memory_space<vmem>>
      %dma_wait3A_475 = tpu.memref_slice %arg8[%mul3A_325] : memref<13312xi32, #tpu.memory_space<vmem>> -> memref<128xi32, #tpu.memory_space<vmem>>
      %dma_wait3A_476 = arith.constant 0 : i32
      %dma_wait3A_477 = arith.constant 0 : i32
      %dma_wait3A_478 = tpu.memref_slice %arg2[%dma_wait3A_476, %dma_wait3A_477] : memref<3407872x16xf32, #tpu.memory_space<hbm>> -> memref<3407872x16xf32, #tpu.memory_space<hbm>>
      tpu.wait_indirect_dma semaphore(%arg13 : memref<!tpu.dma_semaphore, #tpu.memory_space<semaphore_mem>>) src(%dma_wait3A_478 : memref<3407872x16xf32, #tpu.memory_space<hbm>>) dst(%dma_wait3A_474 : memref<128x16xf32, #tpu.memory_space<vmem>>)
      %dma_wait3A_479 = arith.constant 896 : i32
      %dma_wait3A_480 = arith.constant 0 : i32
      %dma_wait3A_481 = tpu.memref_slice %arg10[%dma_wait3A_479, %dma_wait3A_480] : memref<1024x16xf32, #tpu.memory_space<vmem>> -> memref<128x16xf32, #tpu.memory_space<vmem>>
      %dma_wait3A_482 = tpu.memref_slice %arg8[%mul3A_333] : memref<13312xi32, #tpu.memory_space<vmem>> -> memref<128xi32, #tpu.memory_space<vmem>>
      %dma_wait3A_483 = arith.constant 0 : i32
      %dma_wait3A_484 = arith.constant 0 : i32
      %dma_wait3A_485 = tpu.memref_slice %arg2[%dma_wait3A_483, %dma_wait3A_484] : memref<3407872x16xf32, #tpu.memory_space<hbm>> -> memref<3407872x16xf32, #tpu.memory_space<hbm>>
      tpu.wait_indirect_dma semaphore(%arg13 : memref<!tpu.dma_semaphore, #tpu.memory_space<semaphore_mem>>) src(%dma_wait3A_485 : memref<3407872x16xf32, #tpu.memory_space<hbm>>) dst(%dma_wait3A_481 : memref<128x16xf32, #tpu.memory_space<vmem>>)
      %dma_wait3A_486 = arith.constant 0 : i32
      %dma_wait3A_487 = tpu.memref_slice %arg11[%dma_wait3A_486] : memref<1024xf32, #tpu.memory_space<vmem>> -> memref<128xf32, #tpu.memory_space<vmem>>
      %dma_wait3A_488 = tpu.memref_slice %arg9[%mul3A_279] : memref<13312xi32, #tpu.memory_space<vmem>> -> memref<128xi32, #tpu.memory_space<vmem>>
      %dma_wait3A_489 = arith.constant 0 : i32
      %dma_wait3A_490 = tpu.memref_slice %arg3[%dma_wait3A_489] : memref<3407872xf32, #tpu.memory_space<hbm>> -> memref<3407872xf32, #tpu.memory_space<hbm>>
      tpu.wait_indirect_dma semaphore(%arg14 : memref<!tpu.dma_semaphore, #tpu.memory_space<semaphore_mem>>) src(%dma_wait3A_490 : memref<3407872xf32, #tpu.memory_space<hbm>>) dst(%dma_wait3A_487 : memref<128xf32, #tpu.memory_space<vmem>>)
      %dma_wait3A_491 = arith.constant 128 : i32
      %dma_wait3A_492 = tpu.memref_slice %arg11[%dma_wait3A_491] : memref<1024xf32, #tpu.memory_space<vmem>> -> memref<128xf32, #tpu.memory_space<vmem>>
      %dma_wait3A_493 = tpu.memref_slice %arg9[%mul3A_287] : memref<13312xi32, #tpu.memory_space<vmem>> -> memref<128xi32, #tpu.memory_space<vmem>>
      %dma_wait3A_494 = arith.constant 0 : i32
      %dma_wait3A_495 = tpu.memref_slice %arg3[%dma_wait3A_494] : memref<3407872xf32, #tpu.memory_space<hbm>> -> memref<3407872xf32, #tpu.memory_space<hbm>>
      tpu.wait_indirect_dma semaphore(%arg14 : memref<!tpu.dma_semaphore, #tpu.memory_space<semaphore_mem>>) src(%dma_wait3A_495 : memref<3407872xf32, #tpu.memory_space<hbm>>) dst(%dma_wait3A_492 : memref<128xf32, #tpu.memory_space<vmem>>)
      %dma_wait3A_496 = arith.constant 256 : i32
      %dma_wait3A_497 = tpu.memref_slice %arg11[%dma_wait3A_496] : memref<1024xf32, #tpu.memory_space<vmem>> -> memref<128xf32, #tpu.memory_space<vmem>>
      %dma_wait3A_498 = tpu.memref_slice %arg9[%mul3A_295] : memref<13312xi32, #tpu.memory_space<vmem>> -> memref<128xi32, #tpu.memory_space<vmem>>
      %dma_wait3A_499 = arith.constant 0 : i32
      %dma_wait3A_500 = tpu.memref_slice %arg3[%dma_wait3A_499] : memref<3407872xf32, #tpu.memory_space<hbm>> -> memref<3407872xf32, #tpu.memory_space<hbm>>
      tpu.wait_indirect_dma semaphore(%arg14 : memref<!tpu.dma_semaphore, #tpu.memory_space<semaphore_mem>>) src(%dma_wait3A_500 : memref<3407872xf32, #tpu.memory_space<hbm>>) dst(%dma_wait3A_497 : memref<128xf32, #tpu.memory_space<vmem>>)
      %dma_wait3A_501 = arith.constant 384 : i32
      %dma_wait3A_502 = tpu.memref_slice %arg11[%dma_wait3A_501] : memref<1024xf32, #tpu.memory_space<vmem>> -> memref<128xf32, #tpu.memory_space<vmem>>
      %dma_wait3A_503 = tpu.memref_slice %arg9[%mul3A_303] : memref<13312xi32, #tpu.memory_space<vmem>> -> memref<128xi32, #tpu.memory_space<vmem>>
      %dma_wait3A_504 = arith.constant 0 : i32
      %dma_wait3A_505 = tpu.memref_slice %arg3[%dma_wait3A_504] : memref<3407872xf32, #tpu.memory_space<hbm>> -> memref<3407872xf32, #tpu.memory_space<hbm>>
      tpu.wait_indirect_dma semaphore(%arg14 : memref<!tpu.dma_semaphore, #tpu.memory_space<semaphore_mem>>) src(%dma_wait3A_505 : memref<3407872xf32, #tpu.memory_space<hbm>>) dst(%dma_wait3A_502 : memref<128xf32, #tpu.memory_space<vmem>>)
      %dma_wait3A_506 = arith.constant 512 : i32
      %dma_wait3A_507 = tpu.memref_slice %arg11[%dma_wait3A_506] : memref<1024xf32, #tpu.memory_space<vmem>> -> memref<128xf32, #tpu.memory_space<vmem>>
      %dma_wait3A_508 = tpu.memref_slice %arg9[%mul3A_311] : memref<13312xi32, #tpu.memory_space<vmem>> -> memref<128xi32, #tpu.memory_space<vmem>>
      %dma_wait3A_509 = arith.constant 0 : i32
      %dma_wait3A_510 = tpu.memref_slice %arg3[%dma_wait3A_509] : memref<3407872xf32, #tpu.memory_space<hbm>> -> memref<3407872xf32, #tpu.memory_space<hbm>>
      tpu.wait_indirect_dma semaphore(%arg14 : memref<!tpu.dma_semaphore, #tpu.memory_space<semaphore_mem>>) src(%dma_wait3A_510 : memref<3407872xf32, #tpu.memory_space<hbm>>) dst(%dma_wait3A_507 : memref<128xf32, #tpu.memory_space<vmem>>)
      %dma_wait3A_511 = arith.constant 640 : i32
      %dma_wait3A_512 = tpu.memref_slice %arg11[%dma_wait3A_511] : memref<1024xf32, #tpu.memory_space<vmem>> -> memref<128xf32, #tpu.memory_space<vmem>>
      %dma_wait3A_513 = tpu.memref_slice %arg9[%mul3A_319] : memref<13312xi32, #tpu.memory_space<vmem>> -> memref<128xi32, #tpu.memory_space<vmem>>
      %dma_wait3A_514 = arith.constant 0 : i32
      %dma_wait3A_515 = tpu.memref_slice %arg3[%dma_wait3A_514] : memref<3407872xf32, #tpu.memory_space<hbm>> -> memref<3407872xf32, #tpu.memory_space<hbm>>
      tpu.wait_indirect_dma semaphore(%arg14 : memref<!tpu.dma_semaphore, #tpu.memory_space<semaphore_mem>>) src(%dma_wait3A_515 : memref<3407872xf32, #tpu.memory_space<hbm>>) dst(%dma_wait3A_512 : memref<128xf32, #tpu.memory_space<vmem>>)
      %dma_wait3A_516 = arith.constant 768 : i32
      %dma_wait3A_517 = tpu.memref_slice %arg11[%dma_wait3A_516] : memref<1024xf32, #tpu.memory_space<vmem>> -> memref<128xf32, #tpu.memory_space<vmem>>
      %dma_wait3A_518 = tpu.memref_slice %arg9[%mul3A_327] : memref<13312xi32, #tpu.memory_space<vmem>> -> memref<128xi32, #tpu.memory_space<vmem>>
      %dma_wait3A_519 = arith.constant 0 : i32
      %dma_wait3A_520 = tpu.memref_slice %arg3[%dma_wait3A_519] : memref<3407872xf32, #tpu.memory_space<hbm>> -> memref<3407872xf32, #tpu.memory_space<hbm>>
      tpu.wait_indirect_dma semaphore(%arg14 : memref<!tpu.dma_semaphore, #tpu.memory_space<semaphore_mem>>) src(%dma_wait3A_520 : memref<3407872xf32, #tpu.memory_space<hbm>>) dst(%dma_wait3A_517 : memref<128xf32, #tpu.memory_space<vmem>>)
      %dma_wait3A_521 = arith.constant 896 : i32
      %dma_wait3A_522 = tpu.memref_slice %arg11[%dma_wait3A_521] : memref<1024xf32, #tpu.memory_space<vmem>> -> memref<128xf32, #tpu.memory_space<vmem>>
      %dma_wait3A_523 = tpu.memref_slice %arg9[%mul3A_335] : memref<13312xi32, #tpu.memory_space<vmem>> -> memref<128xi32, #tpu.memory_space<vmem>>
      %dma_wait3A_524 = arith.constant 0 : i32
      %dma_wait3A_525 = tpu.memref_slice %arg3[%dma_wait3A_524] : memref<3407872xf32, #tpu.memory_space<hbm>> -> memref<3407872xf32, #tpu.memory_space<hbm>>
      tpu.wait_indirect_dma semaphore(%arg14 : memref<!tpu.dma_semaphore, #tpu.memory_space<semaphore_mem>>) src(%dma_wait3A_525 : memref<3407872xf32, #tpu.memory_space<hbm>>) dst(%dma_wait3A_522 : memref<128xf32, #tpu.memory_space<vmem>>)
      %mul3A_526 = arith.constant 13312 : i32
      %mul3A_527 = arith.muli %add3A, %mul3A_526 : i32
      %mul3A_528 = arith.constant 1024 : i32
      %mul3A_529 = arith.muli %scan3A_270, %mul3A_528 : i32
      %add3A_530 = arith.addi %mul3A_527, %mul3A_529 : i32
      "tpu.region"() ({
        %run_scoped3A_537 = tpu.sem_alloc : memref<!tpu.dma_semaphore, #tpu.memory_space<semaphore_mem>>
        %dma_start3A_538 = arith.constant 0 : i32
        %dma_start3A_539 = tpu.memref_slice %arg5[%add3A_530, %dma_start3A_538] : memref<425984x16xf32, #tpu.memory_space<hbm>> -> memref<1024x16xf32, #tpu.memory_space<hbm>>
        %dma_start3A_540 = arith.constant 0 : i32
        %dma_start3A_541 = tpu.memref_slice %arg5[%add3A_530, %dma_start3A_540] : memref<425984x16xf32, #tpu.memory_space<hbm>> -> memref<1024x16xf32, #tpu.memory_space<hbm>>
        tpu.enqueue_dma source(%arg10 : memref<1024x16xf32, #tpu.memory_space<vmem>>) target(%dma_start3A_541 : memref<1024x16xf32, #tpu.memory_space<hbm>>) target_semaphore(%run_scoped3A_537 : memref<!tpu.dma_semaphore, #tpu.memory_space<semaphore_mem>>)
        %dma_wait3A_542 = arith.constant 0 : i32
        %dma_wait3A_543 = tpu.memref_slice %arg5[%add3A_530, %dma_wait3A_542] : memref<425984x16xf32, #tpu.memory_space<hbm>> -> memref<1024x16xf32, #tpu.memory_space<hbm>>
        %dma_wait3A_544 = arith.constant 0 : i32
        %dma_wait3A_545 = tpu.memref_slice %arg5[%add3A_530, %dma_wait3A_544] : memref<425984x16xf32, #tpu.memory_space<hbm>> -> memref<1024x16xf32, #tpu.memory_space<hbm>>
        tpu.wait_dma2 semaphore(%run_scoped3A_537 : memref<!tpu.dma_semaphore, #tpu.memory_space<semaphore_mem>>) src(%arg10 : memref<1024x16xf32, #tpu.memory_space<vmem>>) dst(%dma_wait3A_545 : memref<1024x16xf32, #tpu.memory_space<hbm>>)
        tpu.yield
      }) : () -> ()
      %scan3A_531 = arith.constant 0 : i32
      %scan3A_532 = arith.constant 64 : i32
      %scan3A_533 = arith.addi %scan3A_531, %scan3A_532 : i32
      %scan3A_534 = arith.constant 1 : i32
      %scan3A_535 = scf.for %scan3A_537 = %scan3A_531 to %scan3A_533 step %scan3A_534 iter_args(%scan3A_538 = %scan3A_271) -> (vector<16xf32>)  : i32 {
        %mul3A_539 = arith.constant 16 : i32
        %mul3A_540 = arith.muli %scan3A_537, %mul3A_539 : i32
        %get3A = arith.index_cast %mul3A_540 : i32 to index
        %get3A_541 = tpu.vector_load %arg11[%get3A] {strides = array<i32>} : memref<1024xf32, #tpu.memory_space<vmem>>, vector<16xf32>,
        %add3A_542 = arith.addf %scan3A_538, %get3A_541 : vector<16xf32>
        scf.yield %add3A_542 : vector<16xf32>
      }
      %scan3A_536 = arith.constant 64 : i32
      scf.yield %scan3A_535 : vector<16xf32>
    }
    %scan3A_268 = arith.constant 13 : i32
    %swap3A = arith.constant 0 : index
    %swap3A_269 = tpu.vector_load %arg12[%swap3A] {strides = array<i32>} : memref<16xf32, #tpu.memory_space<vmem>>, vector<16xf32>,
    tpu.vector_store %arg12[%swap3A], %scan3A_267 {strides = array<i32>} : memref<16xf32, #tpu.memory_space<vmem>>, vector<16xf32>,
    "tpu.region"() ({
      %run_scoped3A_270 = tpu.sem_alloc : memref<!tpu.dma_semaphore, #tpu.memory_space<semaphore_mem>>
      %dma_start3A = arith.constant 0 : i32
      %dma_start3A_271 = tpu.memref_slice %arg6[%add3A, %dma_start3A] : memref<32x16xf32, #tpu.memory_space<hbm>> -> memref<1x16xf32, #tpu.memory_space<hbm>>
      %dma_start3A_272 = tpu.memref_squeeze %dma_start3A_271 : memref<1x16xf32, #tpu.memory_space<hbm>> -> memref<16xf32, #tpu.memory_space<hbm>>
      %dma_start3A_273 = arith.constant 0 : i32
      %dma_start3A_274 = tpu.memref_slice %arg6[%add3A, %dma_start3A_273] : memref<32x16xf32, #tpu.memory_space<hbm>> -> memref<1x16xf32, #tpu.memory_space<hbm>>
      %dma_start3A_275 = tpu.memref_squeeze %dma_start3A_274 : memref<1x16xf32, #tpu.memory_space<hbm>> -> memref<16xf32, #tpu.memory_space<hbm>>
      tpu.enqueue_dma source(%arg12 : memref<16xf32, #tpu.memory_space<vmem>>) target(%dma_start3A_275 : memref<16xf32, #tpu.memory_space<hbm>>) target_semaphore(%run_scoped3A_270 : memref<!tpu.dma_semaphore, #tpu.memory_space<semaphore_mem>>)
      %dma_wait3A = arith.constant 0 : i32
      %dma_wait3A_276 = tpu.memref_slice %arg6[%add3A, %dma_wait3A] : memref<32x16xf32, #tpu.memory_space<hbm>> -> memref<1x16xf32, #tpu.memory_space<hbm>>
      %dma_wait3A_277 = tpu.memref_squeeze %dma_wait3A_276 : memref<1x16xf32, #tpu.memory_space<hbm>> -> memref<16xf32, #tpu.memory_space<hbm>>
      %dma_wait3A_278 = arith.constant 0 : i32
      %dma_wait3A_279 = tpu.memref_slice %arg6[%add3A, %dma_wait3A_278] : memref<32x16xf32, #tpu.memory_space<hbm>> -> memref<1x16xf32, #tpu.memory_space<hbm>>
      %dma_wait3A_280 = tpu.memref_squeeze %dma_wait3A_279 : memref<1x16xf32, #tpu.memory_space<hbm>> -> memref<16xf32, #tpu.memory_space<hbm>>
      tpu.wait_dma2 semaphore(%run_scoped3A_270 : memref<!tpu.dma_semaphore, #tpu.memory_space<semaphore_mem>>) src(%arg12 : memref<16xf32, #tpu.memory_space<vmem>>) dst(%dma_wait3A_280 : memref<16xf32, #tpu.memory_space<hbm>>)
      tpu.yield
    }) : () -> ()
    return
  }
}

module attributes {stable_mosaic.version = 14 : i64} {
  func.func @_tr_body(%arg0: i32, %arg1: i32, %arg2: memref<8x16x13312xf32, #tpu.memory_space<vmem>>, %arg3: memref<8x1x13312xf32, #tpu.memory_space<vmem>>, %arg4: memref<13312x128xf32, #tpu.memory_space<vmem>>, %arg5: memref<8x1x104x128xf32, #tpu.memory_space<vmem>>) attributes {dimension_semantics = [#tpu.dimension_semantics<arbitrary>, #tpu.dimension_semantics<arbitrary>], iteration_bounds = array<i64: 4, 8>, scalar_prefetch = 0 : i64, scratch_operands = 0 : i64, tpu.core_type = #tpu.core_type<tc>, window_params = [{transform_indices = @transform_0, window_bounds = array<i64: 8, 16, 13312>}, {transform_indices = @transform_1, window_bounds = array<i64: 8, 1, 13312>}, {transform_indices = @transform_2, window_bounds = array<i64: 13312, 128>}, {transform_indices = @transform_3, window_bounds = array<i64: 8, 1, 104, 128>}]} {
    %get3A = arith.constant 0 : index
    %get3A_0 = arith.constant 0 : index
    %get3A_1 = arith.constant 0 : index
    %get3A_2 = vector.load %arg2[%get3A, %get3A_0, %get3A_1] : memref<8x16x13312xf32, #tpu.memory_space<vmem>>, vector<8x16x13312xf32>
    %reshape3A = vector.shape_cast %get3A_2 : vector<8x16x13312xf32> to vector<128x13312xf32>
    %transpose3A = tpu.transpose %reshape3A, [1, 0] : vector<128x13312xf32> -> vector<13312x128xf32>
    %swap3A = arith.constant 0 : index
    %swap3A_3 = arith.constant 0 : index
    %swap3A_4 = vector.load %arg4[%swap3A, %swap3A_3] : memref<13312x128xf32, #tpu.memory_space<vmem>>, vector<13312x128xf32>
    tpu.vector_store %arg4[%swap3A, %swap3A_3], %transpose3A {strides = array<i32>} : memref<13312x128xf32, #tpu.memory_space<vmem>>, vector<13312x128xf32>,
    %get3A_5 = arith.constant 0 : index
    %get3A_6 = arith.constant 0 : index
    %get3A_7 = arith.constant 0 : index
    %get3A_8 = vector.load %arg3[%get3A_5, %get3A_6, %get3A_7] : memref<8x1x13312xf32, #tpu.memory_space<vmem>>, vector<8x1x13312xf32>
    %reshape3A_9 = vector.shape_cast %get3A_8 : vector<8x1x13312xf32> to vector<8x1x104x128xf32>
    %swap3A_10 = arith.constant 0 : index
    %swap3A_11 = arith.constant 0 : index
    %swap3A_12 = arith.constant 0 : index
    %swap3A_13 = arith.constant 0 : index
    %swap3A_14 = vector.load %arg5[%swap3A_10, %swap3A_11, %swap3A_12, %swap3A_13] : memref<8x1x104x128xf32, #tpu.memory_space<vmem>>, vector<8x1x104x128xf32>
    tpu.vector_store %arg5[%swap3A_10, %swap3A_11, %swap3A_12, %swap3A_13], %reshape3A_9 {strides = array<i32>} : memref<8x1x104x128xf32, #tpu.memory_space<vmem>>, vector<8x1x104x128xf32>,
    return
  }
  func.func @transform_0(%arg0: i32, %arg1: i32) -> (i32, i32, i32) {
    %c0_i32 = arith.constant 0 : i32
    %c0_i32_0 = arith.constant 0 : i32
    return %arg0, %c0_i32, %arg1 : i32, i32, i32
  }
  func.func @transform_1(%arg0: i32, %arg1: i32) -> (i32, i32, i32) {
    %c0_i32 = arith.constant 0 : i32
    %c0_i32_0 = arith.constant 0 : i32
    return %arg0, %c0_i32, %arg1 : i32, i32, i32
  }
  func.func @transform_2(%arg0: i32, %arg1: i32) -> (i32, i32) {
    %mul3A = arith.constant 8 : i32
    %mul3A_0 = arith.muli %arg0, %mul3A : i32
    %add3A = arith.addi %mul3A_0, %arg1 : i32
    %c0_i32 = arith.constant 0 : i32
    %c0_i32_1 = arith.constant 0 : i32
    return %add3A, %c0_i32 : i32, i32
  }
  func.func @transform_3(%arg0: i32, %arg1: i32) -> (i32, i32, i32, i32) {
    %c0_i32 = arith.constant 0 : i32
    %c0_i32_0 = arith.constant 0 : i32
    %c0_i32_1 = arith.constant 0 : i32
    return %arg0, %arg1, %c0_i32, %c0_i32_0 : i32, i32, i32, i32
  }
}

module attributes {stable_mosaic.version = 14 : i64} {
  func.func @_tc_body(%arg0: i32, %arg1: memref<2048x416xf32, #tpu.memory_space<vmem>>, %arg2: memref<2048x26xf32, #tpu.memory_space<vmem>>, %arg3: memref<26x416xf32, #tpu.memory_space<vmem>>, %arg4: memref<416x16xf32, #tpu.memory_space<vmem>>, %arg5: memref<416x64xf32, #tpu.memory_space<vmem>>, %arg6: memref<1x64xf32, #tpu.memory_space<vmem>>, %arg7: memref<1x64xf32, #tpu.memory_space<vmem>>, %arg8: memref<1x64xf32, #tpu.memory_space<vmem>>, %arg9: memref<64x32xf32, #tpu.memory_space<vmem>>, %arg10: memref<1x32xf32, #tpu.memory_space<vmem>>, %arg11: memref<1x32xf32, #tpu.memory_space<vmem>>, %arg12: memref<1x32xf32, #tpu.memory_space<vmem>>, %arg13: memref<32x16xf32, #tpu.memory_space<vmem>>, %arg14: memref<1x1xf32, #tpu.memory_space<vmem>>, %arg15: memref<2048xf32, #tpu.memory_space<vmem>>) attributes {dimension_semantics = [#tpu.dimension_semantics<arbitrary>], iteration_bounds = array<i64: 8>, scalar_prefetch = 0 : i64, scratch_operands = 0 : i64, tpu.core_type = #tpu.core_type<tc>, window_params = [{transform_indices = @transform_0, window_bounds = array<i64: 2048, 416>}, {transform_indices = @transform_1, window_bounds = array<i64: 2048, 26>}, {pipeline_mode = #tpu.pipeline_mode<synchronous>, transform_indices = @transform_2, window_bounds = array<i64: 26, 416>}, {pipeline_mode = #tpu.pipeline_mode<synchronous>, transform_indices = @transform_3, window_bounds = array<i64: 416, 16>}, {pipeline_mode = #tpu.pipeline_mode<synchronous>, transform_indices = @transform_4, window_bounds = array<i64: 416, 64>}, {pipeline_mode = #tpu.pipeline_mode<synchronous>, transform_indices = @transform_5, window_bounds = array<i64: 1, 64>}, {pipeline_mode = #tpu.pipeline_mode<synchronous>, transform_indices = @transform_6, window_bounds = array<i64: 1, 64>}, {pipeline_mode = #tpu.pipeline_mode<synchronous>, transform_indices = @transform_7, window_bounds = array<i64: 1, 64>}, {pipeline_mode = #tpu.pipeline_mode<synchronous>, transform_indices = @transform_8, window_bounds = array<i64: 64, 32>}, {pipeline_mode = #tpu.pipeline_mode<synchronous>, transform_indices = @transform_9, window_bounds = array<i64: 1, 32>}, {pipeline_mode = #tpu.pipeline_mode<synchronous>, transform_indices = @transform_10, window_bounds = array<i64: 1, 32>}, {pipeline_mode = #tpu.pipeline_mode<synchronous>, transform_indices = @transform_11, window_bounds = array<i64: 1, 32>}, {pipeline_mode = #tpu.pipeline_mode<synchronous>, transform_indices = @transform_12, window_bounds = array<i64: 32, 16>}, {pipeline_mode = #tpu.pipeline_mode<synchronous>, transform_indices = @transform_13, window_bounds = array<i64: 1, 1>}, {transform_indices = @transform_14, window_bounds = array<i64: 2048>}]} {
    %get3A = arith.constant 0 : index
    %get3A_0 = arith.constant 0 : index
    %get3A_1 = vector.load %arg1[%get3A, %get3A_0] : memref<2048x416xf32, #tpu.memory_space<vmem>>, vector<2048x416xf32>
    %get3A_2 = arith.constant 0 : index
    %get3A_3 = arith.constant 0 : index
    %get3A_4 = vector.load %arg2[%get3A_2, %get3A_3] : memref<2048x26xf32, #tpu.memory_space<vmem>>, vector<2048x26xf32>
    %get3A_5 = arith.constant 0 : index
    %get3A_6 = arith.constant 0 : index
    %get3A_7 = vector.load %arg3[%get3A_5, %get3A_6] : memref<26x416xf32, #tpu.memory_space<vmem>>, vector<26x416xf32>
    %dot_general3A = arith.constant dense<0.000000e+00> : vector<2048x416xf32>
    %dot_general3A_8 = tpu.matmul %get3A_4, %get3A_7, %dot_general3A {dimension_numbers = #tpu.dot_dimension_numbers<[1], [0], [0], [1], [0, 0, 1, 1], [], []>, transpose_lhs_hint = false} : vector<2048x26xf32>, vector<26x416xf32>, vector<2048x416xf32> -> vector<2048x416xf32>
    %mul3A = arith.mulf %get3A_1, %dot_general3A_8 : vector<2048x416xf32>
    %get3A_9 = arith.constant 0 : index
    %get3A_10 = arith.constant 0 : index
    %get3A_11 = vector.load %arg4[%get3A_9, %get3A_10] : memref<416x16xf32, #tpu.memory_space<vmem>>, vector<416x16xf32>
    %dot_general3A_12 = arith.constant dense<0.000000e+00> : vector<2048x16xf32>
    %dot_general3A_13 = tpu.matmul %mul3A, %get3A_11, %dot_general3A_12 {dimension_numbers = #tpu.dot_dimension_numbers<[1], [0], [0], [1], [0, 0, 1, 1], [], []>, transpose_lhs_hint = false} : vector<2048x416xf32>, vector<416x16xf32>, vector<2048x16xf32> -> vector<2048x16xf32>
    %mul3A_14 = arith.mulf %dot_general3A_13, %dot_general3A_13 : vector<2048x16xf32>
    %reduce_sum3A = arith.constant dense<0.000000e+00> : vector<2048xf32>
    %reduce_sum3A_15 = vector.multi_reduction <add>, %mul3A_14, %reduce_sum3A [1] : vector<2048x16xf32> to vector<2048xf32>
    %mul3A_16 = arith.mulf %mul3A, %mul3A : vector<2048x416xf32>
    %reduce_sum3A_17 = arith.constant dense<0.000000e+00> : vector<2048xf32>
    %reduce_sum3A_18 = vector.multi_reduction <add>, %mul3A_16, %reduce_sum3A_17 [1] : vector<2048x416xf32> to vector<2048xf32>
    %sub3A = arith.subf %reduce_sum3A_15, %reduce_sum3A_18 : vector<2048xf32>
    %mul3A_19 = arith.constant 5.000000e-01 : f32
    %mul3A_20 = vector.broadcast %mul3A_19 : f32 to vector<2048xf32>
    %mul3A_21 = arith.mulf %mul3A_20, %sub3A : vector<2048xf32>
    %get3A_22 = arith.constant 0 : index
    %get3A_23 = arith.constant 0 : index
    %get3A_24 = vector.load %arg5[%get3A_22, %get3A_23] : memref<416x64xf32, #tpu.memory_space<vmem>>, vector<416x64xf32>
    %dot_general3A_25 = arith.constant dense<0.000000e+00> : vector<2048x64xf32>
    %dot_general3A_26 = tpu.matmul %mul3A, %get3A_24, %dot_general3A_25 {dimension_numbers = #tpu.dot_dimension_numbers<[1], [0], [0], [1], [0, 0, 1, 1], [], []>, transpose_lhs_hint = false} : vector<2048x416xf32>, vector<416x64xf32>, vector<2048x64xf32> -> vector<2048x64xf32>
    %get3A_27 = arith.constant 0 : index
    %get3A_28 = arith.constant 0 : index
    %get3A_29 = vector.load %arg6[%get3A_27, %get3A_28] : memref<1x64xf32, #tpu.memory_space<vmem>>, vector<1x64xf32>
    %add3A = vector.broadcast %get3A_29 : vector<1x64xf32> to vector<2048x64xf32>
    %add3A_30 = arith.addf %dot_general3A_26, %add3A : vector<2048x64xf32>
    %max3A = arith.constant 0.000000e+00 : f32
    %max3A_31 = vector.broadcast %max3A : f32 to vector<2048x64xf32>
    %max3A_32 = arith.maximumf %add3A_30, %max3A_31 : vector<2048x64xf32>
    %get3A_33 = arith.constant 0 : index
    %get3A_34 = arith.constant 0 : index
    %get3A_35 = vector.load %arg7[%get3A_33, %get3A_34] : memref<1x64xf32, #tpu.memory_space<vmem>>, vector<1x64xf32>
    %mul3A_36 = arith.constant 0.999994993 : f32
    %mul3A_37 = vector.broadcast %mul3A_36 : f32 to vector<1x64xf32>
    %mul3A_38 = arith.mulf %mul3A_37, %get3A_35 : vector<1x64xf32>
    %mul3A_39 = vector.broadcast %mul3A_38 : vector<1x64xf32> to vector<2048x64xf32>
    %mul3A_40 = arith.mulf %max3A_32, %mul3A_39 : vector<2048x64xf32>
    %get3A_41 = arith.constant 0 : index
    %get3A_42 = arith.constant 0 : index
    %get3A_43 = vector.load %arg8[%get3A_41, %get3A_42] : memref<1x64xf32, #tpu.memory_space<vmem>>, vector<1x64xf32>
    %add3A_44 = vector.broadcast %get3A_43 : vector<1x64xf32> to vector<2048x64xf32>
    %add3A_45 = arith.addf %mul3A_40, %add3A_44 : vector<2048x64xf32>
    %get3A_46 = arith.constant 0 : index
    %get3A_47 = arith.constant 0 : index
    %get3A_48 = vector.load %arg9[%get3A_46, %get3A_47] : memref<64x32xf32, #tpu.memory_space<vmem>>, vector<64x32xf32>
    %dot_general3A_49 = arith.constant dense<0.000000e+00> : vector<2048x32xf32>
    %dot_general3A_50 = tpu.matmul %add3A_45, %get3A_48, %dot_general3A_49 {dimension_numbers = #tpu.dot_dimension_numbers<[1], [0], [0], [1], [0, 0, 1, 1], [], []>, transpose_lhs_hint = false} : vector<2048x64xf32>, vector<64x32xf32>, vector<2048x32xf32> -> vector<2048x32xf32>
    %get3A_51 = arith.constant 0 : index
    %get3A_52 = arith.constant 0 : index
    %get3A_53 = vector.load %arg10[%get3A_51, %get3A_52] : memref<1x32xf32, #tpu.memory_space<vmem>>, vector<1x32xf32>
    %add3A_54 = vector.broadcast %get3A_53 : vector<1x32xf32> to vector<2048x32xf32>
    %add3A_55 = arith.addf %dot_general3A_50, %add3A_54 : vector<2048x32xf32>
    %max3A_56 = arith.constant 0.000000e+00 : f32
    %max3A_57 = vector.broadcast %max3A_56 : f32 to vector<2048x32xf32>
    %max3A_58 = arith.maximumf %add3A_55, %max3A_57 : vector<2048x32xf32>
    %get3A_59 = arith.constant 0 : index
    %get3A_60 = arith.constant 0 : index
    %get3A_61 = vector.load %arg11[%get3A_59, %get3A_60] : memref<1x32xf32, #tpu.memory_space<vmem>>, vector<1x32xf32>
    %mul3A_62 = arith.constant 0.999994993 : f32
    %mul3A_63 = vector.broadcast %mul3A_62 : f32 to vector<1x32xf32>
    %mul3A_64 = arith.mulf %mul3A_63, %get3A_61 : vector<1x32xf32>
    %mul3A_65 = vector.broadcast %mul3A_64 : vector<1x32xf32> to vector<2048x32xf32>
    %mul3A_66 = arith.mulf %max3A_58, %mul3A_65 : vector<2048x32xf32>
    %get3A_67 = arith.constant 0 : index
    %get3A_68 = arith.constant 0 : index
    %get3A_69 = vector.load %arg12[%get3A_67, %get3A_68] : memref<1x32xf32, #tpu.memory_space<vmem>>, vector<1x32xf32>
    %add3A_70 = vector.broadcast %get3A_69 : vector<1x32xf32> to vector<2048x32xf32>
    %add3A_71 = arith.addf %mul3A_66, %add3A_70 : vector<2048x32xf32>
    %reduce_sum3A_72 = arith.constant dense<0.000000e+00> : vector<2048xf32>
    %reduce_sum3A_73 = vector.multi_reduction <add>, %add3A_71, %reduce_sum3A_72 [1] : vector<2048x32xf32> to vector<2048xf32>
    %get3A_74 = arith.constant 0 : index
    %get3A_75 = arith.constant 0 : index
    %get3A_76 = vector.load %arg13[%get3A_74, %get3A_75] : memref<32x16xf32, #tpu.memory_space<vmem>>, vector<32x16xf32>
    %reduce_sum3A_77 = vector.shape_cast %get3A_76 : vector<32x16xf32> to vector<1x32x16xf32>
    %reduce_sum3A_78 = arith.constant dense<0.000000e+00> : vector<1xf32>
    %reduce_sum3A_79 = vector.multi_reduction <add>, %reduce_sum3A_77, %reduce_sum3A_78 [1, 2] : vector<1x32x16xf32> to vector<1xf32>
    %reduce_sum3A_80 = vector.shape_cast %reduce_sum3A_79 : vector<1xf32> to vector<1x1x1xf32>
    %reduce_sum3A_81 = vector.extract %reduce_sum3A_80[0, 0, 0] : f32 from vector<1x1x1xf32>
    %add3A_82 = arith.addf %mul3A_21, %reduce_sum3A_73 : vector<2048xf32>
    %get3A_83 = arith.constant 0 : index
    %get3A_84 = arith.constant 0 : index
    %get3A_85 = vector.load %arg14[%get3A_83, %get3A_84] : memref<1x1xf32, #tpu.memory_space<vmem>>, vector<1x1xf32>
    %get3A_86 = vector.extract %get3A_85[0, 0] : f32 from vector<1x1xf32>
    %add3A_87 = arith.addf %reduce_sum3A_81, %get3A_86 : f32
    %add3A_88 = vector.broadcast %add3A_87 : f32 to vector<2048xf32>
    %add3A_89 = arith.addf %add3A_82, %add3A_88 : vector<2048xf32>
    %swap3A = arith.constant 0 : index
    %swap3A_90 = vector.load %arg15[%swap3A] : memref<2048xf32, #tpu.memory_space<vmem>>, vector<2048xf32>
    tpu.vector_store %arg15[%swap3A], %add3A_89 {strides = array<i32>} : memref<2048xf32, #tpu.memory_space<vmem>>, vector<2048xf32>,
    return
  }
  func.func @transform_0(%arg0: i32) -> (i32, i32) {
    %c0_i32 = arith.constant 0 : i32
    %c0_i32_0 = arith.constant 0 : i32
    return %arg0, %c0_i32 : i32, i32
  }
  func.func @transform_1(%arg0: i32) -> (i32, i32) {
    %c0_i32 = arith.constant 0 : i32
    %c0_i32_0 = arith.constant 0 : i32
    return %arg0, %c0_i32 : i32, i32
  }
  func.func @transform_2(%arg0: i32) -> (i32, i32) {
    %c0_i32 = arith.constant 0 : i32
    %c0_i32_0 = arith.constant 0 : i32
    %c0_i32_1 = arith.constant 0 : i32
    return %c0_i32, %c0_i32_0 : i32, i32
  }
  func.func @transform_3(%arg0: i32) -> (i32, i32) {
    %c0_i32 = arith.constant 0 : i32
    %c0_i32_0 = arith.constant 0 : i32
    %c0_i32_1 = arith.constant 0 : i32
    return %c0_i32, %c0_i32_0 : i32, i32
  }
  func.func @transform_4(%arg0: i32) -> (i32, i32) {
    %c0_i32 = arith.constant 0 : i32
    %c0_i32_0 = arith.constant 0 : i32
    %c0_i32_1 = arith.constant 0 : i32
    return %c0_i32, %c0_i32_0 : i32, i32
  }
  func.func @transform_5(%arg0: i32) -> (i32, i32) {
    %c0_i32 = arith.constant 0 : i32
    %c0_i32_0 = arith.constant 0 : i32
    %c0_i32_1 = arith.constant 0 : i32
    return %c0_i32, %c0_i32_0 : i32, i32
  }
  func.func @transform_6(%arg0: i32) -> (i32, i32) {
    %c0_i32 = arith.constant 0 : i32
    %c0_i32_0 = arith.constant 0 : i32
    %c0_i32_1 = arith.constant 0 : i32
    return %c0_i32, %c0_i32_0 : i32, i32
  }
  func.func @transform_7(%arg0: i32) -> (i32, i32) {
    %c0_i32 = arith.constant 0 : i32
    %c0_i32_0 = arith.constant 0 : i32
    %c0_i32_1 = arith.constant 0 : i32
    return %c0_i32, %c0_i32_0 : i32, i32
  }
  func.func @transform_8(%arg0: i32) -> (i32, i32) {
    %c0_i32 = arith.constant 0 : i32
    %c0_i32_0 = arith.constant 0 : i32
    %c0_i32_1 = arith.constant 0 : i32
    return %c0_i32, %c0_i32_0 : i32, i32
  }
  func.func @transform_9(%arg0: i32) -> (i32, i32) {
    %c0_i32 = arith.constant 0 : i32
    %c0_i32_0 = arith.constant 0 : i32
    %c0_i32_1 = arith.constant 0 : i32
    return %c0_i32, %c0_i32_0 : i32, i32
  }
  func.func @transform_10(%arg0: i32) -> (i32, i32) {
    %c0_i32 = arith.constant 0 : i32
    %c0_i32_0 = arith.constant 0 : i32
    %c0_i32_1 = arith.constant 0 : i32
    return %c0_i32, %c0_i32_0 : i32, i32
  }
  func.func @transform_11(%arg0: i32) -> (i32, i32) {
    %c0_i32 = arith.constant 0 : i32
    %c0_i32_0 = arith.constant 0 : i32
    %c0_i32_1 = arith.constant 0 : i32
    return %c0_i32, %c0_i32_0 : i32, i32
  }
  func.func @transform_12(%arg0: i32) -> (i32, i32) {
    %c0_i32 = arith.constant 0 : i32
    %c0_i32_0 = arith.constant 0 : i32
    %c0_i32_1 = arith.constant 0 : i32
    return %c0_i32, %c0_i32_0 : i32, i32
  }
  func.func @transform_13(%arg0: i32) -> (i32, i32) {
    %c0_i32 = arith.constant 0 : i32
    %c0_i32_0 = arith.constant 0 : i32
    %c0_i32_1 = arith.constant 0 : i32
    return %c0_i32, %c0_i32_0 : i32, i32
  }
  func.func @transform_14(%arg0: i32) -> i32 {
    %c0_i32 = arith.constant 0 : i32
    return %arg0 : i32
  }
}

</mosaic_0001>

<sc_bundles>
// kernel: kernel.5.cloned.1.call-start
scs
__scs_entry_jumppad:
0x0: {  	(pc) =	sbr.rel $0x88, $3  }
0x1: {  	(tag) =	ssettag $0x0;
	lr =	simm.s32 $0x1  }
0x2: {  	[smem:$0x3F94] =	sst lr;
	_ =	strace $0xD0000000  }
0x3: {  	_ = 	snop  }
0x4: {  	_ = 	snop  }
0x5: {  	_ = 	snop  }
0x6: {  	_ = 	snop  }
0x7: {  	_ = 	snop  }
__scs_overlays_trampoline_lowered:
0x8: {  	[smem:$0x3FA3] =	sst s0  }
0x9: {  	[smem:$0x3FA4] =	sst s1  }
0xa: {  	[smem:$0x3FA5] =	sst s2  }
0xb: {  	[smem:$0x3FA6] =	sst s3  }
0xc: {  	[smem:$0x3FA7] =	sst s4  }
0xd: {  	[smem:$0x3FA8] =	sst s5  }
0xe: {  	[smem:$0x3FA9] =	sst s6  }
0xf: {  	[smem:$0x3FAA] =	sst s7  }
0x10: {  	[smem:$0x3FAB] =	sst s8  }
0x11: {  	[smem:$0x3FAC] =	sst s9;
	s0 =	simm.s32 @!p0 $0x0  }
0x12: {  	s1 =	sld [smem:$0x3F92];
	s0 =	simm.s32 @p0 $0x1  }
0x13: {  	[smem:$0x3FAD] =	sst s0;
	s0 =	simm.s32 @!p1 $0x0  }
0x14: {  	s2 =	sld [smem:$0x3F91];
	s0 =	simm.s32 @p1 $0x1  }
0x15: {  	[smem:$0x3FAE] =	sst s0;
	s0 =	simm.s32 @!p2 $0x0  }
0x16: {  	s3 =	sld [smem:$0x3FDB];
	s0 =	simm.s32 @p2 $0x1  }
0x17: {  	s4 =	simm.s32 $0x1BF5;
	[smem:$0x3FB0] =	sst s0  }
0x18: {  	s0 =	sld [smem:$0x3F93];
	_ =	swait.ge [sflag:s4], $0x0  }
0x19: {  	s7 =	sld [smem:$0x3F94]  }
0x1a: {  	s8 =	sadd.s32 $0xFFFFE003, lr  }
0x1b: {  	s9 =	sadd.s32 $0xFFFFFEF7, lr;
	s5 =	simm.s32 $0xFFFFFFFF;
	p2 =	slt.u32 s8, $0xFFFFF086  }
0x1c: {  	p1 =	slt.u32 s9, $0xF7A;
	s5 =	simm.s32 @!p2 $0x0  }
0x1d: {  	s5 =	simm.s32 @p1 $0x1;
	p0 =	seq.s32 s7, s2  }
0x1e: {  	s7 =	smul.u32 @!p0 $0xF7A, s2;
	p2 =	seq.s32 @!p0 s5, $0x0  }
0x1f: {  	s9 =	smul.u32 $0xF7A, s1;
	s8 =	simm.s32 @!p0 $0x1BF5;
	p2 =	por !p2, p0  }
0x20: {  	[sflag:s8] =	ssyncset.s32 @!p0 $0xFFFFF086;
	s6 =	sadd.s32 @!p0 s3, s7;
	s7 =	simm.s32 @!p0 $0x108  }
0x21: {  	s3 =	sadd.s32 s3, s9;
	s6 =	sadd.s32 @!p0 $0x88, s6;
	s7 =	simm.s32 @p2 $0x1082  }
0x22: {  	[simem:s7], [sflag:s8] =	dma.local @!p0 [hbm:s6], $0xF7A  }
0x23: {  	s9 =	sor.u32 $0xD0000000, s2;
	s6 =	simm.s32 $0x108;
	_ =	swait.ge @!p0 [sflag:s8], $0x0  }
0x24: {  	s3 =	sadd.s32 $0x88, s3;
	s6 =	simm.s32 @!p1 $0x1082;
	[sflag:s4] =	ssyncset.s32 $0xFFFFF086  }
0x25: {  	[simem:s6], [sflag:s4] =	dma.local [hbm:s3], $0xF7A  }
0x26: {  	[smem:$0x3F94] =	sst s1;
	(tag) =	ssettag s2;
	_ =	strace s9  }
0x27: {  	s1 =	sld [smem:$0x3FA4]  }
0x28: {  	s2 =	sld [smem:$0x3FA5]  }
0x29: {  	s4 =	sld [smem:$0x3FA7]  }
0x2a: {  	p0 =	seq.s32 s5, $0x0;
	s5 =	sld [smem:$0x3FA8]  }
0x2b: {  	s6 =	sld [smem:$0x3FA9]  }
0x2c: {  	s7 =	sld [smem:$0x3FAA]  }
0x2d: {  	s3 =	simm.s32 $0x108;
	s8 =	sld [smem:$0x3FAB]  }
0x2e: {  	s3 =	simm.s32 @!p0 $0x1082;
	s9 =	sld [smem:$0x3FAC]  }
0x2f: {  	lr =	sadd.s32 s0, s3;
	s0 =	sld [smem:$0x3FA3]  }
0x30: {  	s3 =	sld [smem:$0x3FA6]  }
0x31: {  	[smem:$0x3FAF] =	sst s10  }
0x32: {  	s10 =	sld [smem:$0x3FAD];
	_ =	sdelay $0x3  }
0x33: {  	p0 =	seq.s32 s10, $0x1;
	s10 =	sld [smem:$0x3FAF];
	_ =	sdelay $0x3  }
0x34: {  	[smem:$0x3FAF] =	sst s10  }
0x35: {  	s10 =	sld [smem:$0x3FAE];
	_ =	sdelay $0x3  }
0x36: {  	p1 =	seq.s32 s10, $0x1;
	s10 =	sld [smem:$0x3FAF];
	_ =	sdelay $0x3  }
0x37: {  	[smem:$0x3FAF] =	sst s10  }
0x38: {  	s10 =	sld [smem:$0x3FB0]  }
0x39: {  	_ = 	snop;
	(pc) =	sbr.ind lr, $3  }
0x3a: {  	_ = 	snop  }
0x3b: {  	_ = 	snop  }
0x3c: {  	p2 =	seq.s32 s10, $0x1;
	s10 =	sld [smem:$0x3FAF]  }
0x3d: {  	_ =	shalt  }
0x3e: {  	_ =	shalt  }
0x3f: {  	_ =	shalt  }
0x40: {  	_ =	shalt  }
0x41: {  	_ =	shalt  }
0x42: {  	_ =	shalt  }
0x43: {  	_ =	shalt  }
0x44: {  	_ =	shalt  }
0x45: {  	_ =	shalt  }
0x46: {  	_ =	shalt  }
0x47: {  	_ =	shalt  }
0x48: {  	_ =	shalt  }
0x49: {  	_ =	shalt  }
0x4a: {  	_ =	shalt  }
0x4b: {  	_ =	shalt  }
0x4c: {  	_ =	shalt  }
0x4d: {  	_ =	shalt  }
0x4e: {  	_ =	shalt  }
0x4f: {  	_ =	shalt  }
0x50: {  	_ =	shalt  }
0x51: {  	_ =	shalt  }
0x52: {  	_ =	shalt  }
0x53: {  	_ =	shalt  }
0x54: {  	_ =	shalt  }
0x55: {  	_ =	shalt  }
0x56: {  	_ =	shalt  }
0x57: {  	_ =	shalt  }
0x58: {  	_ =	shalt  }
0x59: {  	_ =	shalt  }
0x5a: {  	_ =	shalt  }
0x5b: {  	_ =	shalt  }
0x5c: {  	_ =	shalt  }
0x5d: {  	_ =	shalt  }
0x5e: {  	_ =	shalt  }
0x5f: {  	_ =	shalt  }
0x60: {  	_ =	shalt  }
0x61: {  	_ =	shalt  }
0x62: {  	_ =	shalt  }
0x63: {  	_ =	shalt  }
0x64: {  	_ =	shalt  }
0x65: {  	_ =	shalt  }
0x66: {  	_ =	shalt  }
0x67: {  	_ =	shalt  }
0x68: {  	_ =	shalt  }
0x69: {  	_ =	shalt  }
0x6a: {  	_ =	shalt  }
0x6b: {  	_ =	shalt  }
0x6c: {  	_ =	shalt  }
0x6d: {  	_ =	shalt  }
0x6e: {  	_ =	shalt  }
0x6f: {  	_ =	shalt  }
0x70: {  	_ =	shalt  }
0x71: {  	_ =	shalt  }
0x72: {  	_ =	shalt  }
0x73: {  	_ =	shalt  }
0x74: {  	_ =	shalt  }
0x75: {  	_ =	shalt  }
0x76: {  	_ =	shalt  }
0x77: {  	_ =	shalt  }
0x78: {  	_ =	shalt  }
0x79: {  	_ =	shalt  }
0x7a: {  	_ =	shalt  }
0x7b: {  	_ =	shalt  }
0x7c: {  	_ =	shalt  }
0x7d: {  	_ =	shalt  }
0x7e: {  	_ =	shalt  }
0x7f: {  	_ =	shalt  }
0x80: {  	_ =	shalt  }
0x81: {  	_ =	shalt  }
0x82: {  	_ =	shalt  }
0x83: {  	_ =	shalt  }
0x84: {  	_ =	shalt  }
0x85: {  	_ =	shalt  }
0x86: {  	_ =	shalt  }
0x87: {  	_ =	shalt  }
.Lfunc_end0:
.L_simem_size_0:
called_computation_lowered:
.L_overlay_start_0:
0x88: {  	s2 =	sld [smem:$0x3FD9]  }
0x89: {  	s3 =	sld [smem:$0x3FFE];
	_ =	sdelay $0x1  }
0x8a: {  	s1 =	srdreg.scid  }
0x8b: {  	s0 =	sand.u32 $0x1, s1  }
0x8c: {  	s17 =	sshll.u32 s0, $0xA;
	s2 =	sadd.s32 s3, s2  }
0x8d: {  	s2 =	sadd.s32 s2, s17  }
0x8e: {  	[smem:$0x3FBB] =	sst s2  }
0x8f: {  	_ = 	snop  }
0x90: {  	s2 =	sld [smem:$0x3FD0];
	(tm) =	ssettm $0x1  }
0x91: {  	s18 =	sld [smem:$0x3FFB];
	_ =	sdelay $0x3  }
0x92: {  	_ =	strace s18  }
0x93: {  	s3 =	sld [smem:$0x3FFC];
	_ =	sdelay $0x3  }
0x94: {  	_ =	strace s3  }
0x95: {  	s3 =	sld [smem:$0x3FFD];
	_ =	sdelay $0x3  }
0x96: {  	_ =	strace s3  }
0x97: {  	_ =	strace $0x8FFFFFFF  }
0x98: {  	s19 =	sld [smem:$0x3FDB];
	_ =	sdelay $0x1  }
0x99: {  	s4 =	simm.s32 $_scs_section_size  }
0x9a: {  	s5 =	simm.s32 $_size__tile_overlayer_lowered;
	s6 =	simm.s32 $_tile_overlayer_lowered  }
0x9b: {  	s22 =	simm.s32 $0x1BFF;
	s21 =	sshll.u32 s6, $0x1;
	s3 =	sadd.s32 s4, s19  }
0x9c: {  	s7 =	simm.s32 $0x0;
	s20 =	sshll.u32 s5, $0x1;
	s5 =	sadd.s32 s21, s3  }
0x9d: {  	[timem:s7], [sflag:s22] =	dma.local [hbm:s5], s20  }
0x9e: {  	_ =	swait.ge [sflag:s22], s20  }
0x9f: {  	s4 =	ssub.s32 $0x0, s20;
	[sflag:s22] =	ssyncset.done $0x0  }
0xa0: {  	[sflag:s22] =	ssyncadd.s32 s4;
	_ =	sdelay $0x1  }
0xa1: {  	s23 =	simm.s32 $0x1B8B  }
0xa2: {  	_ =	swait.ge [sflag:s23], $0x1  }
0xa3: {  	[sflag:s23] =	ssyncset.done $0x0  }
0xa4: {  	s25 =	simm.s32 $0x1B8E;
	s24 =	sld [smem:$0x3FFE];
	[sflag:s23] =	ssyncadd.s32 $0xFFFFFFFF  }
0xa5: {  	s26 =	simm.s32 $execute0_lowered;
	[smem:$0x3FD2] =	sst s25  }
0xa6: {  	s5 =	sshll.u32 s26, $0x1;
	_ =	strace $0x80000046;
	[dreg:$0x1] =	wrdreg $0xFFFFFFFF  }
0xa7: {  	s28 =	simm.s32 $_size_execute0_lowered;
	s3 =	sadd.s32 s3, s5;
	[dreg:$0x0] =	wrdreg $0x0  }
0xa8: {  	s5 =	sshll.u32 s28, $0x1;
	[dreg:$0x2] =	wrdreg s3  }
0xa9: {  	[dreg:$0x3] =	wrdreg s5  }
0xaa: {  	[dreg:$0x4] =	wrdreg $0xC0  }
0xab: {  	_ =	task [dreg:s7], $0x5FFFF  }
0xac: {  	[dreg:$0x1] =	wrdreg $0xFFFFFFFF  }
0xad: {  	[dreg:$0x0] =	wrdreg $0x60  }
0xae: {  	[dreg:$0x2] =	wrdreg s24  }
0xaf: {  	[dreg:$0x3] =	wrdreg s2  }
0xb0: {  	[dreg:$0x4] =	wrdreg $0x9  }
0xb1: {  	_ =	task.clear_ibuf [dreg:s7], $0x5FFFF;
	_ =	strace $0x90000046  }
0xb2: {  	s29 =	simm.s32 $0x9;
	_ =	strace $0x80000048  }
0xb3: {  	_ =	swait.ge [sflag:s29], $0x1  }
0xb4: {  	[sflag:s29] =	ssyncadd.s32 $0xFFFFFFFF  }
0xb5: {  	_ =	strace $0x90000048  }
0xb6: {  	_ =	sfence  }
0xb7: {  	s30 =	sld [smem:$0x0];
	_ =	sdelay $0x2  }
0xb8: {  	s31 =	sshll.u32 s1, $0xD;
	s1 =	sshrl.u32 s1, $0x2  }
0xb9: {  	s3 =	sand.u32 $0x4000, s31;
	s1 =	sadd.s32 s1, s30  }
0xba: {  	s0 =	sor.u32 s3, s0;
	s1 =	sshll.u32 s1, $0x11  }
0xbb: {  	s0 =	sor.u32 s1, s0  }
0xbc: {  	s0 =	sadd.s32 $0x8F2B, s0  }
0xbd: {  	[sflag:s0] =	ssyncadd.remote.s32 $0x1  }
0xbe: {  	_ =	sfence.sel $0xFFFF  }
0xbf: {  	[dreg:$0x0] =	wrdreg $0xFFFFFFFF;
	(pc) =	sbr.abs _section_cstart, $3  }
0xc0: {  	[dreg:$0x1] =	wrdreg $0xFFFFFFFF  }
0xc1: {  	_ =	task.clear_ibuf [dreg:s7], $0x2FFFF;
	_ =	strace $0x9FFFFFFF  }
0xc2: {  	(tm) =	ssettm $0x7FFFFFFF  }
0xc3: {  	_ =	shalt  }
tec
execute0_lowered:
.L_overlay_start_1:
0x0: {  	(tag) =	ssettag $0x1  }
0x1: {  	s3 =	srdreg.scid;
	s5 =	stileid.u32  }
0x2: {  	s0 =	rddreg [dreg:$0x0];
	s4 =	sand.u32 $0x1, s3;
	s18 =	sshll.u32 s5, $0x1  }
0x3: {  	s1 =	rddreg [dreg:$0x1];
	s6 =	sor.u32 s4, s18  }
0x4: {  	s2 =	simm.s32 $0x0;
	s19 =	sshll.u32 s6, $0x6;
	s16 =	sshll.u32 s6, $0x1  }
0x5: {  	[smem:$0x7FF] =	sst s2;
	s8 =	sadd.s32 s19, s0;
	s1 =	sadd.s32 s1, s16  }
0x6: {  	_ =	strace $0x80000047;
	s20 =	sadd.s32 $0x2000, s8;
	[dreg:$0x12] =	wrdreg s1  }
0x7: {  	s21 =	sadd.s32 $0x2800, s8;
	[dreg:$0x3] =	wrdreg s20  }
0x8: {  	s22 =	sadd.s32 $0x3000, s8;
	[dreg:$0x4] =	wrdreg s21  }
0x9: {  	s3 =	sadd.s32 $0xF000, s0;
	s23 =	sadd.s32 $0x3800, s8;
	[dreg:$0x5] =	wrdreg s22  }
0xa: {  	s5 =	sadd.s32 $0x6F7000, s0;
	s24 =	sadd.s32 $0x4000, s8;
	[dreg:$0x6] =	wrdreg s23  }
0xb: {  	s7 =	ssub.s32 $0x2, s4;
	s25 =	sadd.s32 $0x4800, s8;
	[dreg:$0x7] =	wrdreg s24  }
0xc: {  	s4 =	sadd.s32 $0x68F000, s0;
	s26 =	sadd.s32 $0x5000, s8;
	[dreg:$0x8] =	wrdreg s25  }
0xd: {  	s9 =	sshrl.u32 s7, $0x1;
	s31 =	sadd.s32 $0x5800, s8;
	[dreg:$0x9] =	wrdreg s26  }
0xe: {  	s0 =	ssub.s32 s7, s9;
	s9 =	sadd.s32 $0x6000, s8;
	[dreg:$0xa] =	wrdreg s31  }
0xf: {  	s10 =	sadd.s32 $0x6800, s8;
	[dreg:$0xb] =	wrdreg s9  }
0x10: {  	s11 =	sadd.s32 $0x7000, s8;
	[dreg:$0xc] =	wrdreg s10  }
0x11: {  	s28 =	simm.s32 $0xDF80;
	s12 =	sadd.s32 $0x7800, s8;
	[dreg:$0xd] =	wrdreg s11  }
0x12: {  	s29 =	simm.s32 $0x1;
	s13 =	sadd.s32 $0x8000, s8;
	[dreg:$0xe] =	wrdreg s12  }
0x13: {  	s30 =	simm.s32 $0x2;
	s14 =	sadd.s32 $0x8800, s8;
	[dreg:$0xf] =	wrdreg s13  }
0x14: {  	s6 =	smul.u32 $0x3400, s6;
	s15 =	sadd.s32 $0x9000, s8;
	[dreg:$0x10] =	wrdreg s14  }
0x15: {  	s16 =	simm.s32 $0xBC00;
	s17 =	sadd.s32 $0x9800, s8;
	[dreg:$0x11] =	wrdreg s15  }
0x16: {  	s18 =	sadd.s32 $0xA000, s8;
	s19 =	sadd.s32 $0xA800, s8;
	[dreg:$0x13] =	wrdreg s17  }
0x17: {  	s0 =	smax.u32 s0, $0x1;
	s1 =	simm.s32 $0x0;
	[dreg:$0x14] =	wrdreg s18  }
0x18: {  	[dreg:$0x15] =	wrdreg s19;
	s20 =	sadd.s32 $0xB000, s8;
	s21 =	sadd.s32 $0xB800, s8  }
0x19: {  	s22 =	sadd.s32 $0xC000, s8;
	s23 =	sadd.s32 $0xC800, s8;
	[dreg:$0x1e] =	wrdreg s0  }
0x1a: {  	s24 =	sadd.s32 $0xD000, s8;
	s25 =	sadd.s32 $0xD800, s8;
	[dreg:$0x16] =	wrdreg s20  }
0x1b: {  	s26 =	sadd.s32 $0xE000, s8;
	s31 =	sadd.s32 $0xE800, s8;
	[dreg:$0x17] =	wrdreg s21  }
0x1c: {  	s8 =	simm.s32 $0x3;
	s9 =	simm.s32 $0x3400;
	[dreg:$0x18] =	wrdreg s22  }
0x1d: {  	s10 =	simm.s32 $0x6800;
	s11 =	simm.s32 $0x80;
	[dreg:$0x19] =	wrdreg s23  }
0x1e: {  	s12 =	simm.s32 $0x9C00;
	s13 =	simm.s32 $0xA400;
	[dreg:$0x1a] =	wrdreg s24  }
0x1f: {  	s14 =	simm.s32 $0xAC00;
	s15 =	simm.s32 $0xB400;
	[dreg:$0x1b] =	wrdreg s25  }
0x20: {  	v0 =	vlaneseq.u32;
	s17 =	simm.s32 $0xC400;
	s18 =	simm.s32 $0xCC00;
	[dreg:$0x1c] =	wrdreg s26  }
0x21: {  	v1 =	vand.u32 $0x3, v0;
	s19 =	simm.s32 $0xD400;
	[dreg:$0x1d] =	wrdreg s31;
	s20 =	simm.s32 $0xDC00  }
0x22: {  	v0 =	vmul.u32 $0x1A, v0;
	v1 =	vmul.u32 $0x2, v1;
	s21 =	simm.s32 $0xDC80;
	s22 =	simm.s32 $0xDD00;
	s23 =	simm.s32 $0xDD80  }
0x23: {  	s24 =	simm.s32 $0xDE00;
	s25 =	simm.s32 $0xDE80;
	s26 =	simm.s32 $0xDF00  }
.LBB2_1:
0x24: {  	[dreg:$0x1f] =	wrdreg s1  }
0x25: {  	s0 =	rddreg [dreg:$0x3]  }
0x26: {  	[tilespmem:s2], [sflag:$0x3] =	stream.linear.gather [hbm4b:s0+s2], $0x200, $0x38;
	[tilespmem:$0xE010] =	vst v63  }
0x27: {  	_ =	swait.ge [sflag:s8], $0x200  }
0x28: {  	[sflag:s8] =	ssyncset.done $0x0  }
0x29: {  	s31 =	simm.s32 $0x200;
	s7 =	rddreg [dreg:$0x4];
	[sflag:s8] =	ssyncadd.s32 $0xFFFFFE00  }
0x2a: {  	[tilespmem:s31], [sflag:$0x3] =	stream.linear.gather [hbm4b:s7+s2], $0x200, $0x38;
	[tilespmem:$0xE010] =	vst v63  }
0x2b: {  	_ =	swait.ge [sflag:s8], $0x200  }
0x2c: {  	[sflag:s8] =	ssyncset.done $0x0  }
0x2d: {  	s31 =	simm.s32 $0x400;
	s7 =	rddreg [dreg:$0x5];
	[sflag:s8] =	ssyncadd.s32 $0xFFFFFE00  }
0x2e: {  	[tilespmem:s31], [sflag:$0x3] =	stream.linear.gather [hbm4b:s7+s2], $0x200, $0x38;
	[tilespmem:$0xE010] =	vst v63  }
0x2f: {  	_ =	swait.ge [sflag:s8], $0x200  }
0x30: {  	[sflag:s8] =	ssyncset.done $0x0  }
0x31: {  	s31 =	simm.s32 $0x600;
	s7 =	rddreg [dreg:$0x6];
	[sflag:s8] =	ssyncadd.s32 $0xFFFFFE00  }
0x32: {  	[tilespmem:s31], [sflag:$0x3] =	stream.linear.gather [hbm4b:s7+s2], $0x200, $0x38;
	[tilespmem:$0xE010] =	vst v63  }
0x33: {  	_ =	swait.ge [sflag:s8], $0x200  }
0x34: {  	[sflag:s8] =	ssyncset.done $0x0  }
0x35: {  	s31 =	simm.s32 $0x800;
	s7 =	rddreg [dreg:$0x7];
	[sflag:s8] =	ssyncadd.s32 $0xFFFFFE00  }
0x36: {  	[tilespmem:s31], [sflag:$0x3] =	stream.linear.gather [hbm4b:s7+s2], $0x200, $0x38;
	[tilespmem:$0xE010] =	vst v63  }
0x37: {  	_ =	swait.ge [sflag:s8], $0x200  }
0x38: {  	[sflag:s8] =	ssyncset.done $0x0  }
0x39: {  	s31 =	simm.s32 $0xA00;
	s7 =	rddreg [dreg:$0x8];
	[sflag:s8] =	ssyncadd.s32 $0xFFFFFE00  }
0x3a: {  	[tilespmem:s31], [sflag:$0x3] =	stream.linear.gather [hbm4b:s7+s2], $0x200, $0x38;
	[tilespmem:$0xE010] =	vst v63  }
0x3b: {  	_ =	swait.ge [sflag:s8], $0x200  }
0x3c: {  	[sflag:s8] =	ssyncset.done $0x0  }
0x3d: {  	s31 =	simm.s32 $0xC00;
	s7 =	rddreg [dreg:$0x9];
	[sflag:s8] =	ssyncadd.s32 $0xFFFFFE00  }
0x3e: {  	[tilespmem:s31], [sflag:$0x3] =	stream.linear.gather [hbm4b:s7+s2], $0x200, $0x38;
	[tilespmem:$0xE010] =	vst v63  }
0x3f: {  	_ =	swait.ge [sflag:s8], $0x200  }
0x40: {  	[sflag:s8] =	ssyncset.done $0x0  }
0x41: {  	s31 =	simm.s32 $0xE00;
	s7 =	rddreg [dreg:$0xa];
	[sflag:s8] =	ssyncadd.s32 $0xFFFFFE00  }
0x42: {  	[tilespmem:s31], [sflag:$0x3] =	stream.linear.gather [hbm4b:s7+s2], $0x200, $0x38;
	[tilespmem:$0xE010] =	vst v63  }
0x43: {  	_ =	swait.ge [sflag:s8], $0x200  }
0x44: {  	[sflag:s8] =	ssyncset.done $0x0  }
0x45: {  	s31 =	simm.s32 $0x1000;
	s7 =	rddreg [dreg:$0xb];
	[sflag:s8] =	ssyncadd.s32 $0xFFFFFE00  }
0x46: {  	[tilespmem:s31], [sflag:$0x3] =	stream.linear.gather [hbm4b:s7+s2], $0x200, $0x38;
	[tilespmem:$0xE010] =	vst v63  }
0x47: {  	_ =	swait.ge [sflag:s8], $0x200  }
0x48: {  	[sflag:s8] =	ssyncset.done $0x0  }
0x49: {  	s31 =	simm.s32 $0x1200;
	s7 =	rddreg [dreg:$0xc];
	[sflag:s8] =	ssyncadd.s32 $0xFFFFFE00  }
0x4a: {  	[tilespmem:s31], [sflag:$0x3] =	stream.linear.gather [hbm4b:s7+s2], $0x200, $0x38;
	[tilespmem:$0xE010] =	vst v63  }
0x4b: {  	_ =	swait.ge [sflag:s8], $0x200  }
0x4c: {  	[sflag:s8] =	ssyncset.done $0x0  }
0x4d: {  	s31 =	simm.s32 $0x1400;
	s7 =	rddreg [dreg:$0xd];
	[sflag:s8] =	ssyncadd.s32 $0xFFFFFE00  }
0x4e: {  	[tilespmem:s31], [sflag:$0x3] =	stream.linear.gather [hbm4b:s7+s2], $0x200, $0x38;
	[tilespmem:$0xE010] =	vst v63  }
0x4f: {  	_ =	swait.ge [sflag:s8], $0x200  }
0x50: {  	[sflag:s8] =	ssyncset.done $0x0  }
0x51: {  	s31 =	simm.s32 $0x1600;
	s7 =	rddreg [dreg:$0xe];
	[sflag:s8] =	ssyncadd.s32 $0xFFFFFE00  }
0x52: {  	[tilespmem:s31], [sflag:$0x3] =	stream.linear.gather [hbm4b:s7+s2], $0x200, $0x38;
	[tilespmem:$0xE010] =	vst v63  }
0x53: {  	_ =	swait.ge [sflag:s8], $0x200  }
0x54: {  	[sflag:s8] =	ssyncset.done $0x0  }
0x55: {  	s31 =	simm.s32 $0x1800;
	s7 =	rddreg [dreg:$0xf];
	[sflag:s8] =	ssyncadd.s32 $0xFFFFFE00  }
0x56: {  	[tilespmem:s31], [sflag:$0x3] =	stream.linear.gather [hbm4b:s7+s2], $0x200, $0x38;
	[tilespmem:$0xE010] =	vst v63  }
0x57: {  	_ =	swait.ge [sflag:s8], $0x200  }
0x58: {  	[sflag:s8] =	ssyncset.done $0x0  }
0x59: {  	s31 =	simm.s32 $0x1A00;
	s7 =	rddreg [dreg:$0x10];
	[sflag:s8] =	ssyncadd.s32 $0xFFFFFE00  }
0x5a: {  	[tilespmem:s31], [sflag:$0x3] =	stream.linear.gather [hbm4b:s7+s2], $0x200, $0x38;
	[tilespmem:$0xE010] =	vst v63  }
0x5b: {  	_ =	swait.ge [sflag:s8], $0x200  }
0x5c: {  	[sflag:s8] =	ssyncset.done $0x0  }
0x5d: {  	s31 =	simm.s32 $0x1C00;
	s7 =	rddreg [dreg:$0x11];
	[sflag:s8] =	ssyncadd.s32 $0xFFFFFE00  }
0x5e: {  	[tilespmem:s31], [sflag:$0x3] =	stream.linear.gather [hbm4b:s7+s2], $0x200, $0x38;
	[tilespmem:$0xE010] =	vst v63  }
0x5f: {  	_ =	swait.ge [sflag:s8], $0x200  }
0x60: {  	[sflag:s8] =	ssyncset.done $0x0  }
0x61: {  	s31 =	simm.s32 $0x1E00;
	s7 =	rddreg [dreg:$0x13];
	[sflag:s8] =	ssyncadd.s32 $0xFFFFFE00  }
0x62: {  	[tilespmem:s31], [sflag:$0x3] =	stream.linear.gather [hbm4b:s7+s2], $0x200, $0x38;
	[tilespmem:$0xE010] =	vst v63  }
0x63: {  	_ =	swait.ge [sflag:s8], $0x200  }
0x64: {  	[sflag:s8] =	ssyncset.done $0x0  }
0x65: {  	s31 =	simm.s32 $0x2000;
	s7 =	rddreg [dreg:$0x14];
	[sflag:s8] =	ssyncadd.s32 $0xFFFFFE00  }
0x66: {  	[tilespmem:s31], [sflag:$0x3] =	stream.linear.gather [hbm4b:s7+s2], $0x200, $0x38;
	[tilespmem:$0xE010] =	vst v63  }
0x67: {  	_ =	swait.ge [sflag:s8], $0x200  }
0x68: {  	[sflag:s8] =	ssyncset.done $0x0  }
0x69: {  	s31 =	simm.s32 $0x2200;
	s7 =	rddreg [dreg:$0x15];
	[sflag:s8] =	ssyncadd.s32 $0xFFFFFE00  }
0x6a: {  	[tilespmem:s31], [sflag:$0x3] =	stream.linear.gather [hbm4b:s7+s2], $0x200, $0x38;
	[tilespmem:$0xE010] =	vst v63  }
0x6b: {  	_ =	swait.ge [sflag:s8], $0x200  }
0x6c: {  	[sflag:s8] =	ssyncset.done $0x0  }
0x6d: {  	s31 =	simm.s32 $0x2400;
	s7 =	rddreg [dreg:$0x16];
	[sflag:s8] =	ssyncadd.s32 $0xFFFFFE00  }
0x6e: {  	[tilespmem:s31], [sflag:$0x3] =	stream.linear.gather [hbm4b:s7+s2], $0x200, $0x38;
	[tilespmem:$0xE010] =	vst v63  }
0x6f: {  	_ =	swait.ge [sflag:s8], $0x200  }
0x70: {  	[sflag:s8] =	ssyncset.done $0x0  }
0x71: {  	s31 =	simm.s32 $0x2600;
	s7 =	rddreg [dreg:$0x17];
	[sflag:s8] =	ssyncadd.s32 $0xFFFFFE00  }
0x72: {  	[tilespmem:s31], [sflag:$0x3] =	stream.linear.gather [hbm4b:s7+s2], $0x200, $0x38;
	[tilespmem:$0xE010] =	vst v63  }
0x73: {  	_ =	swait.ge [sflag:s8], $0x200  }
0x74: {  	[sflag:s8] =	ssyncset.done $0x0  }
0x75: {  	s31 =	simm.s32 $0x2800;
	s7 =	rddreg [dreg:$0x18];
	[sflag:s8] =	ssyncadd.s32 $0xFFFFFE00  }
0x76: {  	[tilespmem:s31], [sflag:$0x3] =	stream.linear.gather [hbm4b:s7+s2], $0x200, $0x38;
	[tilespmem:$0xE010] =	vst v63  }
0x77: {  	_ =	swait.ge [sflag:s8], $0x200  }
0x78: {  	[sflag:s8] =	ssyncset.done $0x0  }
0x79: {  	s31 =	simm.s32 $0x2A00;
	s7 =	rddreg [dreg:$0x19];
	[sflag:s8] =	ssyncadd.s32 $0xFFFFFE00  }
0x7a: {  	[tilespmem:s31], [sflag:$0x3] =	stream.linear.gather [hbm4b:s7+s2], $0x200, $0x38;
	[tilespmem:$0xE010] =	vst v63  }
0x7b: {  	_ =	swait.ge [sflag:s8], $0x200  }
0x7c: {  	[sflag:s8] =	ssyncset.done $0x0  }
0x7d: {  	s31 =	simm.s32 $0x2C00;
	s7 =	rddreg [dreg:$0x1a];
	[sflag:s8] =	ssyncadd.s32 $0xFFFFFE00  }
0x7e: {  	[tilespmem:s31], [sflag:$0x3] =	stream.linear.gather [hbm4b:s7+s2], $0x200, $0x38;
	[tilespmem:$0xE010] =	vst v63  }
0x7f: {  	_ =	swait.ge [sflag:s8], $0x200  }
0x80: {  	[sflag:s8] =	ssyncset.done $0x0  }
0x81: {  	s31 =	simm.s32 $0x2E00;
	s7 =	rddreg [dreg:$0x1b];
	[sflag:s8] =	ssyncadd.s32 $0xFFFFFE00  }
0x82: {  	[tilespmem:s31], [sflag:$0x3] =	stream.linear.gather [hbm4b:s7+s2], $0x200, $0x38;
	[tilespmem:$0xE010] =	vst v63  }
0x83: {  	_ =	swait.ge [sflag:s8], $0x200  }
0x84: {  	[sflag:s8] =	ssyncset.done $0x0  }
0x85: {  	s31 =	simm.s32 $0x3000;
	s7 =	rddreg [dreg:$0x1c];
	[sflag:s8] =	ssyncadd.s32 $0xFFFFFE00  }
0x86: {  	[tilespmem:s31], [sflag:$0x3] =	stream.linear.gather [hbm4b:s7+s2], $0x200, $0x38;
	[tilespmem:$0xE010] =	vst v63  }
0x87: {  	_ =	swait.ge [sflag:s8], $0x200  }
0x88: {  	[sflag:s8] =	ssyncset.done $0x0  }
0x89: {  	s31 =	simm.s32 $0x3200;
	s7 =	rddreg [dreg:$0x1d];
	[sflag:s8] =	ssyncadd.s32 $0xFFFFFE00  }
0x8a: {  	[tilespmem:s31], [sflag:$0x3] =	stream.linear.gather [hbm4b:s7+s2], $0x200, $0x38;
	[tilespmem:$0xE010] =	vst v63  }
0x8b: {  	_ =	swait.ge [sflag:s8], $0x200  }
0x8c: {  	[sflag:s8] =	ssyncset.done $0x0  }
0x8d: {  	v3 =	vadd.s32 s2, v0;
	[sflag:s8] =	ssyncadd.s32 $0xFFFFFE00  }
0x8e: {  	s1 =	simm.s32 $0x0;
	v3 =	vand.u32 $0x7FF8, v3;
	s0 =	simm.s32 $0x1A0;
	v2 =	vld [tilespmem:s2+$0x0]  }
.LBB2_2:
0x8f: {  	p0 =	sne.s32 s0, $0x3260;
	v3 =	vor.u32 v1, v3;
	_ =	sdelay $0x2  }
.Ltmp0:
0x90: {  	(pc) =	sbr.rel @p0 .LBB2_2-.Ltmp0, $4  }
0x91: {  	v4 =	vshll.u32 v2, $0x3  }
0x92: {  	[tilespmem:v3+s9+$0x0] =	vst.idx.msk $0xffff, v4  }
0x93: {  	s1 =	sadd.s32 $0x10, s1;
	v4 =	vadd.s32 s0, v0;
	[tilespmem:v3+s10+$0x0] =	vst.idx.msk $0xffff, v2  }
0x94: {  	s0 =	sadd.s32 $0x1A0, s0;
	v3 =	vand.u32 $0x7FF8, v4;
	v2 =	vld [tilespmem:s1+$0x0]  }
0x95: {  	v3 =	vor.u32 v1, v3;
	_ =	sdelay $0x3  }
0x96: {  	v4 =	vshll.u32 v2, $0x3  }
0x97: {  	[tilespmem:v3+s9+$0x0] =	vst.idx.msk $0xffff, v4  }
0x98: {  	s0 =	simm.s32 $0x200;
	[tilespmem:v3+s10+$0x0] =	vst.idx.msk $0xffff, v2  }
0x99: {  	v2 =	vld [tilespmem:s0+$0x0]  }
0x9a: {  	s1 =	simm.s32 $0x1;
	s7 =	simm.s32 $0x1A1  }
.LBB2_4:
0x9b: {  	p0 =	sne.s32 s7, $0x3261;
	v3 =	vadd.s32 s1, v0;
	s1 =	smov.u32 s7;
	_ =	sdelay $0x2  }
0x9c: {  	v4 =	vshll.u32 v2, $0x3;
	v2 =	vadd.s32 $0x1A000, v2  }
.Ltmp1:
0x9d: {  	v4 =	vor.u32 $0x1, v4;
	(pc) =	sbr.rel @p0 .LBB2_4-.Ltmp1, $4  }
0x9e: {  	[tilespmem:v3+s9+$0x0] =	vst.idx.msk $0xffff, v4  }
0x9f: {  	s0 =	sadd.s32 $0x10, s0;
	[tilespmem:v3+s10+$0x0] =	vst.idx.msk $0xffff, v2  }
0xa0: {  	v2 =	vld [tilespmem:s0+$0x0]  }
0xa1: {  	s7 =	sadd.s32 $0x1A0, s7  }
0xa2: {  	v3 =	vadd.s32 s1, v0;
	_ =	sdelay $0x2  }
0xa3: {  	v4 =	vshll.u32 v2, $0x3  }
0xa4: {  	v4 =	vor.u32 $0x1, v4  }
0xa5: {  	v2 =	vadd.s32 $0x1A000, v2;
	[tilespmem:v3+s9+$0x0] =	vst.idx.msk $0xffff, v4  }
0xa6: {  	s0 =	simm.s32 $0x400;
	[tilespmem:v3+s10+$0x0] =	vst.idx.msk $0xffff, v2  }
0xa7: {  	v2 =	vld [tilespmem:s0+$0x0]  }
0xa8: {  	s1 =	simm.s32 $0x2;
	s7 =	simm.s32 $0x1A2  }
.LBB2_6:
0xa9: {  	p0 =	sne.s32 s7, $0x3262;
	v3 =	vadd.s32 s1, v0;
	s1 =	smov.u32 s7;
	_ =	sdelay $0x2  }
0xaa: {  	v4 =	vshll.u32 v2, $0x3;
	v2 =	vadd.s32 $0x34000, v2  }
.Ltmp2:
0xab: {  	v4 =	vor.u32 $0x2, v4;
	(pc) =	sbr.rel @p0 .LBB2_6-.Ltmp2, $4  }
0xac: {  	[tilespmem:v3+s9+$0x0] =	vst.idx.msk $0xffff, v4  }
0xad: {  	s0 =	sadd.s32 $0x10, s0;
	[tilespmem:v3+s10+$0x0] =	vst.idx.msk $0xffff, v2  }
0xae: {  	v2 =	vld [tilespmem:s0+$0x0]  }
0xaf: {  	s7 =	sadd.s32 $0x1A0, s7  }
0xb0: {  	v3 =	vadd.s32 s1, v0;
	_ =	sdelay $0x2  }
0xb1: {  	v4 =	vshll.u32 v2, $0x3  }
0xb2: {  	v4 =	vor.u32 $0x2, v4  }
0xb3: {  	v2 =	vadd.s32 $0x34000, v2;
	[tilespmem:v3+s9+$0x0] =	vst.idx.msk $0xffff, v4  }
0xb4: {  	s0 =	simm.s32 $0x600;
	[tilespmem:v3+s10+$0x0] =	vst.idx.msk $0xffff, v2  }
0xb5: {  	v2 =	vld [tilespmem:s0+$0x0]  }
0xb6: {  	s1 =	simm.s32 $0x3;
	s7 =	simm.s32 $0x1A3  }
.LBB2_8:
0xb7: {  	p0 =	sne.s32 s7, $0x3263;
	v3 =	vadd.s32 s1, v0;
	s1 =	smov.u32 s7;
	_ =	sdelay $0x2  }
0xb8: {  	v4 =	vshll.u32 v2, $0x3;
	v2 =	vadd.s32 $0x4E000, v2  }
.Ltmp3:
0xb9: {  	v4 =	vor.u32 $0x3, v4;
	(pc) =	sbr.rel @p0 .LBB2_8-.Ltmp3, $4  }
0xba: {  	[tilespmem:v3+s9+$0x0] =	vst.idx.msk $0xffff, v4  }
0xbb: {  	s0 =	sadd.s32 $0x10, s0;
	[tilespmem:v3+s10+$0x0] =	vst.idx.msk $0xffff, v2  }
0xbc: {  	v2 =	vld [tilespmem:s0+$0x0]  }
0xbd: {  	s7 =	sadd.s32 $0x1A0, s7  }
0xbe: {  	v3 =	vadd.s32 s1, v0;
	_ =	sdelay $0x2  }
0xbf: {  	v4 =	vshll.u32 v2, $0x3  }
0xc0: {  	v4 =	vor.u32 $0x3, v4  }
0xc1: {  	v2 =	vadd.s32 $0x4E000, v2;
	[tilespmem:v3+s9+$0x0] =	vst.idx.msk $0xffff, v4  }
0xc2: {  	s0 =	simm.s32 $0x800;
	[tilespmem:v3+s10+$0x0] =	vst.idx.msk $0xffff, v2  }
0xc3: {  	v2 =	vld [tilespmem:s0+$0x0]  }
0xc4: {  	s1 =	simm.s32 $0x4;
	s7 =	simm.s32 $0x1A4  }
.LBB2_10:
0xc5: {  	p0 =	sne.s32 s7, $0x3264;
	v3 =	vadd.s32 s1, v0;
	s1 =	smov.u32 s7;
	_ =	sdelay $0x2  }
0xc6: {  	v4 =	vshll.u32 v2, $0x3;
	v2 =	vadd.s32 $0x68000, v2  }
.Ltmp4:
0xc7: {  	v4 =	vor.u32 $0x4, v4;
	(pc) =	sbr.rel @p0 .LBB2_10-.Ltmp4, $4  }
0xc8: {  	[tilespmem:v3+s9+$0x0] =	vst.idx.msk $0xffff, v4  }
0xc9: {  	s0 =	sadd.s32 $0x10, s0;
	[tilespmem:v3+s10+$0x0] =	vst.idx.msk $0xffff, v2  }
0xca: {  	v2 =	vld [tilespmem:s0+$0x0]  }
0xcb: {  	s7 =	sadd.s32 $0x1A0, s7  }
0xcc: {  	v3 =	vadd.s32 s1, v0;
	_ =	sdelay $0x2  }
0xcd: {  	v4 =	vshll.u32 v2, $0x3  }
0xce: {  	v4 =	vor.u32 $0x4, v4  }
0xcf: {  	v2 =	vadd.s32 $0x68000, v2;
	[tilespmem:v3+s9+$0x0] =	vst.idx.msk $0xffff, v4  }
0xd0: {  	s0 =	simm.s32 $0xA00;
	[tilespmem:v3+s10+$0x0] =	vst.idx.msk $0xffff, v2  }
0xd1: {  	v2 =	vld [tilespmem:s0+$0x0]  }
0xd2: {  	s1 =	simm.s32 $0x5;
	s7 =	simm.s32 $0x1A5  }
.LBB2_12:
0xd3: {  	p0 =	sne.s32 s7, $0x3265;
	v3 =	vadd.s32 s1, v0;
	s1 =	smov.u32 s7;
	_ =	sdelay $0x2  }
0xd4: {  	v4 =	vshll.u32 v2, $0x3;
	v2 =	vadd.s32 $0x82000, v2  }
.Ltmp5:
0xd5: {  	v4 =	vor.u32 $0x5, v4;
	(pc) =	sbr.rel @p0 .LBB2_12-.Ltmp5, $4  }
0xd6: {  	[tilespmem:v3+s9+$0x0] =	vst.idx.msk $0xffff, v4  }
0xd7: {  	s0 =	sadd.s32 $0x10, s0;
	[tilespmem:v3+s10+$0x0] =	vst.idx.msk $0xffff, v2  }
0xd8: {  	v2 =	vld [tilespmem:s0+$0x0]  }
0xd9: {  	s7 =	sadd.s32 $0x1A0, s7  }
0xda: {  	v3 =	vadd.s32 s1, v0;
	_ =	sdelay $0x2  }
0xdb: {  	v4 =	vshll.u32 v2, $0x3  }
0xdc: {  	v4 =	vor.u32 $0x5, v4  }
0xdd: {  	v2 =	vadd.s32 $0x82000, v2;
	[tilespmem:v3+s9+$0x0] =	vst.idx.msk $0xffff, v4  }
0xde: {  	s0 =	simm.s32 $0xC00;
	[tilespmem:v3+s10+$0x0] =	vst.idx.msk $0xffff, v2  }
0xdf: {  	v2 =	vld [tilespmem:s0+$0x0]  }
0xe0: {  	s1 =	simm.s32 $0x6;
	s7 =	simm.s32 $0x1A6  }
.LBB2_14:
0xe1: {  	p0 =	sne.s32 s7, $0x3266;
	v3 =	vadd.s32 s1, v0;
	s1 =	smov.u32 s7;
	_ =	sdelay $0x2  }
0xe2: {  	v4 =	vshll.u32 v2, $0x3;
	v2 =	vadd.s32 $0x9C000, v2  }
.Ltmp6:
0xe3: {  	v4 =	vor.u32 $0x6, v4;
	(pc) =	sbr.rel @p0 .LBB2_14-.Ltmp6, $4  }
0xe4: {  	[tilespmem:v3+s9+$0x0] =	vst.idx.msk $0xffff, v4  }
0xe5: {  	s0 =	sadd.s32 $0x10, s0;
	[tilespmem:v3+s10+$0x0] =	vst.idx.msk $0xffff, v2  }
0xe6: {  	v2 =	vld [tilespmem:s0+$0x0]  }
0xe7: {  	s7 =	sadd.s32 $0x1A0, s7  }
0xe8: {  	v3 =	vadd.s32 s1, v0;
	_ =	sdelay $0x2  }
0xe9: {  	v4 =	vshll.u32 v2, $0x3  }
0xea: {  	v4 =	vor.u32 $0x6, v4  }
0xeb: {  	v2 =	vadd.s32 $0x9C000, v2;
	[tilespmem:v3+s9+$0x0] =	vst.idx.msk $0xffff, v4  }
0xec: {  	s0 =	simm.s32 $0xE00;
	[tilespmem:v3+s10+$0x0] =	vst.idx.msk $0xffff, v2  }
0xed: {  	v2 =	vld [tilespmem:s0+$0x0]  }
0xee: {  	s1 =	simm.s32 $0x7;
	s7 =	simm.s32 $0x1A7  }
.LBB2_16:
0xef: {  	p0 =	sne.s32 s7, $0x3267;
	v3 =	vadd.s32 s1, v0;
	s1 =	smov.u32 s7;
	_ =	sdelay $0x2  }
0xf0: {  	v4 =	vshll.u32 v2, $0x3;
	v2 =	vadd.s32 $0xB6000, v2  }
.Ltmp7:
0xf1: {  	v4 =	vor.u32 $0x7, v4;
	(pc) =	sbr.rel @p0 .LBB2_16-.Ltmp7, $4  }
0xf2: {  	[tilespmem:v3+s9+$0x0] =	vst.idx.msk $0xffff, v4  }
0xf3: {  	s0 =	sadd.s32 $0x10, s0;
	[tilespmem:v3+s10+$0x0] =	vst.idx.msk $0xffff, v2  }
0xf4: {  	v2 =	vld [tilespmem:s0+$0x0]  }
0xf5: {  	s7 =	sadd.s32 $0x1A0, s7  }
0xf6: {  	v3 =	vadd.s32 s1, v0;
	_ =	sdelay $0x2  }
0xf7: {  	v4 =	vshll.u32 v2, $0x3  }
0xf8: {  	v4 =	vor.u32 $0x7, v4  }
0xf9: {  	v2 =	vadd.s32 $0xB6000, v2;
	[tilespmem:v3+s9+$0x0] =	vst.idx.msk $0xffff, v4  }
0xfa: {  	s31 =	simm.s32 $0x8;
	s0 =	simm.s32 $0x1000;
	[tilespmem:v3+s10+$0x0] =	vst.idx.msk $0xffff, v2  }
0xfb: {  	v3 =	vadd.s32 s31, v0;
	v2 =	vld [tilespmem:s0+$0x0]  }
0xfc: {  	s1 =	simm.s32 $0x1A8;
	v3 =	vand.u32 $0x7FF8, v3  }
.LBB2_18:
0xfd: {  	p0 =	sne.s32 s1, $0x3268;
	v3 =	vor.u32 v1, v3;
	_ =	sdelay $0x2  }
0xfe: {  	v4 =	vshll.u32 v2, $0x3;
	v2 =	vadd.s32 $0xD0000, v2  }
.Ltmp8:
0xff: {  	v4 =	vadd.s32 $0xD0000, v4;
	(pc) =	sbr.rel @p0 .LBB2_18-.Ltmp8, $4  }
0x100: {  	[tilespmem:v3+s9+$0x0] =	vst.idx.msk $0xffff, v4  }
0x101: {  	s0 =	sadd.s32 $0x10, s0;
	[tilespmem:v3+s10+$0x0] =	vst.idx.msk $0xffff, v2  }
0x102: {  	v3 =	vadd.s32 s1, v0;
	v2 =	vld [tilespmem:s0+$0x0]  }
0x103: {  	s1 =	sadd.s32 $0x1A0, s1;
	v3 =	vand.u32 $0x7FF8, v3  }
0x104: {  	v3 =	vor.u32 v1, v3;
	_ =	sdelay $0x2  }
0x105: {  	v4 =	vshll.u32 v2, $0x3  }
0x106: {  	v4 =	vadd.s32 $0xD0000, v4  }
0x107: {  	v2 =	vadd.s32 $0xD0000, v2;
	[tilespmem:v3+s9+$0x0] =	vst.idx.msk $0xffff, v4  }
0x108: {  	s0 =	simm.s32 $0x1200;
	[tilespmem:v3+s10+$0x0] =	vst.idx.msk $0xffff, v2  }
0x109: {  	v2 =	vld [tilespmem:s0+$0x0]  }
0x10a: {  	s1 =	simm.s32 $0x9;
	s7 =	simm.s32 $0x1A9  }
.LBB2_20:
0x10b: {  	p0 =	sne.s32 s7, $0x3269;
	v3 =	vadd.s32 s1, v0;
	s1 =	smov.u32 s7;
	_ =	sdelay $0x2  }
0x10c: {  	v4 =	vshll.u32 v2, $0x3;
	v2 =	vadd.s32 $0xEA000, v2  }
.Ltmp9:
0x10d: {  	v4 =	vadd.s32 $0xD0001, v4;
	(pc) =	sbr.rel @p0 .LBB2_20-.Ltmp9, $4  }
0x10e: {  	[tilespmem:v3+s9+$0x0] =	vst.idx.msk $0xffff, v4  }
0x10f: {  	s0 =	sadd.s32 $0x10, s0;
	[tilespmem:v3+s10+$0x0] =	vst.idx.msk $0xffff, v2  }
0x110: {  	v2 =	vld [tilespmem:s0+$0x0]  }
0x111: {  	s7 =	sadd.s32 $0x1A0, s7  }
0x112: {  	v3 =	vadd.s32 s1, v0;
	_ =	sdelay $0x2  }
0x113: {  	v4 =	vshll.u32 v2, $0x3  }
0x114: {  	v4 =	vadd.s32 $0xD0001, v4  }
0x115: {  	v2 =	vadd.s32 $0xEA000, v2;
	[tilespmem:v3+s9+$0x0] =	vst.idx.msk $0xffff, v4  }
0x116: {  	s0 =	simm.s32 $0x1400;
	[tilespmem:v3+s10+$0x0] =	vst.idx.msk $0xffff, v2  }
0x117: {  	v2 =	vld [tilespmem:s0+$0x0]  }
0x118: {  	s1 =	simm.s32 $0xA;
	s7 =	simm.s32 $0x1AA  }
.LBB2_22:
0x119: {  	p0 =	sne.s32 s7, $0x326A;
	v3 =	vadd.s32 s1, v0;
	s1 =	smov.u32 s7;
	_ =	sdelay $0x2  }
0x11a: {  	v4 =	vshll.u32 v2, $0x3;
	v2 =	vadd.s32 $0x104000, v2  }
.Ltmp10:
0x11b: {  	v4 =	vadd.s32 $0xD0002, v4;
	(pc) =	sbr.rel @p0 .LBB2_22-.Ltmp10, $4  }
0x11c: {  	[tilespmem:v3+s9+$0x0] =	vst.idx.msk $0xffff, v4  }
0x11d: {  	s0 =	sadd.s32 $0x10, s0;
	[tilespmem:v3+s10+$0x0] =	vst.idx.msk $0xffff, v2  }
0x11e: {  	v2 =	vld [tilespmem:s0+$0x0]  }
0x11f: {  	s7 =	sadd.s32 $0x1A0, s7  }
0x120: {  	v3 =	vadd.s32 s1, v0;
	_ =	sdelay $0x2  }
0x121: {  	v4 =	vshll.u32 v2, $0x3  }
0x122: {  	v4 =	vadd.s32 $0xD0002, v4  }
0x123: {  	v2 =	vadd.s32 $0x104000, v2;
	[tilespmem:v3+s9+$0x0] =	vst.idx.msk $0xffff, v4  }
0x124: {  	s0 =	simm.s32 $0x1600;
	[tilespmem:v3+s10+$0x0] =	vst.idx.msk $0xffff, v2  }
0x125: {  	v2 =	vld [tilespmem:s0+$0x0]  }
0x126: {  	s1 =	simm.s32 $0xB;
	s7 =	simm.s32 $0x1AB  }
.LBB2_24:
0x127: {  	p0 =	sne.s32 s7, $0x326B;
	v3 =	vadd.s32 s1, v0;
	s1 =	smov.u32 s7;
	_ =	sdelay $0x2  }
0x128: {  	v4 =	vshll.u32 v2, $0x3;
	v2 =	vadd.s32 $0x11E000, v2  }
.Ltmp11:
0x129: {  	v4 =	vadd.s32 $0xD0003, v4;
	(pc) =	sbr.rel @p0 .LBB2_24-.Ltmp11, $4  }
0x12a: {  	[tilespmem:v3+s9+$0x0] =	vst.idx.msk $0xffff, v4  }
0x12b: {  	s0 =	sadd.s32 $0x10, s0;
	[tilespmem:v3+s10+$0x0] =	vst.idx.msk $0xffff, v2  }
0x12c: {  	v2 =	vld [tilespmem:s0+$0x0]  }
0x12d: {  	s7 =	sadd.s32 $0x1A0, s7  }
0x12e: {  	v3 =	vadd.s32 s1, v0;
	_ =	sdelay $0x2  }
0x12f: {  	v4 =	vshll.u32 v2, $0x3  }
0x130: {  	v4 =	vadd.s32 $0xD0003, v4  }
0x131: {  	v2 =	vadd.s32 $0x11E000, v2;
	[tilespmem:v3+s9+$0x0] =	vst.idx.msk $0xffff, v4  }
0x132: {  	s0 =	simm.s32 $0x1800;
	[tilespmem:v3+s10+$0x0] =	vst.idx.msk $0xffff, v2  }
0x133: {  	v2 =	vld [tilespmem:s0+$0x0]  }
0x134: {  	s1 =	simm.s32 $0xC;
	s7 =	simm.s32 $0x1AC  }
.LBB2_26:
0x135: {  	p0 =	sne.s32 s7, $0x326C;
	v3 =	vadd.s32 s1, v0;
	s1 =	smov.u32 s7;
	_ =	sdelay $0x2  }
0x136: {  	v4 =	vshll.u32 v2, $0x3;
	v2 =	vadd.s32 $0x138000, v2  }
.Ltmp12:
0x137: {  	v4 =	vadd.s32 $0xD0004, v4;
	(pc) =	sbr.rel @p0 .LBB2_26-.Ltmp12, $4  }
0x138: {  	[tilespmem:v3+s9+$0x0] =	vst.idx.msk $0xffff, v4  }
0x139: {  	s0 =	sadd.s32 $0x10, s0;
	[tilespmem:v3+s10+$0x0] =	vst.idx.msk $0xffff, v2  }
0x13a: {  	v2 =	vld [tilespmem:s0+$0x0]  }
0x13b: {  	s7 =	sadd.s32 $0x1A0, s7  }
0x13c: {  	v3 =	vadd.s32 s1, v0;
	_ =	sdelay $0x2  }
0x13d: {  	v4 =	vshll.u32 v2, $0x3  }
0x13e: {  	v4 =	vadd.s32 $0xD0004, v4  }
0x13f: {  	v2 =	vadd.s32 $0x138000, v2;
	[tilespmem:v3+s9+$0x0] =	vst.idx.msk $0xffff, v4  }
0x140: {  	s0 =	simm.s32 $0x1A00;
	[tilespmem:v3+s10+$0x0] =	vst.idx.msk $0xffff, v2  }
0x141: {  	v2 =	vld [tilespmem:s0+$0x0]  }
0x142: {  	s1 =	simm.s32 $0xD;
	s7 =	simm.s32 $0x1AD  }
.LBB2_28:
0x143: {  	p0 =	sne.s32 s7, $0x326D;
	v3 =	vadd.s32 s1, v0;
	s1 =	smov.u32 s7;
	_ =	sdelay $0x2  }
0x144: {  	v4 =	vshll.u32 v2, $0x3;
	v2 =	vadd.s32 $0x152000, v2  }
.Ltmp13:
0x145: {  	v4 =	vadd.s32 $0xD0005, v4;
	(pc) =	sbr.rel @p0 .LBB2_28-.Ltmp13, $4  }
0x146: {  	[tilespmem:v3+s9+$0x0] =	vst.idx.msk $0xffff, v4  }
0x147: {  	s0 =	sadd.s32 $0x10, s0;
	[tilespmem:v3+s10+$0x0] =	vst.idx.msk $0xffff, v2  }
0x148: {  	v2 =	vld [tilespmem:s0+$0x0]  }
0x149: {  	s7 =	sadd.s32 $0x1A0, s7  }
0x14a: {  	v3 =	vadd.s32 s1, v0;
	_ =	sdelay $0x2  }
0x14b: {  	v4 =	vshll.u32 v2, $0x3  }
0x14c: {  	v4 =	vadd.s32 $0xD0005, v4  }
0x14d: {  	v2 =	vadd.s32 $0x152000, v2;
	[tilespmem:v3+s9+$0x0] =	vst.idx.msk $0xffff, v4  }
0x14e: {  	s0 =	simm.s32 $0x1C00;
	[tilespmem:v3+s10+$0x0] =	vst.idx.msk $0xffff, v2  }
0x14f: {  	v2 =	vld [tilespmem:s0+$0x0]  }
0x150: {  	s1 =	simm.s32 $0xE;
	s7 =	simm.s32 $0x1AE  }
.LBB2_30:
0x151: {  	p0 =	sne.s32 s7, $0x326E;
	v3 =	vadd.s32 s1, v0;
	s1 =	smov.u32 s7;
	_ =	sdelay $0x2  }
0x152: {  	v4 =	vshll.u32 v2, $0x3;
	v2 =	vadd.s32 $0x16C000, v2  }
.Ltmp14:
0x153: {  	v4 =	vadd.s32 $0xD0006, v4;
	(pc) =	sbr.rel @p0 .LBB2_30-.Ltmp14, $4  }
0x154: {  	[tilespmem:v3+s9+$0x0] =	vst.idx.msk $0xffff, v4  }
0x155: {  	s0 =	sadd.s32 $0x10, s0;
	[tilespmem:v3+s10+$0x0] =	vst.idx.msk $0xffff, v2  }
0x156: {  	v2 =	vld [tilespmem:s0+$0x0]  }
0x157: {  	s7 =	sadd.s32 $0x1A0, s7  }
0x158: {  	v3 =	vadd.s32 s1, v0;
	_ =	sdelay $0x2  }
0x159: {  	v4 =	vshll.u32 v2, $0x3  }
0x15a: {  	v4 =	vadd.s32 $0xD0006, v4  }
0x15b: {  	v2 =	vadd.s32 $0x16C000, v2;
	[tilespmem:v3+s9+$0x0] =	vst.idx.msk $0xffff, v4  }
0x15c: {  	s0 =	simm.s32 $0x1E00;
	[tilespmem:v3+s10+$0x0] =	vst.idx.msk $0xffff, v2  }
0x15d: {  	v2 =	vld [tilespmem:s0+$0x0]  }
0x15e: {  	s1 =	simm.s32 $0xF;
	s7 =	simm.s32 $0x1AF  }
.LBB2_32:
0x15f: {  	p0 =	sne.s32 s7, $0x326F;
	v3 =	vadd.s32 s1, v0;
	s1 =	smov.u32 s7;
	_ =	sdelay $0x2  }
0x160: {  	v4 =	vshll.u32 v2, $0x3;
	v2 =	vadd.s32 $0x186000, v2  }
.Ltmp15:
0x161: {  	v4 =	vadd.s32 $0xD0007, v4;
	(pc) =	sbr.rel @p0 .LBB2_32-.Ltmp15, $4  }
0x162: {  	[tilespmem:v3+s9+$0x0] =	vst.idx.msk $0xffff, v4  }
0x163: {  	s0 =	sadd.s32 $0x10, s0;
	[tilespmem:v3+s10+$0x0] =	vst.idx.msk $0xffff, v2  }
0x164: {  	v2 =	vld [tilespmem:s0+$0x0]  }
0x165: {  	s7 =	sadd.s32 $0x1A0, s7  }
0x166: {  	v3 =	vadd.s32 s1, v0;
	_ =	sdelay $0x2  }
0x167: {  	v4 =	vshll.u32 v2, $0x3  }
0x168: {  	v4 =	vadd.s32 $0xD0007, v4  }
0x169: {  	v2 =	vadd.s32 $0x186000, v2;
	[tilespmem:v3+s9+$0x0] =	vst.idx.msk $0xffff, v4  }
0x16a: {  	s31 =	simm.s32 $0x10;
	s0 =	simm.s32 $0x2000;
	[tilespmem:v3+s10+$0x0] =	vst.idx.msk $0xffff, v2  }
0x16b: {  	v3 =	vadd.s32 s31, v0;
	v2 =	vld [tilespmem:s0+$0x0]  }
0x16c: {  	s1 =	simm.s32 $0x1B0;
	v3 =	vand.u32 $0x7FF8, v3  }
.LBB2_34:
0x16d: {  	p0 =	sne.s32 s1, $0x3270;
	v3 =	vor.u32 v1, v3;
	_ =	sdelay $0x2  }
0x16e: {  	v4 =	vshll.u32 v2, $0x3;
	v2 =	vadd.s32 $0x1A0000, v2  }
.Ltmp16:
0x16f: {  	v4 =	vadd.s32 $0x1A0000, v4;
	(pc) =	sbr.rel @p0 .LBB2_34-.Ltmp16, $4  }
0x170: {  	[tilespmem:v3+s9+$0x0] =	vst.idx.msk $0xffff, v4  }
0x171: {  	s0 =	sadd.s32 $0x10, s0;
	[tilespmem:v3+s10+$0x0] =	vst.idx.msk $0xffff, v2  }
0x172: {  	v3 =	vadd.s32 s1, v0;
	v2 =	vld [tilespmem:s0+$0x0]  }
0x173: {  	s1 =	sadd.s32 $0x1A0, s1;
	v3 =	vand.u32 $0x7FF8, v3  }
0x174: {  	v3 =	vor.u32 v1, v3;
	_ =	sdelay $0x2  }
0x175: {  	v4 =	vshll.u32 v2, $0x3  }
0x176: {  	v4 =	vadd.s32 $0x1A0000, v4  }
0x177: {  	v2 =	vadd.s32 $0x1A0000, v2;
	[tilespmem:v3+s9+$0x0] =	vst.idx.msk $0xffff, v4  }
0x178: {  	s0 =	simm.s32 $0x2200;
	[tilespmem:v3+s10+$0x0] =	vst.idx.msk $0xffff, v2  }
0x179: {  	v2 =	vld [tilespmem:s0+$0x0]  }
0x17a: {  	s1 =	simm.s32 $0x11;
	s7 =	simm.s32 $0x1B1  }
.LBB2_36:
0x17b: {  	p0 =	sne.s32 s7, $0x3271;
	v3 =	vadd.s32 s1, v0;
	s1 =	smov.u32 s7;
	_ =	sdelay $0x2  }
0x17c: {  	v4 =	vshll.u32 v2, $0x3;
	v2 =	vadd.s32 $0x1BA000, v2  }
.Ltmp17:
0x17d: {  	v4 =	vadd.s32 $0x1A0001, v4;
	(pc) =	sbr.rel @p0 .LBB2_36-.Ltmp17, $4  }
0x17e: {  	[tilespmem:v3+s9+$0x0] =	vst.idx.msk $0xffff, v4  }
0x17f: {  	s0 =	sadd.s32 $0x10, s0;
	[tilespmem:v3+s10+$0x0] =	vst.idx.msk $0xffff, v2  }
0x180: {  	v2 =	vld [tilespmem:s0+$0x0]  }
0x181: {  	s7 =	sadd.s32 $0x1A0, s7  }
0x182: {  	v3 =	vadd.s32 s1, v0;
	_ =	sdelay $0x2  }
0x183: {  	v4 =	vshll.u32 v2, $0x3  }
0x184: {  	v4 =	vadd.s32 $0x1A0001, v4  }
0x185: {  	v2 =	vadd.s32 $0x1BA000, v2;
	[tilespmem:v3+s9+$0x0] =	vst.idx.msk $0xffff, v4  }
0x186: {  	s0 =	simm.s32 $0x2400;
	[tilespmem:v3+s10+$0x0] =	vst.idx.msk $0xffff, v2  }
0x187: {  	v2 =	vld [tilespmem:s0+$0x0]  }
0x188: {  	s1 =	simm.s32 $0x12;
	s7 =	simm.s32 $0x1B2  }
.LBB2_38:
0x189: {  	p0 =	sne.s32 s7, $0x3272;
	v3 =	vadd.s32 s1, v0;
	s1 =	smov.u32 s7;
	_ =	sdelay $0x2  }
0x18a: {  	v4 =	vshll.u32 v2, $0x3;
	v2 =	vadd.s32 $0x1D4000, v2  }
.Ltmp18:
0x18b: {  	v4 =	vadd.s32 $0x1A0002, v4;
	(pc) =	sbr.rel @p0 .LBB2_38-.Ltmp18, $4  }
0x18c: {  	[tilespmem:v3+s9+$0x0] =	vst.idx.msk $0xffff, v4  }
0x18d: {  	s0 =	sadd.s32 $0x10, s0;
	[tilespmem:v3+s10+$0x0] =	vst.idx.msk $0xffff, v2  }
0x18e: {  	v2 =	vld [tilespmem:s0+$0x0]  }
0x18f: {  	s7 =	sadd.s32 $0x1A0, s7  }
0x190: {  	v3 =	vadd.s32 s1, v0;
	_ =	sdelay $0x2  }
0x191: {  	v4 =	vshll.u32 v2, $0x3  }
0x192: {  	v4 =	vadd.s32 $0x1A0002, v4  }
0x193: {  	v2 =	vadd.s32 $0x1D4000, v2;
	[tilespmem:v3+s9+$0x0] =	vst.idx.msk $0xffff, v4  }
0x194: {  	s0 =	simm.s32 $0x2600;
	[tilespmem:v3+s10+$0x0] =	vst.idx.msk $0xffff, v2  }
0x195: {  	v2 =	vld [tilespmem:s0+$0x0]  }
0x196: {  	s1 =	simm.s32 $0x13;
	s7 =	simm.s32 $0x1B3  }
.LBB2_40:
0x197: {  	p0 =	sne.s32 s7, $0x3273;
	v3 =	vadd.s32 s1, v0;
	s1 =	smov.u32 s7;
	_ =	sdelay $0x2  }
0x198: {  	v4 =	vshll.u32 v2, $0x3;
	v2 =	vadd.s32 $0x1EE000, v2  }
.Ltmp19:
0x199: {  	v4 =	vadd.s32 $0x1A0003, v4;
	(pc) =	sbr.rel @p0 .LBB2_40-.Ltmp19, $4  }
0x19a: {  	[tilespmem:v3+s9+$0x0] =	vst.idx.msk $0xffff, v4  }
0x19b: {  	s0 =	sadd.s32 $0x10, s0;
	[tilespmem:v3+s10+$0x0] =	vst.idx.msk $0xffff, v2  }
0x19c: {  	v2 =	vld [tilespmem:s0+$0x0]  }
0x19d: {  	s7 =	sadd.s32 $0x1A0, s7  }
0x19e: {  	v3 =	vadd.s32 s1, v0;
	_ =	sdelay $0x2  }
0x19f: {  	v4 =	vshll.u32 v2, $0x3  }
0x1a0: {  	v4 =	vadd.s32 $0x1A0003, v4  }
0x1a1: {  	v2 =	vadd.s32 $0x1EE000, v2;
	[tilespmem:v3+s9+$0x0] =	vst.idx.msk $0xffff, v4  }
0x1a2: {  	s0 =	simm.s32 $0x2800;
	[tilespmem:v3+s10+$0x0] =	vst.idx.msk $0xffff, v2  }
0x1a3: {  	v2 =	vld [tilespmem:s0+$0x0]  }
0x1a4: {  	s1 =	simm.s32 $0x14;
	s7 =	simm.s32 $0x1B4  }
.LBB2_42:
0x1a5: {  	p0 =	sne.s32 s7, $0x3274;
	v3 =	vadd.s32 s1, v0;
	s1 =	smov.u32 s7;
	_ =	sdelay $0x2  }
0x1a6: {  	v4 =	vshll.u32 v2, $0x3;
	v2 =	vadd.s32 $0x208000, v2  }
.Ltmp20:
0x1a7: {  	v4 =	vadd.s32 $0x1A0004, v4;
	(pc) =	sbr.rel @p0 .LBB2_42-.Ltmp20, $4  }
0x1a8: {  	[tilespmem:v3+s9+$0x0] =	vst.idx.msk $0xffff, v4  }
0x1a9: {  	s0 =	sadd.s32 $0x10, s0;
	[tilespmem:v3+s10+$0x0] =	vst.idx.msk $0xffff, v2  }
0x1aa: {  	v2 =	vld [tilespmem:s0+$0x0]  }
0x1ab: {  	s7 =	sadd.s32 $0x1A0, s7  }
0x1ac: {  	v3 =	vadd.s32 s1, v0;
	_ =	sdelay $0x2  }
0x1ad: {  	v4 =	vshll.u32 v2, $0x3  }
0x1ae: {  	v4 =	vadd.s32 $0x1A0004, v4  }
0x1af: {  	v2 =	vadd.s32 $0x208000, v2;
	[tilespmem:v3+s9+$0x0] =	vst.idx.msk $0xffff, v4  }
0x1b0: {  	s0 =	simm.s32 $0x2A00;
	[tilespmem:v3+s10+$0x0] =	vst.idx.msk $0xffff, v2  }
0x1b1: {  	v2 =	vld [tilespmem:s0+$0x0]  }
0x1b2: {  	s1 =	simm.s32 $0x15;
	s7 =	simm.s32 $0x1B5  }
.LBB2_44:
0x1b3: {  	p0 =	sne.s32 s7, $0x3275;
	v3 =	vadd.s32 s1, v0;
	s1 =	smov.u32 s7;
	_ =	sdelay $0x2  }
0x1b4: {  	v4 =	vshll.u32 v2, $0x3;
	v2 =	vadd.s32 $0x222000, v2  }
.Ltmp21:
0x1b5: {  	v4 =	vadd.s32 $0x1A0005, v4;
	(pc) =	sbr.rel @p0 .LBB2_44-.Ltmp21, $4  }
0x1b6: {  	[tilespmem:v3+s9+$0x0] =	vst.idx.msk $0xffff, v4  }
0x1b7: {  	s0 =	sadd.s32 $0x10, s0;
	[tilespmem:v3+s10+$0x0] =	vst.idx.msk $0xffff, v2  }
0x1b8: {  	v2 =	vld [tilespmem:s0+$0x0]  }
0x1b9: {  	s7 =	sadd.s32 $0x1A0, s7  }
0x1ba: {  	v3 =	vadd.s32 s1, v0;
	_ =	sdelay $0x2  }
0x1bb: {  	v4 =	vshll.u32 v2, $0x3  }
0x1bc: {  	v4 =	vadd.s32 $0x1A0005, v4  }
0x1bd: {  	v2 =	vadd.s32 $0x222000, v2;
	[tilespmem:v3+s9+$0x0] =	vst.idx.msk $0xffff, v4  }
0x1be: {  	s0 =	simm.s32 $0x2C00;
	[tilespmem:v3+s10+$0x0] =	vst.idx.msk $0xffff, v2  }
0x1bf: {  	v2 =	vld [tilespmem:s0+$0x0]  }
0x1c0: {  	s1 =	simm.s32 $0x16;
	s7 =	simm.s32 $0x1B6  }
.LBB2_46:
0x1c1: {  	p0 =	sne.s32 s7, $0x3276;
	v3 =	vadd.s32 s1, v0;
	s1 =	smov.u32 s7;
	_ =	sdelay $0x2  }
0x1c2: {  	v4 =	vshll.u32 v2, $0x3;
	v2 =	vadd.s32 $0x23C000, v2  }
.Ltmp22:
0x1c3: {  	v4 =	vadd.s32 $0x1A0006, v4;
	(pc) =	sbr.rel @p0 .LBB2_46-.Ltmp22, $4  }
0x1c4: {  	[tilespmem:v3+s9+$0x0] =	vst.idx.msk $0xffff, v4  }
0x1c5: {  	s0 =	sadd.s32 $0x10, s0;
	[tilespmem:v3+s10+$0x0] =	vst.idx.msk $0xffff, v2  }
0x1c6: {  	v2 =	vld [tilespmem:s0+$0x0]  }
0x1c7: {  	s7 =	sadd.s32 $0x1A0, s7  }
0x1c8: {  	v3 =	vadd.s32 s1, v0;
	_ =	sdelay $0x2  }
0x1c9: {  	v4 =	vshll.u32 v2, $0x3  }
0x1ca: {  	v4 =	vadd.s32 $0x1A0006, v4  }
0x1cb: {  	v2 =	vadd.s32 $0x23C000, v2;
	[tilespmem:v3+s9+$0x0] =	vst.idx.msk $0xffff, v4  }
0x1cc: {  	s0 =	simm.s32 $0x2E00;
	[tilespmem:v3+s10+$0x0] =	vst.idx.msk $0xffff, v2  }
0x1cd: {  	v2 =	vld [tilespmem:s0+$0x0]  }
0x1ce: {  	s1 =	simm.s32 $0x17;
	s7 =	simm.s32 $0x1B7  }
.LBB2_48:
0x1cf: {  	p0 =	sne.s32 s7, $0x3277;
	v3 =	vadd.s32 s1, v0;
	s1 =	smov.u32 s7;
	_ =	sdelay $0x2  }
0x1d0: {  	v4 =	vshll.u32 v2, $0x3;
	v2 =	vadd.s32 $0x256000, v2  }
.Ltmp23:
0x1d1: {  	v4 =	vadd.s32 $0x1A0007, v4;
	(pc) =	sbr.rel @p0 .LBB2_48-.Ltmp23, $4  }
0x1d2: {  	[tilespmem:v3+s9+$0x0] =	vst.idx.msk $0xffff, v4  }
0x1d3: {  	s0 =	sadd.s32 $0x10, s0;
	[tilespmem:v3+s10+$0x0] =	vst.idx.msk $0xffff, v2  }
0x1d4: {  	v2 =	vld [tilespmem:s0+$0x0]  }
0x1d5: {  	s7 =	sadd.s32 $0x1A0, s7  }
0x1d6: {  	v3 =	vadd.s32 s1, v0;
	_ =	sdelay $0x2  }
0x1d7: {  	v4 =	vshll.u32 v2, $0x3  }
0x1d8: {  	v4 =	vadd.s32 $0x1A0007, v4  }
0x1d9: {  	v2 =	vadd.s32 $0x256000, v2;
	[tilespmem:v3+s9+$0x0] =	vst.idx.msk $0xffff, v4  }
0x1da: {  	s31 =	simm.s32 $0x18;
	s0 =	simm.s32 $0x3000;
	[tilespmem:v3+s10+$0x0] =	vst.idx.msk $0xffff, v2  }
0x1db: {  	v3 =	vadd.s32 s31, v0;
	v2 =	vld [tilespmem:s0+$0x0]  }
0x1dc: {  	s1 =	simm.s32 $0x1B8;
	v3 =	vand.u32 $0x7FF8, v3  }
.LBB2_50:
0x1dd: {  	p0 =	sne.s32 s1, $0x3278;
	v3 =	vor.u32 v1, v3;
	_ =	sdelay $0x2  }
0x1de: {  	v4 =	vshll.u32 v2, $0x3;
	v2 =	vadd.s32 $0x270000, v2  }
.Ltmp24:
0x1df: {  	v4 =	vadd.s32 $0x270000, v4;
	(pc) =	sbr.rel @p0 .LBB2_50-.Ltmp24, $4  }
0x1e0: {  	[tilespmem:v3+s9+$0x0] =	vst.idx.msk $0xffff, v4  }
0x1e1: {  	s0 =	sadd.s32 $0x10, s0;
	[tilespmem:v3+s10+$0x0] =	vst.idx.msk $0xffff, v2  }
0x1e2: {  	v3 =	vadd.s32 s1, v0;
	v2 =	vld [tilespmem:s0+$0x0]  }
0x1e3: {  	s1 =	sadd.s32 $0x1A0, s1;
	v3 =	vand.u32 $0x7FF8, v3  }
0x1e4: {  	v3 =	vor.u32 v1, v3;
	_ =	sdelay $0x2  }
0x1e5: {  	v4 =	vshll.u32 v2, $0x3  }
0x1e6: {  	v4 =	vadd.s32 $0x270000, v4  }
0x1e7: {  	v2 =	vadd.s32 $0x270000, v2;
	[tilespmem:v3+s9+$0x0] =	vst.idx.msk $0xffff, v4  }
0x1e8: {  	s0 =	simm.s32 $0x3200;
	[tilespmem:v3+s10+$0x0] =	vst.idx.msk $0xffff, v2  }
0x1e9: {  	v2 =	vld [tilespmem:s0+$0x0]  }
0x1ea: {  	s1 =	simm.s32 $0x19;
	s7 =	simm.s32 $0x1B9  }
.LBB2_52:
0x1eb: {  	p0 =	sne.s32 s7, $0x3279;
	v3 =	vadd.s32 s1, v0;
	s1 =	smov.u32 s7;
	_ =	sdelay $0x2  }
0x1ec: {  	v4 =	vshll.u32 v2, $0x3;
	v2 =	vadd.s32 $0x28A000, v2  }
.Ltmp25:
0x1ed: {  	v4 =	vadd.s32 $0x270001, v4;
	(pc) =	sbr.rel @p0 .LBB2_52-.Ltmp25, $4  }
0x1ee: {  	[tilespmem:v3+s9+$0x0] =	vst.idx.msk $0xffff, v4  }
0x1ef: {  	s0 =	sadd.s32 $0x10, s0;
	[tilespmem:v3+s10+$0x0] =	vst.idx.msk $0xffff, v2  }
0x1f0: {  	v2 =	vld [tilespmem:s0+$0x0]  }
0x1f1: {  	s7 =	sadd.s32 $0x1A0, s7  }
0x1f2: {  	v3 =	vadd.s32 s1, v0;
	_ =	sdelay $0x2  }
0x1f3: {  	v4 =	vshll.u32 v2, $0x3  }
0x1f4: {  	v4 =	vadd.s32 $0x270001, v4  }
0x1f5: {  	v2 =	vadd.s32 $0x28A000, v2;
	[tilespmem:v3+s9+$0x0] =	vst.idx.msk $0xffff, v4  }
0x1f6: {  	s0 =	simm.s32 $0x0;
	s1 =	simm.s32 $0x0;
	[tilespmem:v3+s10+$0x0] =	vst.idx.msk $0xffff, v2;
	v2 =	vimm.f32 $0.0e+00  }
.LBB2_54:
0x1f7: {  	s7 =	sshll.u32 s1, $0xA  }
0x1f8: {  	s31 =	sadd.s32 $0x3400, s7  }
0x1f9: {  	[tilespmem:s12], [sflag:$0x1] =	stream.indirect.gather [hbm4b:s3+s11], $0x10, s31, s11, $0xb8;
	[tilespmem:$0xE010] =	vst v63  }
0x1fa: {  	s31 =	sadd.s32 $0x3480, s7  }
0x1fb: {  	[tilespmem:s13], [sflag:$0x1] =	stream.indirect.gather [hbm4b:s3+s11], $0x10, s31, s11, $0xb8;
	[tilespmem:$0xE010] =	vst v63  }
0x1fc: {  	s31 =	sadd.s32 $0x3500, s7  }
0x1fd: {  	[tilespmem:s14], [sflag:$0x1] =	stream.indirect.gather [hbm4b:s3+s11], $0x10, s31, s11, $0xb8;
	[tilespmem:$0xE010] =	vst v63  }
0x1fe: {  	s31 =	sadd.s32 $0x3580, s7  }
0x1ff: {  	[tilespmem:s15], [sflag:$0x1] =	stream.indirect.gather [hbm4b:s3+s11], $0x10, s31, s11, $0xb8;
	[tilespmem:$0xE010] =	vst v63  }
0x200: {  	s31 =	sadd.s32 $0x3600, s7  }
0x201: {  	[tilespmem:s16], [sflag:$0x1] =	stream.indirect.gather [hbm4b:s3+s11], $0x10, s31, s11, $0xb8;
	[tilespmem:$0xE010] =	vst v63  }
0x202: {  	s31 =	sadd.s32 $0x3680, s7  }
0x203: {  	[tilespmem:s17], [sflag:$0x1] =	stream.indirect.gather [hbm4b:s3+s11], $0x10, s31, s11, $0xb8;
	[tilespmem:$0xE010] =	vst v63  }
0x204: {  	s31 =	sadd.s32 $0x3700, s7  }
0x205: {  	[tilespmem:s18], [sflag:$0x1] =	stream.indirect.gather [hbm4b:s3+s11], $0x10, s31, s11, $0xb8;
	[tilespmem:$0xE010] =	vst v63  }
0x206: {  	s31 =	sadd.s32 $0x3780, s7  }
0x207: {  	[tilespmem:s19], [sflag:$0x1] =	stream.indirect.gather [hbm4b:s3+s11], $0x10, s31, s11, $0xb8;
	[tilespmem:$0xE010] =	vst v63  }
0x208: {  	s31 =	sadd.s32 $0x6800, s7  }
0x209: {  	[tilespmem:s20], [sflag:$0x2] =	stream.indirect.gather [hbm4b:s4+s11], $0x1, s31, s11, $0xb8;
	[tilespmem:$0xE010] =	vst v63  }
0x20a: {  	s31 =	sadd.s32 $0x6880, s7  }
0x20b: {  	[tilespmem:s21], [sflag:$0x2] =	stream.indirect.gather [hbm4b:s4+s11], $0x1, s31, s11, $0xb8;
	[tilespmem:$0xE010] =	vst v63  }
0x20c: {  	s31 =	sadd.s32 $0x6900, s7  }
0x20d: {  	[tilespmem:s22], [sflag:$0x2] =	stream.indirect.gather [hbm4b:s4+s11], $0x1, s31, s11, $0xb8;
	[tilespmem:$0xE010] =	vst v63  }
0x20e: {  	s31 =	sadd.s32 $0x6980, s7  }
0x20f: {  	[tilespmem:s23], [sflag:$0x2] =	stream.indirect.gather [hbm4b:s4+s11], $0x1, s31, s11, $0xb8;
	[tilespmem:$0xE010] =	vst v63  }
0x210: {  	s31 =	sadd.s32 $0x6A00, s7  }
0x211: {  	[tilespmem:s24], [sflag:$0x2] =	stream.indirect.gather [hbm4b:s4+s11], $0x1, s31, s11, $0xb8;
	[tilespmem:$0xE010] =	vst v63  }
0x212: {  	s31 =	sadd.s32 $0x6A80, s7  }
0x213: {  	[tilespmem:s25], [sflag:$0x2] =	stream.indirect.gather [hbm4b:s4+s11], $0x1, s31, s11, $0xb8;
	[tilespmem:$0xE010] =	vst v63  }
0x214: {  	s31 =	sadd.s32 $0x6B00, s7  }
0x215: {  	[tilespmem:s26], [sflag:$0x2] =	stream.indirect.gather [hbm4b:s4+s11], $0x1, s31, s11, $0xb8;
	[tilespmem:$0xE010] =	vst v63  }
0x216: {  	s31 =	sadd.s32 $0x6B80, s7  }
0x217: {  	[tilespmem:s28], [sflag:$0x2] =	stream.indirect.gather [hbm4b:s4+s11], $0x1, s31, s11, $0xb8;
	[tilespmem:$0xE010] =	vst v63  }
0x218: {  	_ =	swait.ge [sflag:s29], $0x800  }
0x219: {  	[sflag:s29] =	ssyncset.done $0x0  }
0x21a: {  	[sflag:s29] =	ssyncadd.s32 $0xFFFFF800  }
0x21b: {  	_ =	swait.ge [sflag:s29], $0x800  }
0x21c: {  	[sflag:s29] =	ssyncset.done $0x0  }
0x21d: {  	[sflag:s29] =	ssyncadd.s32 $0xFFFFF800  }
0x21e: {  	_ =	swait.ge [sflag:s29], $0x800  }
0x21f: {  	[sflag:s29] =	ssyncset.done $0x0  }
0x220: {  	[sflag:s29] =	ssyncadd.s32 $0xFFFFF800  }
0x221: {  	_ =	swait.ge [sflag:s29], $0x800  }
0x222: {  	[sflag:s29] =	ssyncset.done $0x0  }
0x223: {  	[sflag:s29] =	ssyncadd.s32 $0xFFFFF800  }
0x224: {  	_ =	swait.ge [sflag:s29], $0x800  }
0x225: {  	[sflag:s29] =	ssyncset.done $0x0  }
0x226: {  	[sflag:s29] =	ssyncadd.s32 $0xFFFFF800  }
0x227: {  	_ =	swait.ge [sflag:s29], $0x800  }
0x228: {  	[sflag:s29] =	ssyncset.done $0x0  }
0x229: {  	[sflag:s29] =	ssyncadd.s32 $0xFFFFF800  }
0x22a: {  	_ =	swait.ge [sflag:s29], $0x800  }
0x22b: {  	[sflag:s29] =	ssyncset.done $0x0  }
0x22c: {  	[sflag:s29] =	ssyncadd.s32 $0xFFFFF800  }
0x22d: {  	_ =	swait.ge [sflag:s29], $0x800  }
0x22e: {  	[sflag:s29] =	ssyncset.done $0x0  }
0x22f: {  	[sflag:s29] =	ssyncadd.s32 $0xFFFFF800  }
0x230: {  	_ =	swait.ge [sflag:s30], $0x80  }
0x231: {  	[sflag:s30] =	ssyncset.done $0x0  }
0x232: {  	[sflag:s30] =	ssyncadd.s32 $0xFFFFFF80  }
0x233: {  	_ =	swait.ge [sflag:s30], $0x80  }
0x234: {  	[sflag:s30] =	ssyncset.done $0x0  }
0x235: {  	[sflag:s30] =	ssyncadd.s32 $0xFFFFFF80  }
0x236: {  	_ =	swait.ge [sflag:s30], $0x80  }
0x237: {  	[sflag:s30] =	ssyncset.done $0x0  }
0x238: {  	[sflag:s30] =	ssyncadd.s32 $0xFFFFFF80  }
0x239: {  	_ =	swait.ge [sflag:s30], $0x80  }
0x23a: {  	[sflag:s30] =	ssyncset.done $0x0  }
0x23b: {  	[sflag:s30] =	ssyncadd.s32 $0xFFFFFF80  }
0x23c: {  	_ =	swait.ge [sflag:s30], $0x80  }
0x23d: {  	[sflag:s30] =	ssyncset.done $0x0  }
0x23e: {  	[sflag:s30] =	ssyncadd.s32 $0xFFFFFF80  }
0x23f: {  	_ =	swait.ge [sflag:s30], $0x80  }
0x240: {  	[sflag:s30] =	ssyncset.done $0x0  }
0x241: {  	[sflag:s30] =	ssyncadd.s32 $0xFFFFFF80  }
0x242: {  	_ =	swait.ge [sflag:s30], $0x80  }
0x243: {  	[sflag:s30] =	ssyncset.done $0x0  }
0x244: {  	[sflag:s30] =	ssyncadd.s32 $0xFFFFFF80  }
0x245: {  	s7 =	sadd.s32 s6, s7;
	_ =	swait.ge [sflag:s30], $0x80  }
0x246: {  	s7 =	sshll.u32 s7, $0x1;
	[sflag:s30] =	ssyncset.done $0x0  }
0x247: {  	s7 =	sadd.s32 s5, s7;
	[sflag:s30] =	ssyncadd.s32 $0xFFFFFF80  }
0x248: {  	[hbm4b:s7+s0] =	stream.linear.scatter [tilespmem:s12], [sflag:$0x3], $0x4000, $0x38;
	[tilespmem:$0xE010] =	vst v63  }
0x249: {  	_ =	swait.ge [sflag:s8], $0x4000  }
0x24a: {  	[sflag:s8] =	ssyncset.done $0x0  }
0x24b: {  	s31 =	simm.s32 $0x0;
	[sflag:s8] =	ssyncadd.s32 $0xFFFFC000  }
0x24c: {  	s7 =	simm.s32 $0x40;
	v3 =	vld [tilespmem:s31+$0xDC00]  }
.LBB2_55:
0x24d: {  	p0 =	sne.s32 s7, $0xFC0  }
.Ltmp26:
0x24e: {  	_ = 	snop;
	(pc) =	sbr.rel @p0 .LBB2_55-.Ltmp26, $3  }
0x24f: {  	_ =	sdelay $0x1  }
0x250: {  	s31 =	sshra.s32 s7, $0x2;
	s7 =	sadd.s32 $0x40, s7;
	v2 =	vadd.f32 v3, v2  }
0x251: {  	v3 =	vld [tilespmem:s31+$0xDC00]  }
0x252: {  	s1 =	sadd.s32 $0x1, s1  }
0x253: {  	p0 =	sne.s32 s1, $0xD  }
.Ltmp27:
0x254: {  	_ = 	snop;
	(pc) =	sbr.rel @p0 .LBB2_54-.Ltmp27, $2  }
0x255: {  	_ =	sdelay $0x2  }
0x256: {  	v2 =	vadd.f32 v3, v2  }
0x257: {  	_ = 	snop  }
0x258: {  	s0 =	rddreg [dreg:$0x12];
	s1 =	simm.s32 $0xE000;
	[tilespmem:$0xE000] =	vst v2  }
0x259: {  	[hbm4b:s0+s2] =	stream.linear.scatter [tilespmem:s1], [sflag:$0x3], $0x10, $0x38;
	[tilespmem:$0xE010] =	vst v63  }
0x25a: {  	_ =	swait.ge [sflag:s8], $0x10  }
0x25b: {  	s7 =	rddreg [dreg:$0x1f]  }
0x25c: {  	s31 =	rddreg [dreg:$0x1e];
	s1 =	sadd.s32 $0x1, s7  }
0x25d: {  	p0 =	sne.s32 s1, s31  }
.Ltmp28:
0x25e: {  	_ = 	snop;
	(pc) =	sbr.rel @p0 .LBB2_1-.Ltmp28, $3  }
0x25f: {  	_ =	sdelay $0x1  }
0x260: {  	[sflag:s8] =	ssyncset.done $0x0  }
0x261: {  	[sflag:s8] =	ssyncadd.s32 $0xFFFFFFF0  }
0x262: {  	_ =	sfence.sel $0x180000  }
0x263: {  	[bflag:$0x0] =	sbarrier.arrive $0xFFFF  }
0x264: {  	_ =	strace $0x90000047  }
0x265: {  	s0 =	stileid.u32;
	[bflag:$0x2] =	sbarrier.arrive $0xFFFF  }
0x266: {  	p0 =	sne.s32 s0, $0x0;
	s0 =	rddreg [dreg:$0x2]  }
0x267: {  	s0 =	sadd.s32 @!p0 $0x100000, s0  }
0x268: {  	[sflag:s0] =	ssyncadd.tile.s32 @!p0 $0x1;
	_ =	shalt  }
.Lfunc_end2:
_tile_overlayer_lowered:
.L_overlay_start_2:
0x269: {  	(tag) =	ssettag $0x2  }
0x26a: {  	s0 =	rddreg [dreg:$0x0];
	s2 =	stileid.u32  }
0x26b: {  	s1 =	rddreg [dreg:$0x1];
	p0 =	sne.s32 s2, $0x0  }
0x26c: {  	s3 =	rddreg [dreg:$0x2];
	[bflag:$0x3] =	sbarrier.arrive $0xFFFF;
	s2 =	simm.s32 @!p0 $0x1C03  }
0x26d: {  	[timem:s3], [sflag:s2] =	dma.local @!p0 [hbm:s0], s1  }
0x26e: {  	s0 =	simm.s32 @!p0 $0x3  }
0x26f: {  	_ =	swait.ge @!p0 [sflag:s0], s1  }
0x270: {  	s1 =	ssub.s32 @!p0 $0x0, s1;
	[sflag:s0] =	ssyncset.done @!p0 $0x0  }
0x271: {  	[sflag:s0] =	ssyncadd.s32 @!p0 s1  }
0x272: {  	[bflag:$0x3] =	sbarrier.arrive $0xFFFF  }
0x273: {  	_ =	shalt  }

</sc_bundles>
